<compile_context>
chip_gen: v7x
topology: tpu7x:2x2x1
jax: 0.10.2.dev20260603
libtpu: 0.0.44.dev20260713+nightly
codegen_flags: <defaults>
</compile_context>

<pallas_src>
import jax
import jax.numpy as jnp
from jax import lax
from jax.experimental import pallas as pl
from jax.experimental.pallas import tpu as pltpu

_L, _W, _F, _H, _E, _B, _S = 16, 256, 512, 8, 12, 4, 192
_HW = _W // _H
_T = _B * _S


def _dot(a, b):
    return lax.dot_general(a, b, (((1,), (0,)), ((), ())),
                           preferred_element_type=jnp.float32)


def _experts_body(norm_ref, W1_ref, b1_ref, WG_ref, bG_ref, W2_ref, b2_ref,
                  out_ref):
    e = pl.program_id(0)
    nrm = norm_ref[...]
    h1 = _dot(nrm, W1_ref[0]) + b1_ref[0]
    hg = _dot(nrm, WG_ref[0]) + bG_ref[0]
    hh = h1 * (1.0 / (1.0 + jnp.exp(-h1))) * hg
    o = _dot(hh, W2_ref[0]) + b2_ref[0]
    out_ref[:, pl.ds(e, 1), :] = o[:, None, :]


def _experts(norm, W1, b1, WG, bG, W2, b2):
    return pl.pallas_call(
        _experts_body,
        grid=(_E,),
        in_specs=[
            pl.BlockSpec((_T, _W), lambda e: (0, 0)),
            pl.BlockSpec((1, _W, _F), lambda e: (e, 0, 0)),
            pl.BlockSpec((1, 1, _F), lambda e: (e, 0, 0)),
            pl.BlockSpec((1, _W, _F), lambda e: (e, 0, 0)),
            pl.BlockSpec((1, 1, _F), lambda e: (e, 0, 0)),
            pl.BlockSpec((1, _F, _W), lambda e: (e, 0, 0)),
            pl.BlockSpec((1, 1, _W), lambda e: (e, 0, 0)),
        ],
        out_specs=pl.BlockSpec((_T, _E, _W), lambda e: (0, 0, 0)),
        out_shape=jax.ShapeDtypeStruct((_T, _E, _W), jnp.float32),
        compiler_params=pltpu.CompilerParams(
            dimension_semantics=("arbitrary",)),
    )(norm, W1, b1, WG, bG, W2, b2)


def _layernorm(x, s, b):
    mu = jnp.mean(x, axis=-1, keepdims=True)
    var = jnp.mean((x - mu) ** 2, axis=-1, keepdims=True)
    return (x - mu) / jnp.sqrt(var + 1e-5) * s + b


def kernel(X, emb, Wq, bq, Wk, bk, Wv, bv, ln1_s, ln1_b, ln2_s, ln2_b,
           gate_W, gate_b, ff1_W, ff1_b, ffG_W, ffG_b, ff2_W, ff2_b):
    x = jnp.take(emb, X[0], axis=0)
    b, s = x.shape[0], x.shape[1]
    ff1_b2 = ff1_b.reshape(_L, _E, 1, _F)
    ffG_b2 = ffG_b.reshape(_L, _E, 1, _F)
    ff2_b2 = ff2_b.reshape(_L, _E, 1, _W)
    mask = jnp.triu(jnp.full((s, s), -jnp.inf, dtype=jnp.float32), 1)
    for l in range(_L):
        Qo = (x @ Wq[l] + bq[l]).reshape(b, s, _H, _HW)
        Ko = (x @ Wk[l] + bk[l]).reshape(b, s, _H, _HW)
        Vo = (x @ Wv[l] + bv[l]).reshape(b, s, _H, _HW)
        att = jnp.einsum('bshw,bShw->bhsS', Qo, Ko) + mask
        att = jax.nn.softmax(att, axis=-1)
        qkv = jnp.einsum('bhsS,bShw->bshw', att, Vo).reshape(b, s, _W)
        norm = _layernorm(qkv + x, ln1_s[l], ln1_b[l])
        gate = jax.nn.softmax(norm @ gate_W[l] + gate_b[l], axis=-1)
        _, top_idx = jax.lax.top_k(gate, 2)
        exp_out = _experts(norm.reshape(_T, _W), ff1_W[l], ff1_b2[l],
                           ffG_W[l], ffG_b2[l], ff2_W[l],
                           ff2_b2[l]).reshape(b, s, _E, _W)
        sel = jnp.take_along_axis(exp_out, top_idx[..., None], axis=2)
        moe = sel.sum(axis=2)
        x = _layernorm(moe + norm, ln2_s[l], ln2_b[l])
    return x

# --- scband reference (transcript-rebuilt; emitter-appended) ---
"""Pipeline reference for scband-transformer-mo-e-49701361549374 (READ-ONLY COPY).

The authoritative reference and input builder live on the scoring server;
editing this copy changes nothing except your own understanding.
"""

import jax, jax.numpy as jnp
import numpy as np

L = 16; W = 256; F = 512; H = 8; E = 12; V = 52000; B = 4; S = 192

def _layernorm(x, s, b):
    mu = jnp.mean(x, axis=-1, keepdims=True)
    var = jnp.mean((x - mu) ** 2, axis=-1, keepdims=True)
    return (x - mu) / jnp.sqrt(var + 1e-5) * s + b

def setup_inputs(seed: int = 0) -> dict:
    key = jax.random.key(seed)
    ks = jax.random.split(key, 16)
    def sc(k, shape, fan):
        return jax.random.normal(k, shape, dtype=jnp.float32) / np.sqrt(fan)
    d = {}
    d["X"] = jax.random.randint(ks[0], (1, B, S), 0, V)
    d["emb"] = sc(ks[1], (V, W), W)
    d["Wq"] = sc(ks[2], (L, W, W), W); d["bq"] = jnp.zeros((L, W), jnp.float32)
    d["Wk"] = sc(ks[3], (L, W, W), W); d["bk"] = jnp.zeros((L, W), jnp.float32)
    d["Wv"] = sc(ks[4], (L, W, W), W); d["bv"] = jnp.zeros((L, W), jnp.float32)
    d["ln1_s"] = jnp.ones((L, W), jnp.float32); d["ln1_b"] = jnp.zeros((L, W), jnp.float32)
    d["ln2_s"] = jnp.ones((L, W), jnp.float32); d["ln2_b"] = jnp.zeros((L, W), jnp.float32)
    d["gate_W"] = sc(ks[5], (L, W, E), W); d["gate_b"] = jnp.zeros((L, E), jnp.float32)
    d["ff1_W"] = sc(ks[6], (L, E, W, F), W); d["ff1_b"] = jnp.zeros((L, E, F), jnp.float32)
    d["ffG_W"] = sc(ks[7], (L, E, W, F), W); d["ffG_b"] = jnp.zeros((L, E, F), jnp.float32)
    d["ff2_W"] = sc(ks[8], (L, E, F, W), F); d["ff2_b"] = jnp.zeros((L, E, W), jnp.float32)
    return d

def reference(X, emb, Wq, bq, Wk, bk, Wv, bv, ln1_s, ln1_b, ln2_s, ln2_b, gate_W, gate_b, ff1_W, ff1_b, ffG_W, ffG_b, ff2_W, ff2_b):
    x = jnp.take(emb, X[0], axis=0)  # [B, S, W]
    b, s = x.shape[0], x.shape[1]
    hw = W // H
    mask = jnp.triu(jnp.full((s, s), -jnp.inf, dtype=jnp.float32), 1)
    for l in range(L):
        Qo = (x @ Wq[l] + bq[l]).reshape(b, s, H, hw)
        Ko = (x @ Wk[l] + bk[l]).reshape(b, s, H, hw)
        Vo = (x @ Wv[l] + bv[l]).reshape(b, s, H, hw)
        att = jnp.einsum('bshw,bShw->bhsS', Qo, Ko) + mask
        att = jax.nn.softmax(att, axis=-1)
        qkv = jnp.einsum('bhsS,bShw->bshw', att, Vo).reshape(b, s, W)
        norm = _layernorm(qkv + x, ln1_s[l], ln1_b[l])
        # MoE: softmax gate -> top-2 expert indices -> sum of the two experts' outputs
        gate = jax.nn.softmax(norm @ gate_W[l] + gate_b[l], axis=-1)
        _, top_idx = jax.lax.top_k(gate, 2)  # [b, s, 2]
        h = jax.nn.silu(jnp.einsum('bsw,ewf->bsef', norm, ff1_W[l]) + ff1_b[l]) * (jnp.einsum('bsw,ewf->bsef', norm, ffG_W[l]) + ffG_b[l])
        exp_out = jnp.einsum('bsef,efw->bsew', h, ff2_W[l]) + ff2_b[l]  # [b, s, E, W]
        sel = jnp.take_along_axis(exp_out, top_idx[..., None], axis=2)  # [b, s, 2, W]
        moe = sel.sum(axis=2)
        x = _layernorm(moe + norm, ln2_s[l], ln2_b[l])
    return x

if __name__ == "__main__":
    import jax
    _d = setup_inputs()
    print(jax.jit(kernel)(*tuple(_d.values())))

</pallas_src>

<mosaic_0001>
module attributes {stable_mosaic.version = 14 : i64} {
  func.func @_experts_body(%arg0: i32, %arg1: memref<768x256xf32, #tpu.memory_space<vmem>>, %arg2: memref<1x256x512xf32, #tpu.memory_space<vmem>>, %arg3: memref<1x1x512xf32, #tpu.memory_space<vmem>>, %arg4: memref<1x256x512xf32, #tpu.memory_space<vmem>>, %arg5: memref<1x1x512xf32, #tpu.memory_space<vmem>>, %arg6: memref<1x512x256xf32, #tpu.memory_space<vmem>>, %arg7: memref<1x1x256xf32, #tpu.memory_space<vmem>>, %arg8: memref<768x12x256xf32, #tpu.memory_space<vmem>>) attributes {dimension_semantics = [#tpu.dimension_semantics<arbitrary>], iteration_bounds = array<i64: 12>, scalar_prefetch = 0 : i64, scratch_operands = 0 : i64, tpu.core_type = #tpu.core_type<tc>, window_params = [{pipeline_mode = #tpu.pipeline_mode<synchronous>, transform_indices = @transform_0, window_bounds = array<i64: 768, 256>}, {transform_indices = @transform_1, window_bounds = array<i64: 1, 256, 512>}, {transform_indices = @transform_2, window_bounds = array<i64: 1, 1, 512>}, {transform_indices = @transform_3, window_bounds = array<i64: 1, 256, 512>}, {transform_indices = @transform_4, window_bounds = array<i64: 1, 1, 512>}, {transform_indices = @transform_5, window_bounds = array<i64: 1, 512, 256>}, {transform_indices = @transform_6, window_bounds = array<i64: 1, 1, 256>}, {pipeline_mode = #tpu.pipeline_mode<synchronous>, transform_indices = @transform_7, window_bounds = array<i64: 768, 12, 256>}]} {
    %get3A = arith.constant 0 : index
    %get3A_0 = arith.constant 0 : index
    %get3A_1 = vector.load %arg1[%get3A, %get3A_0] : memref<768x256xf32, #tpu.memory_space<vmem>>, vector<768x256xf32>
    %get3A_2 = arith.constant 0 : index
    %get3A_3 = arith.constant 0 : index
    %get3A_4 = arith.constant 0 : index
    %get3A_5 = vector.load %arg2[%get3A_2, %get3A_3, %get3A_4] : memref<1x256x512xf32, #tpu.memory_space<vmem>>, vector<1x256x512xf32>
    %get3A_6 = vector.shape_cast %get3A_5 : vector<1x256x512xf32> to vector<256x512xf32>
    %dot_general3A = arith.constant dense<0.000000e+00> : vector<768x512xf32>
    %dot_general3A_7 = tpu.matmul %get3A_1, %get3A_6, %dot_general3A {dimension_numbers = #tpu.dot_dimension_numbers<[1], [0], [0], [1], [0, 0, 1, 1], [], []>, transpose_lhs_hint = false} : vector<768x256xf32>, vector<256x512xf32>, vector<768x512xf32> -> vector<768x512xf32>
    %get3A_8 = arith.constant 0 : index
    %get3A_9 = arith.constant 0 : index
    %get3A_10 = arith.constant 0 : index
    %get3A_11 = vector.load %arg3[%get3A_8, %get3A_9, %get3A_10] : memref<1x1x512xf32, #tpu.memory_space<vmem>>, vector<1x1x512xf32>
    %get3A_12 = vector.shape_cast %get3A_11 : vector<1x1x512xf32> to vector<1x512xf32>
    %add3A = vector.broadcast %get3A_12 : vector<1x512xf32> to vector<768x512xf32>
    %add3A_13 = arith.addf %dot_general3A_7, %add3A : vector<768x512xf32>
    %get3A_14 = arith.constant 0 : index
    %get3A_15 = arith.constant 0 : index
    %get3A_16 = arith.constant 0 : index
    %get3A_17 = vector.load %arg4[%get3A_14, %get3A_15, %get3A_16] : memref<1x256x512xf32, #tpu.memory_space<vmem>>, vector<1x256x512xf32>
    %get3A_18 = vector.shape_cast %get3A_17 : vector<1x256x512xf32> to vector<256x512xf32>
    %dot_general3A_19 = arith.constant dense<0.000000e+00> : vector<768x512xf32>
    %dot_general3A_20 = tpu.matmul %get3A_1, %get3A_18, %dot_general3A_19 {dimension_numbers = #tpu.dot_dimension_numbers<[1], [0], [0], [1], [0, 0, 1, 1], [], []>, transpose_lhs_hint = false} : vector<768x256xf32>, vector<256x512xf32>, vector<768x512xf32> -> vector<768x512xf32>
    %get3A_21 = arith.constant 0 : index
    %get3A_22 = arith.constant 0 : index
    %get3A_23 = arith.constant 0 : index
    %get3A_24 = vector.load %arg5[%get3A_21, %get3A_22, %get3A_23] : memref<1x1x512xf32, #tpu.memory_space<vmem>>, vector<1x1x512xf32>
    %get3A_25 = vector.shape_cast %get3A_24 : vector<1x1x512xf32> to vector<1x512xf32>
    %add3A_26 = vector.broadcast %get3A_25 : vector<1x512xf32> to vector<768x512xf32>
    %add3A_27 = arith.addf %dot_general3A_20, %add3A_26 : vector<768x512xf32>
    %neg3A = arith.constant 0.000000e+00 : f32
    %neg3A_28 = vector.broadcast %neg3A : f32 to vector<768x512xf32>
    %neg3A_29 = arith.subf %neg3A_28, %add3A_13 : vector<768x512xf32>
    %exp3A = math.exp %neg3A_29 : vector<768x512xf32>
    %add3A_30 = arith.constant 1.000000e+00 : f32
    %add3A_31 = vector.broadcast %add3A_30 : f32 to vector<768x512xf32>
    %add3A_32 = arith.addf %add3A_31, %exp3A : vector<768x512xf32>
    %div3A = arith.constant 1.000000e+00 : f32
    %div3A_33 = vector.broadcast %div3A : f32 to vector<768x512xf32>
    %div3A_34 = arith.divf %div3A_33, %add3A_32 : vector<768x512xf32>
    %mul3A = arith.mulf %add3A_13, %div3A_34 : vector<768x512xf32>
    %mul3A_35 = arith.mulf %mul3A, %add3A_27 : vector<768x512xf32>
    %get3A_36 = arith.constant 0 : index
    %get3A_37 = arith.constant 0 : index
    %get3A_38 = arith.constant 0 : index
    %get3A_39 = vector.load %arg6[%get3A_36, %get3A_37, %get3A_38] : memref<1x512x256xf32, #tpu.memory_space<vmem>>, vector<1x512x256xf32>
    %get3A_40 = vector.shape_cast %get3A_39 : vector<1x512x256xf32> to vector<512x256xf32>
    %dot_general3A_41 = arith.constant dense<0.000000e+00> : vector<768x256xf32>
    %dot_general3A_42 = tpu.matmul %mul3A_35, %get3A_40, %dot_general3A_41 {dimension_numbers = #tpu.dot_dimension_numbers<[1], [0], [0], [1], [0, 0, 1, 1], [], []>, transpose_lhs_hint = false} : vector<768x512xf32>, vector<512x256xf32>, vector<768x256xf32> -> vector<768x256xf32>
    %get3A_43 = arith.constant 0 : index
    %get3A_44 = arith.constant 0 : index
    %get3A_45 = arith.constant 0 : index
    %get3A_46 = vector.load %arg7[%get3A_43, %get3A_44, %get3A_45] : memref<1x1x256xf32, #tpu.memory_space<vmem>>, vector<1x1x256xf32>
    %get3A_47 = vector.shape_cast %get3A_46 : vector<1x1x256xf32> to vector<1x256xf32>
    %add3A_48 = vector.broadcast %get3A_47 : vector<1x256xf32> to vector<768x256xf32>
    %add3A_49 = arith.addf %dot_general3A_42, %add3A_48 : vector<768x256xf32>
    %broadcast_in_dim3A = vector.shape_cast %add3A_49 : vector<768x256xf32> to vector<768x1x256xf32>
    %swap3A = arith.constant 0 : index
    %swap3A_50 = arith.index_cast %arg0 : i32 to index
    %swap3A_51 = arith.constant 0 : index
    %swap3A_52 = vector.load %arg8[%swap3A, %swap3A_50, %swap3A_51] : memref<768x12x256xf32, #tpu.memory_space<vmem>>, vector<768x1x256xf32>
    tpu.vector_store %arg8[%swap3A, %swap3A_50, %swap3A_51], %broadcast_in_dim3A {strides = array<i32>} : memref<768x12x256xf32, #tpu.memory_space<vmem>>, vector<768x1x256xf32>,
    return
  }
  func.func @transform_0(%arg0: i32) -> (i32, i32) {
    %c0_i32 = arith.constant 0 : i32
    %c0_i32_0 = arith.constant 0 : i32
    %c0_i32_1 = arith.constant 0 : i32
    return %c0_i32, %c0_i32_0 : i32, i32
  }
  func.func @transform_1(%arg0: i32) -> (i32, i32, i32) {
    %c0_i32 = arith.constant 0 : i32
    %c0_i32_0 = arith.constant 0 : i32
    %c0_i32_1 = arith.constant 0 : i32
    return %arg0, %c0_i32, %c0_i32_0 : i32, i32, i32
  }
  func.func @transform_2(%arg0: i32) -> (i32, i32, i32) {
    %c0_i32 = arith.constant 0 : i32
    %c0_i32_0 = arith.constant 0 : i32
    %c0_i32_1 = arith.constant 0 : i32
    return %arg0, %c0_i32, %c0_i32_0 : i32, i32, i32
  }
  func.func @transform_3(%arg0: i32) -> (i32, i32, i32) {
    %c0_i32 = arith.constant 0 : i32
    %c0_i32_0 = arith.constant 0 : i32
    %c0_i32_1 = arith.constant 0 : i32
    return %arg0, %c0_i32, %c0_i32_0 : i32, i32, i32
  }
  func.func @transform_4(%arg0: i32) -> (i32, i32, i32) {
    %c0_i32 = arith.constant 0 : i32
    %c0_i32_0 = arith.constant 0 : i32
    %c0_i32_1 = arith.constant 0 : i32
    return %arg0, %c0_i32, %c0_i32_0 : i32, i32, i32
  }
  func.func @transform_5(%arg0: i32) -> (i32, i32, i32) {
    %c0_i32 = arith.constant 0 : i32
    %c0_i32_0 = arith.constant 0 : i32
    %c0_i32_1 = arith.constant 0 : i32
    return %arg0, %c0_i32, %c0_i32_0 : i32, i32, i32
  }
  func.func @transform_6(%arg0: i32) -> (i32, i32, i32) {
    %c0_i32 = arith.constant 0 : i32
    %c0_i32_0 = arith.constant 0 : i32
    %c0_i32_1 = arith.constant 0 : i32
    return %arg0, %c0_i32, %c0_i32_0 : i32, i32, i32
  }
  func.func @transform_7(%arg0: i32) -> (i32, i32, i32) {
    %c0_i32 = arith.constant 0 : i32
    %c0_i32_0 = arith.constant 0 : i32
    %c0_i32_1 = arith.constant 0 : i32
    %c0_i32_2 = arith.constant 0 : i32
    return %c0_i32, %c0_i32_0, %c0_i32_1 : i32, i32, i32
  }
}

</mosaic_0001>

<sc_bundles>
// kernel: gather_offload_async_start.10
scs
__scs_entry_jumppad:
0x0: {  	(pc) =	sbr.rel $0x88, $3  }
0x1: {  	(tag) =	ssettag $0x0;
	lr =	simm.s32 $0x1  }
0x2: {  	[smem:$0x3F8D] =	sst lr;
	_ =	strace $0xD0000000  }
0x3: {  	_ = 	snop  }
0x4: {  	_ = 	snop  }
0x5: {  	_ = 	snop  }
0x6: {  	_ = 	snop  }
0x7: {  	_ = 	snop  }
__scs_overlays_trampoline_lowered:
0x8: {  	[smem:$0x3F9C] =	sst s0  }
0x9: {  	[smem:$0x3F9D] =	sst s1  }
0xa: {  	[smem:$0x3F9E] =	sst s2  }
0xb: {  	[smem:$0x3F9F] =	sst s3  }
0xc: {  	[smem:$0x3FA0] =	sst s4  }
0xd: {  	[smem:$0x3FA1] =	sst s5  }
0xe: {  	[smem:$0x3FA2] =	sst s6  }
0xf: {  	[smem:$0x3FA3] =	sst s7  }
0x10: {  	[smem:$0x3FA4] =	sst s8  }
0x11: {  	[smem:$0x3FA5] =	sst s9;
	s0 =	simm.s32 @!p0 $0x0  }
0x12: {  	s1 =	sld [smem:$0x3F8B];
	s0 =	simm.s32 @p0 $0x1  }
0x13: {  	[smem:$0x3FA6] =	sst s0;
	s0 =	simm.s32 @!p1 $0x0  }
0x14: {  	s2 =	sld [smem:$0x3F8A];
	s0 =	simm.s32 @p1 $0x1  }
0x15: {  	[smem:$0x3FA7] =	sst s0;
	s0 =	simm.s32 @!p2 $0x0  }
0x16: {  	s3 =	sld [smem:$0x3FDB];
	s0 =	simm.s32 @p2 $0x1  }
0x17: {  	s4 =	simm.s32 $0x1BF5;
	[smem:$0x3FA9] =	sst s0  }
0x18: {  	s0 =	sld [smem:$0x3F8C];
	_ =	swait.ge [sflag:s4], $0x0  }
0x19: {  	s7 =	sld [smem:$0x3F8D]  }
0x1a: {  	s8 =	sadd.s32 $0xFFFFE003, lr  }
0x1b: {  	s9 =	sadd.s32 $0xFFFFFEF7, lr;
	s5 =	simm.s32 $0xFFFFFFFF;
	p2 =	slt.u32 s8, $0xFFFFF086  }
0x1c: {  	p1 =	slt.u32 s9, $0xF7A;
	s5 =	simm.s32 @!p2 $0x0  }
0x1d: {  	s5 =	simm.s32 @p1 $0x1;
	p0 =	seq.s32 s7, s2  }
0x1e: {  	s7 =	smul.u32 @!p0 $0xF7A, s2;
	p2 =	seq.s32 @!p0 s5, $0x0  }
0x1f: {  	s9 =	smul.u32 $0xF7A, s1;
	s8 =	simm.s32 @!p0 $0x1BF5;
	p2 =	por !p2, p0  }
0x20: {  	[sflag:s8] =	ssyncset.s32 @!p0 $0xFFFFF086;
	s6 =	sadd.s32 @!p0 s3, s7;
	s7 =	simm.s32 @!p0 $0x108  }
0x21: {  	s3 =	sadd.s32 s3, s9;
	s6 =	sadd.s32 @!p0 $0x88, s6;
	s7 =	simm.s32 @p2 $0x1082  }
0x22: {  	[simem:s7], [sflag:s8] =	dma.local @!p0 [hbm:s6], $0xF7A  }
0x23: {  	s9 =	sor.u32 $0xD0000000, s2;
	s6 =	simm.s32 $0x108;
	_ =	swait.ge @!p0 [sflag:s8], $0x0  }
0x24: {  	s3 =	sadd.s32 $0x88, s3;
	s6 =	simm.s32 @!p1 $0x1082;
	[sflag:s4] =	ssyncset.s32 $0xFFFFF086  }
0x25: {  	[simem:s6], [sflag:s4] =	dma.local [hbm:s3], $0xF7A  }
0x26: {  	[smem:$0x3F8D] =	sst s1;
	(tag) =	ssettag s2;
	_ =	strace s9  }
0x27: {  	s1 =	sld [smem:$0x3F9D]  }
0x28: {  	s2 =	sld [smem:$0x3F9E]  }
0x29: {  	s4 =	sld [smem:$0x3FA0]  }
0x2a: {  	p0 =	seq.s32 s5, $0x0;
	s5 =	sld [smem:$0x3FA1]  }
0x2b: {  	s6 =	sld [smem:$0x3FA2]  }
0x2c: {  	s7 =	sld [smem:$0x3FA3]  }
0x2d: {  	s3 =	simm.s32 $0x108;
	s8 =	sld [smem:$0x3FA4]  }
0x2e: {  	s3 =	simm.s32 @!p0 $0x1082;
	s9 =	sld [smem:$0x3FA5]  }
0x2f: {  	lr =	sadd.s32 s0, s3;
	s0 =	sld [smem:$0x3F9C]  }
0x30: {  	s3 =	sld [smem:$0x3F9F]  }
0x31: {  	[smem:$0x3FA8] =	sst s10  }
0x32: {  	s10 =	sld [smem:$0x3FA6];
	_ =	sdelay $0x3  }
0x33: {  	p0 =	seq.s32 s10, $0x1;
	s10 =	sld [smem:$0x3FA8];
	_ =	sdelay $0x3  }
0x34: {  	[smem:$0x3FA8] =	sst s10  }
0x35: {  	s10 =	sld [smem:$0x3FA7];
	_ =	sdelay $0x3  }
0x36: {  	p1 =	seq.s32 s10, $0x1;
	s10 =	sld [smem:$0x3FA8];
	_ =	sdelay $0x3  }
0x37: {  	[smem:$0x3FA8] =	sst s10  }
0x38: {  	s10 =	sld [smem:$0x3FA9]  }
0x39: {  	_ = 	snop;
	(pc) =	sbr.ind lr, $3  }
0x3a: {  	_ = 	snop  }
0x3b: {  	_ = 	snop  }
0x3c: {  	p2 =	seq.s32 s10, $0x1;
	s10 =	sld [smem:$0x3FA8]  }
0x3d: {  	_ =	shalt  }
0x3e: {  	_ =	shalt  }
0x3f: {  	_ =	shalt  }
0x40: {  	_ =	shalt  }
0x41: {  	_ =	shalt  }
0x42: {  	_ =	shalt  }
0x43: {  	_ =	shalt  }
0x44: {  	_ =	shalt  }
0x45: {  	_ =	shalt  }
0x46: {  	_ =	shalt  }
0x47: {  	_ =	shalt  }
0x48: {  	_ =	shalt  }
0x49: {  	_ =	shalt  }
0x4a: {  	_ =	shalt  }
0x4b: {  	_ =	shalt  }
0x4c: {  	_ =	shalt  }
0x4d: {  	_ =	shalt  }
0x4e: {  	_ =	shalt  }
0x4f: {  	_ =	shalt  }
0x50: {  	_ =	shalt  }
0x51: {  	_ =	shalt  }
0x52: {  	_ =	shalt  }
0x53: {  	_ =	shalt  }
0x54: {  	_ =	shalt  }
0x55: {  	_ =	shalt  }
0x56: {  	_ =	shalt  }
0x57: {  	_ =	shalt  }
0x58: {  	_ =	shalt  }
0x59: {  	_ =	shalt  }
0x5a: {  	_ =	shalt  }
0x5b: {  	_ =	shalt  }
0x5c: {  	_ =	shalt  }
0x5d: {  	_ =	shalt  }
0x5e: {  	_ =	shalt  }
0x5f: {  	_ =	shalt  }
0x60: {  	_ =	shalt  }
0x61: {  	_ =	shalt  }
0x62: {  	_ =	shalt  }
0x63: {  	_ =	shalt  }
0x64: {  	_ =	shalt  }
0x65: {  	_ =	shalt  }
0x66: {  	_ =	shalt  }
0x67: {  	_ =	shalt  }
0x68: {  	_ =	shalt  }
0x69: {  	_ =	shalt  }
0x6a: {  	_ =	shalt  }
0x6b: {  	_ =	shalt  }
0x6c: {  	_ =	shalt  }
0x6d: {  	_ =	shalt  }
0x6e: {  	_ =	shalt  }
0x6f: {  	_ =	shalt  }
0x70: {  	_ =	shalt  }
0x71: {  	_ =	shalt  }
0x72: {  	_ =	shalt  }
0x73: {  	_ =	shalt  }
0x74: {  	_ =	shalt  }
0x75: {  	_ =	shalt  }
0x76: {  	_ =	shalt  }
0x77: {  	_ =	shalt  }
0x78: {  	_ =	shalt  }
0x79: {  	_ =	shalt  }
0x7a: {  	_ =	shalt  }
0x7b: {  	_ =	shalt  }
0x7c: {  	_ =	shalt  }
0x7d: {  	_ =	shalt  }
0x7e: {  	_ =	shalt  }
0x7f: {  	_ =	shalt  }
0x80: {  	_ =	shalt  }
0x81: {  	_ =	shalt  }
0x82: {  	_ =	shalt  }
0x83: {  	_ =	shalt  }
0x84: {  	_ =	shalt  }
0x85: {  	_ =	shalt  }
0x86: {  	_ =	shalt  }
0x87: {  	_ =	shalt  }
.Lfunc_end0:
.L_simem_size_0:
called_computation.10_lowered:
.L_overlay_start_0:
0x88: {  	s2 =	sld [smem:$0x3FD9]  }
0x89: {  	s3 =	sld [smem:$0x3FFE];
	_ =	sdelay $0x1  }
0x8a: {  	s1 =	srdreg.scid  }
0x8b: {  	s0 =	sand.u32 $0x1, s1  }
0x8c: {  	s16 =	sshll.u32 s0, $0xA;
	s2 =	sadd.s32 s3, s2  }
0x8d: {  	s2 =	sadd.s32 s2, s16  }
0x8e: {  	[smem:$0x3FB4] =	sst s2  }
0x8f: {  	_ = 	snop  }
0x90: {  	(tm) =	ssettm $0x1  }
0x91: {  	s17 =	sld [smem:$0x3FFB];
	_ =	sdelay $0x3  }
0x92: {  	_ =	strace s17  }
0x93: {  	s2 =	sld [smem:$0x3FFC];
	_ =	sdelay $0x3  }
0x94: {  	_ =	strace s2  }
0x95: {  	s2 =	sld [smem:$0x3FFD];
	_ =	sdelay $0x3  }
0x96: {  	_ =	strace s2  }
0x97: {  	_ =	strace $0x8FFFFFFF  }
0x98: {  	s18 =	sld [smem:$0x3FDB];
	_ =	sdelay $0x1  }
0x99: {  	s19 =	simm.s32 $_scs_section_size  }
0x9a: {  	s4 =	simm.s32 $_size__tile_overlayer_lowered;
	s5 =	simm.s32 $_tile_overlayer_lowered  }
0x9b: {  	s22 =	simm.s32 $0x1BFF;
	s21 =	sshll.u32 s5, $0x1;
	s2 =	sadd.s32 s19, s18  }
0x9c: {  	s6 =	simm.s32 $0x0;
	s20 =	sshll.u32 s4, $0x1;
	s4 =	sadd.s32 s21, s2  }
0x9d: {  	[timem:s6], [sflag:s22] =	dma.local [hbm:s4], s20  }
0x9e: {  	_ =	swait.ge [sflag:s22], s20  }
0x9f: {  	s3 =	ssub.s32 $0x0, s20;
	[sflag:s22] =	ssyncset.done $0x0  }
0xa0: {  	[sflag:s22] =	ssyncadd.s32 s3;
	_ =	sdelay $0x1  }
0xa1: {  	s23 =	simm.s32 $0x1B8B  }
0xa2: {  	_ =	swait.ge [sflag:s23], $0x1  }
0xa3: {  	[sflag:s23] =	ssyncset.done $0x0  }
0xa4: {  	s25 =	simm.s32 $0x1B8E;
	s24 =	sld [smem:$0x3FFE];
	[sflag:s23] =	ssyncadd.s32 $0xFFFFFFFF  }
0xa5: {  	s26 =	simm.s32 $execute0_lowered;
	[smem:$0x3FD2] =	sst s25  }
0xa6: {  	s4 =	sshll.u32 s26, $0x1;
	_ =	strace $0x80000064;
	[dreg:$0x1] =	wrdreg $0xFFFFFFFF  }
0xa7: {  	s28 =	simm.s32 $_size_execute0_lowered;
	s2 =	sadd.s32 s2, s4;
	[dreg:$0x0] =	wrdreg $0x0  }
0xa8: {  	s4 =	sshll.u32 s28, $0x1;
	[dreg:$0x2] =	wrdreg s2  }
0xa9: {  	[dreg:$0x3] =	wrdreg s4  }
0xaa: {  	[dreg:$0x4] =	wrdreg $0xC0  }
0xab: {  	_ =	task [dreg:s6], $0x5FFFF  }
0xac: {  	[dreg:$0x1] =	wrdreg $0xFFFFFFFF  }
0xad: {  	[dreg:$0x0] =	wrdreg $0x60  }
0xae: {  	[dreg:$0x2] =	wrdreg s24  }
0xaf: {  	[dreg:$0x3] =	wrdreg $0x9  }
0xb0: {  	_ =	task.clear_ibuf [dreg:s6], $0x4FFFF;
	_ =	strace $0x90000064  }
0xb1: {  	s29 =	simm.s32 $0x9;
	_ =	strace $0x80000066  }
0xb2: {  	_ =	swait.ge [sflag:s29], $0x1  }
0xb3: {  	[sflag:s29] =	ssyncadd.s32 $0xFFFFFFFF  }
0xb4: {  	_ =	strace $0x90000066  }
0xb5: {  	_ =	sfence  }
0xb6: {  	s30 =	sld [smem:$0x0];
	_ =	sdelay $0x2  }
0xb7: {  	s31 =	sshll.u32 s1, $0xD;
	s1 =	sshrl.u32 s1, $0x2  }
0xb8: {  	s3 =	sand.u32 $0x4000, s31;
	s1 =	sadd.s32 s1, s30  }
0xb9: {  	s0 =	sor.u32 s3, s0;
	s1 =	sshll.u32 s1, $0x11  }
0xba: {  	s0 =	sor.u32 s1, s0  }
0xbb: {  	s0 =	sadd.s32 $0x8F2B, s0  }
0xbc: {  	[sflag:s0] =	ssyncadd.remote.s32 $0x1  }
0xbd: {  	_ =	sfence.sel $0xFFFF  }
0xbe: {  	[dreg:$0x0] =	wrdreg $0xFFFFFFFF;
	(pc) =	sbr.abs _section_cstart, $3  }
0xbf: {  	[dreg:$0x1] =	wrdreg $0xFFFFFFFF  }
0xc0: {  	_ =	task.clear_ibuf [dreg:s6], $0x2FFFF;
	_ =	strace $0x9FFFFFFF  }
0xc1: {  	(tm) =	ssettm $0x7FFFFFFF  }
tec
execute0_lowered:
.L_overlay_start_1:
0x0: {  	(tag) =	ssettag $0x1  }
0x1: {  	s7 =	rddreg [dreg:$0x0]  }
0x2: {  	s1 =	srdreg.scid;
	s0 =	rddreg [dreg:$0x1]  }
0x3: {  	_ =	strace $0x80000065;
	s3 =	simm.s32 $0x1;
	s5 =	simm.s32 $0x2  }
0x4: {  	s9 =	simm.s32 $0x3;
	s12 =	simm.s32 $0x0;
	s2 =	sshll.u32 s1, $0x4  }
.Ltmp0:
0x5: {  	s1 =	stileid.u32;
	s4 =	sand.u32 $0x10, s2;
	(pc) =	sbr.rel .LBB2_1-.Ltmp0, $4  }
0x6: {  	s11 =	simm.s32 $0x0;
	[sflag:s3] =	ssyncpa.u1 $0x0;
	s4 =	sor.u32 s1, s4  }
0x7: {  	s6 =	sadd.s32 $0x843400, s7;
	[sflag:s5] =	ssyncpa.u1 $0x0;
	s4 =	smul.u32 $0x30, s4  }
0x8: {  	s2 =	sadd.s32 $0x3B8A00, s7;
	s7 =	sadd.s32 $0x358A00, s7;
	[sflag:s9] =	ssyncpa.u1 $0x0  }
0x9: {  	vm0 =	vmmov $0xff;
	vm1 =	vcmask $0x3F20;
	s9 =	simm.s32 $0x30;
	s8 =	sadd.s32 $0x30, s4;
	s10 =	smov.u32 s4  }
.LBB2_11:
0xa: {  	s12 =	sshrl.u32 s10, $0x3  }
0xb: {  	s13 =	sand.u32 $0x7, s10;
	s12 =	sadd.s32 s6, s12  }
0xc: {  	[tilespmem:s9], [sflag:$0x2] =	stream.linear.gather [hbm4b:s12+s13], $0x30, $0x38;
	[tilespmem:$0x6060] =	vst v63  }
.LBB2_12:
0xd: {  	s12 =	sadd.s32 $0x30, s10  }
0xe: {  	s13 =	smov.u32 s4;
	s11 =	sadd.s32 $0x1, s11;
	p0 =	slt.s32 s12, s8  }
0xf: {  	s13 =	smov.u32 @p0 s12;
	p0 =	sne.s32 s11, $0x3  }
.Ltmp1:
0x10: {  	_ = 	snop;
	(pc) =	sbr.rel @!p0 .LBB2_13-.Ltmp1, $2  }
0x11: {  	_ =	sdelay $0x2  }
0x12: {  	s12 =	smov.u32 s10;
	s10 =	smov.u32 s13  }
.LBB2_1:
0x13: {  	p0 =	seq.s32 s11, $0x0  }
.Ltmp2:
0x14: {  	_ = 	snop;
	(pc) =	sbr.rel @p0 .LBB2_11-.Ltmp2, $1  }
0x15: {  	_ =	sdelay $0x3  }
0x16: {  	p0 =	seq.s32 s11, $0x1  }
.Ltmp3:
0x17: {  	_ = 	snop;
	(pc) =	sbr.rel @!p0 .LBB2_10-.Ltmp3, $1  }
0x18: {  	_ =	sdelay $0x3  }
0x19: {  	_ =	swait.ge [sflag:s5], $0x30  }
0x1a: {  	[sflag:s5] =	ssyncset.done $0x0  }
0x1b: {  	s13 =	simm.s32 $0x0;
	[sflag:s5] =	ssyncadd.s32 $0xFFFFFFD0  }
.LBB2_4:
0x1c: {  	s14 =	sshll.u32 s13, $0x4  }
0x1d: {  	s14 =	sand.u32 $0x3FFFFFF0, s14  }
0x1e: {  	v0 =	vld.msk [tilespmem:s14+$0x30 ss:$0x1], $0xffff;
	_ =	sdelay $0x4  }
0x1f: {  	vm2 =	veq.s32 v0, $0x80000000;
	v1 =	vshrl.u32 v0, $0xA  }
0x20: {  	v2 =	vand.u32 $0x3, v0;
	v0 =	vshrl.u32 v0, $0x2;
	v1 =	vand.u32 $0xF, v1  }
0x21: {  	v0 =	vand.u32 $0xFF, v0;
	v2 =	vmul.u32 $0x90000, v2;
	v1 =	vmul.u32 $0xC000, v1  }
0x22: {  	v0 =	vsel vm2, $0xFFFFFFFF, v0  }
0x23: {  	v1 =	vadd.s32 v2, v1;
	v2 =	vshll.u32 v0, $0x8  }
0x24: {  	v0 =	vshll.u32 v0, $0x7;
	v1 =	vsel vm2, $0xFFF64000, v1;
	v2 =	vand.u32 $0xFFFFF800, v2  }
0x25: {  	s31 =	sshll.u32 s13, $0xC;
	v0 =	vand.u32 $0x380, v0;
	v1 =	vadd.s32 v2, v1  }
0x26: {  	s14 =	sand.u32 $0x3FFFF000, s31;
	v0 =	vor.u32 v0, v1  }
0x27: {  	p0 =	por $0x1, $0x1;
	s15 =	simm.s32 $0x0;
	s14 =	sadd.s32 $0x3060, s14;
	v0 =	vshrl.u32 v0, $0x3  }
.LBB2_5:
0x28: {  	_ =	sdelay $0x1  }
0x29: {  	s15 =	sshra.s32 s15, $0x2;
	p1 =	por p0, p0  }
.Ltmp4:
0x2a: {  	s15 =	sadd.s32 s15, s14;
	(pc) =	sbr.rel @p1 .LBB2_5-.Ltmp4, $4  }
0x2b: {  	[tilespmem:s15], [sflag:$0x1] =	stream.indirect_vreg.gather [hbm:s2], $0x80, v0, vm0, $0x38;
	[tilespmem:$0x6060] =	vst v63  }
0x2c: {  	s15 =	sadd.s32 $0x800, s15  }
0x2d: {  	[tilespmem:s15], [sflag:$0x1] =	stream.indirect_vreg.gather [hbm:s2], $0x80, v0, vm1, $0x38;
	[tilespmem:$0x6060] =	vst v63  }
0x2e: {  	p0 =	por $0x0, $0x0;
	v0 =	vadd.s32 $0x80, v0;
	s15 =	simm.s32 $0x1000  }
0x2f: {  	s13 =	sadd.s32 $0x1, s13  }
0x30: {  	p0 =	sne.s32 s13, $0x3  }
.Ltmp5:
0x31: {  	_ = 	snop;
	(pc) =	sbr.rel @p0 .LBB2_4-.Ltmp5, $1  }
0x32: {  	_ =	sdelay $0x3  }
0x33: {  	s13 =	sshll.u32 s12, $0x5  }
0x34: {  	_ =	swait.ge [sflag:s3], $0x3000;
	s31 =	sshll.u32 s12, $0x4;
	s13 =	sand.u32 $0xFFFFFF00, s13  }
0x35: {  	s14 =	simm.s32 $0x100;
	s12 =	sand.u32 $0x70, s31;
	s13 =	sadd.s32 s13, s7  }
0x36: {  	s15 =	simm.s32 $0x3860;
	[sflag:s3] =	ssyncset.done $0x0;
	s12 =	sadd.s32 s12, s13  }
0x37: {  	[sflag:s3] =	ssyncadd.s32 $0xFFFFD000;
	s13 =	simm.s32 $0x3060;
	s16 =	sadd.s32 $0x0, s12  }
.LBB2_8:
0x38: {  	[hbm:s16] =	stream.linear.scatter [tilespmem:s13], [sflag:$0x3], $0x800, $0x38;
	[tilespmem:$0x6060] =	vst v63  }
0x39: {  	s16 =	smov.u32 s14;
	s13 =	smov.u32 s15;
	p0 =	seq.s32 s14, $0x500  }
.Ltmp6:
0x3a: {  	s14 =	sadd.s32 $0x100, s14;
	(pc) =	sbr.rel @!p0 .LBB2_8-.Ltmp6, $2  }
0x3b: {  	_ =	sdelay $0x2  }
0x3c: {  	s15 =	sadd.s32 $0x800, s15;
	s16 =	sadd.s32 s16, s12  }
.Ltmp7:
0x3d: {  	(pc) =	sbr.rel .LBB2_12-.Ltmp7, $2  }
0x3e: {  	_ =	sdelay $0x2  }
0x3f: {  	[hbm:s16] =	stream.linear.scatter [tilespmem:s13], [sflag:$0x3], $0x800, $0x38;
	[tilespmem:$0x6060] =	vst v63  }
.LBB2_10:
0x40: {  	s2 =	simm.s32 $0x3  }
0x41: {  	_ =	swait.ge [sflag:s2], $0x3000  }
0x42: {  	[sflag:s2] =	ssyncset.done $0x0  }
0x43: {  	[sflag:s2] =	ssyncadd.s32 $0xFFFFD000  }
.LBB2_13:
0x44: {  	_ =	sfence.sel $0x180000  }
0x45: {  	s2 =	simm.s32 $0x2;
	[bflag:$0x0] =	sbarrier.arrive $0xFFFF  }
0x46: {  	s30 =	simm.s32 $0x3;
	[sflag:s2] =	ssyncpa.u1 $0x1  }
0x47: {  	s31 =	simm.s32 $0x1;
	[sflag:s30] =	ssyncpa.u1 $0x1  }
0x48: {  	[sflag:s31] =	ssyncpa.u1 $0x1  }
0x49: {  	p0 =	sne.s32 s1, $0x0;
	_ =	strace $0x90000065  }
0x4a: {  	s0 =	sadd.s32 @!p0 $0x100000, s0;
	[bflag:$0x2] =	sbarrier.arrive $0xFFFF  }
0x4b: {  	[sflag:s0] =	ssyncadd.tile.s32 @!p0 $0x1;
	_ =	shalt  }
.Lfunc_end2:
_tile_overlayer_lowered:
.L_overlay_start_2:
0x4c: {  	(tag) =	ssettag $0x2  }
0x4d: {  	s0 =	rddreg [dreg:$0x0];
	s2 =	stileid.u32  }
0x4e: {  	s1 =	rddreg [dreg:$0x1];
	p0 =	sne.s32 s2, $0x0  }
0x4f: {  	s3 =	rddreg [dreg:$0x2];
	[bflag:$0x3] =	sbarrier.arrive $0xFFFF;
	s2 =	simm.s32 @!p0 $0x1C01  }
0x50: {  	[timem:s3], [sflag:s2] =	dma.local @!p0 [hbm:s0], s1  }
0x51: {  	s0 =	simm.s32 @!p0 $0x1  }
0x52: {  	_ =	swait.ge @!p0 [sflag:s0], s1  }
0x53: {  	s1 =	ssub.s32 @!p0 $0x0, s1;
	[sflag:s0] =	ssyncset.done @!p0 $0x0  }
0x54: {  	[sflag:s0] =	ssyncadd.s32 @!p0 s1  }
0x55: {  	[bflag:$0x3] =	sbarrier.arrive $0xFFFF  }
0x56: {  	_ =	shalt  }

// kernel: gather_offload_async_start.11
scs
__scs_entry_jumppad:
0x0: {  	(pc) =	sbr.rel $0x88, $3  }
0x1: {  	(tag) =	ssettag $0x0;
	lr =	simm.s32 $0x1  }
0x2: {  	[smem:$0x3F8D] =	sst lr;
	_ =	strace $0xD0000000  }
0x3: {  	_ = 	snop  }
0x4: {  	_ = 	snop  }
0x5: {  	_ = 	snop  }
0x6: {  	_ = 	snop  }
0x7: {  	_ = 	snop  }
__scs_overlays_trampoline_lowered:
0x8: {  	[smem:$0x3F9C] =	sst s0  }
0x9: {  	[smem:$0x3F9D] =	sst s1  }
0xa: {  	[smem:$0x3F9E] =	sst s2  }
0xb: {  	[smem:$0x3F9F] =	sst s3  }
0xc: {  	[smem:$0x3FA0] =	sst s4  }
0xd: {  	[smem:$0x3FA1] =	sst s5  }
0xe: {  	[smem:$0x3FA2] =	sst s6  }
0xf: {  	[smem:$0x3FA3] =	sst s7  }
0x10: {  	[smem:$0x3FA4] =	sst s8  }
0x11: {  	[smem:$0x3FA5] =	sst s9;
	s0 =	simm.s32 @!p0 $0x0  }
0x12: {  	s1 =	sld [smem:$0x3F8B];
	s0 =	simm.s32 @p0 $0x1  }
0x13: {  	[smem:$0x3FA6] =	sst s0;
	s0 =	simm.s32 @!p1 $0x0  }
0x14: {  	s2 =	sld [smem:$0x3F8A];
	s0 =	simm.s32 @p1 $0x1  }
0x15: {  	[smem:$0x3FA7] =	sst s0;
	s0 =	simm.s32 @!p2 $0x0  }
0x16: {  	s3 =	sld [smem:$0x3FDB];
	s0 =	simm.s32 @p2 $0x1  }
0x17: {  	s4 =	simm.s32 $0x1BF5;
	[smem:$0x3FA9] =	sst s0  }
0x18: {  	s0 =	sld [smem:$0x3F8C];
	_ =	swait.ge [sflag:s4], $0x0  }
0x19: {  	s7 =	sld [smem:$0x3F8D]  }
0x1a: {  	s8 =	sadd.s32 $0xFFFFE003, lr  }
0x1b: {  	s9 =	sadd.s32 $0xFFFFFEF7, lr;
	s5 =	simm.s32 $0xFFFFFFFF;
	p2 =	slt.u32 s8, $0xFFFFF086  }
0x1c: {  	p1 =	slt.u32 s9, $0xF7A;
	s5 =	simm.s32 @!p2 $0x0  }
0x1d: {  	s5 =	simm.s32 @p1 $0x1;
	p0 =	seq.s32 s7, s2  }
0x1e: {  	s7 =	smul.u32 @!p0 $0xF7A, s2;
	p2 =	seq.s32 @!p0 s5, $0x0  }
0x1f: {  	s9 =	smul.u32 $0xF7A, s1;
	s8 =	simm.s32 @!p0 $0x1BF5;
	p2 =	por !p2, p0  }
0x20: {  	[sflag:s8] =	ssyncset.s32 @!p0 $0xFFFFF086;
	s6 =	sadd.s32 @!p0 s3, s7;
	s7 =	simm.s32 @!p0 $0x108  }
0x21: {  	s3 =	sadd.s32 s3, s9;
	s6 =	sadd.s32 @!p0 $0x88, s6;
	s7 =	simm.s32 @p2 $0x1082  }
0x22: {  	[simem:s7], [sflag:s8] =	dma.local @!p0 [hbm:s6], $0xF7A  }
0x23: {  	s9 =	sor.u32 $0xD0000000, s2;
	s6 =	simm.s32 $0x108;
	_ =	swait.ge @!p0 [sflag:s8], $0x0  }
0x24: {  	s3 =	sadd.s32 $0x88, s3;
	s6 =	simm.s32 @!p1 $0x1082;
	[sflag:s4] =	ssyncset.s32 $0xFFFFF086  }
0x25: {  	[simem:s6], [sflag:s4] =	dma.local [hbm:s3], $0xF7A  }
0x26: {  	[smem:$0x3F8D] =	sst s1;
	(tag) =	ssettag s2;
	_ =	strace s9  }
0x27: {  	s1 =	sld [smem:$0x3F9D]  }
0x28: {  	s2 =	sld [smem:$0x3F9E]  }
0x29: {  	s4 =	sld [smem:$0x3FA0]  }
0x2a: {  	p0 =	seq.s32 s5, $0x0;
	s5 =	sld [smem:$0x3FA1]  }
0x2b: {  	s6 =	sld [smem:$0x3FA2]  }
0x2c: {  	s7 =	sld [smem:$0x3FA3]  }
0x2d: {  	s3 =	simm.s32 $0x108;
	s8 =	sld [smem:$0x3FA4]  }
0x2e: {  	s3 =	simm.s32 @!p0 $0x1082;
	s9 =	sld [smem:$0x3FA5]  }
0x2f: {  	lr =	sadd.s32 s0, s3;
	s0 =	sld [smem:$0x3F9C]  }
0x30: {  	s3 =	sld [smem:$0x3F9F]  }
0x31: {  	[smem:$0x3FA8] =	sst s10  }
0x32: {  	s10 =	sld [smem:$0x3FA6];
	_ =	sdelay $0x3  }
0x33: {  	p0 =	seq.s32 s10, $0x1;
	s10 =	sld [smem:$0x3FA8];
	_ =	sdelay $0x3  }
0x34: {  	[smem:$0x3FA8] =	sst s10  }
0x35: {  	s10 =	sld [smem:$0x3FA7];
	_ =	sdelay $0x3  }
0x36: {  	p1 =	seq.s32 s10, $0x1;
	s10 =	sld [smem:$0x3FA8];
	_ =	sdelay $0x3  }
0x37: {  	[smem:$0x3FA8] =	sst s10  }
0x38: {  	s10 =	sld [smem:$0x3FA9]  }
0x39: {  	_ = 	snop;
	(pc) =	sbr.ind lr, $3  }
0x3a: {  	_ = 	snop  }
0x3b: {  	_ = 	snop  }
0x3c: {  	p2 =	seq.s32 s10, $0x1;
	s10 =	sld [smem:$0x3FA8]  }
0x3d: {  	_ =	shalt  }
0x3e: {  	_ =	shalt  }
0x3f: {  	_ =	shalt  }
0x40: {  	_ =	shalt  }
0x41: {  	_ =	shalt  }
0x42: {  	_ =	shalt  }
0x43: {  	_ =	shalt  }
0x44: {  	_ =	shalt  }
0x45: {  	_ =	shalt  }
0x46: {  	_ =	shalt  }
0x47: {  	_ =	shalt  }
0x48: {  	_ =	shalt  }
0x49: {  	_ =	shalt  }
0x4a: {  	_ =	shalt  }
0x4b: {  	_ =	shalt  }
0x4c: {  	_ =	shalt  }
0x4d: {  	_ =	shalt  }
0x4e: {  	_ =	shalt  }
0x4f: {  	_ =	shalt  }
0x50: {  	_ =	shalt  }
0x51: {  	_ =	shalt  }
0x52: {  	_ =	shalt  }
0x53: {  	_ =	shalt  }
0x54: {  	_ =	shalt  }
0x55: {  	_ =	shalt  }
0x56: {  	_ =	shalt  }
0x57: {  	_ =	shalt  }
0x58: {  	_ =	shalt  }
0x59: {  	_ =	shalt  }
0x5a: {  	_ =	shalt  }
0x5b: {  	_ =	shalt  }
0x5c: {  	_ =	shalt  }
0x5d: {  	_ =	shalt  }
0x5e: {  	_ =	shalt  }
0x5f: {  	_ =	shalt  }
0x60: {  	_ =	shalt  }
0x61: {  	_ =	shalt  }
0x62: {  	_ =	shalt  }
0x63: {  	_ =	shalt  }
0x64: {  	_ =	shalt  }
0x65: {  	_ =	shalt  }
0x66: {  	_ =	shalt  }
0x67: {  	_ =	shalt  }
0x68: {  	_ =	shalt  }
0x69: {  	_ =	shalt  }
0x6a: {  	_ =	shalt  }
0x6b: {  	_ =	shalt  }
0x6c: {  	_ =	shalt  }
0x6d: {  	_ =	shalt  }
0x6e: {  	_ =	shalt  }
0x6f: {  	_ =	shalt  }
0x70: {  	_ =	shalt  }
0x71: {  	_ =	shalt  }
0x72: {  	_ =	shalt  }
0x73: {  	_ =	shalt  }
0x74: {  	_ =	shalt  }
0x75: {  	_ =	shalt  }
0x76: {  	_ =	shalt  }
0x77: {  	_ =	shalt  }
0x78: {  	_ =	shalt  }
0x79: {  	_ =	shalt  }
0x7a: {  	_ =	shalt  }
0x7b: {  	_ =	shalt  }
0x7c: {  	_ =	shalt  }
0x7d: {  	_ =	shalt  }
0x7e: {  	_ =	shalt  }
0x7f: {  	_ =	shalt  }
0x80: {  	_ =	shalt  }
0x81: {  	_ =	shalt  }
0x82: {  	_ =	shalt  }
0x83: {  	_ =	shalt  }
0x84: {  	_ =	shalt  }
0x85: {  	_ =	shalt  }
0x86: {  	_ =	shalt  }
0x87: {  	_ =	shalt  }
.Lfunc_end0:
.L_simem_size_0:
called_computation.11_lowered:
.L_overlay_start_0:
0x88: {  	s2 =	sld [smem:$0x3FD9]  }
0x89: {  	s3 =	sld [smem:$0x3FFE];
	_ =	sdelay $0x1  }
0x8a: {  	s1 =	srdreg.scid  }
0x8b: {  	s0 =	sand.u32 $0x1, s1  }
0x8c: {  	s16 =	sshll.u32 s0, $0xA;
	s2 =	sadd.s32 s3, s2  }
0x8d: {  	s2 =	sadd.s32 s2, s16  }
0x8e: {  	[smem:$0x3FB4] =	sst s2  }
0x8f: {  	_ = 	snop  }
0x90: {  	(tm) =	ssettm $0x1  }
0x91: {  	s17 =	sld [smem:$0x3FFB];
	_ =	sdelay $0x3  }
0x92: {  	_ =	strace s17  }
0x93: {  	s2 =	sld [smem:$0x3FFC];
	_ =	sdelay $0x3  }
0x94: {  	_ =	strace s2  }
0x95: {  	s2 =	sld [smem:$0x3FFD];
	_ =	sdelay $0x3  }
0x96: {  	_ =	strace s2  }
0x97: {  	_ =	strace $0x8FFFFFFF  }
0x98: {  	s18 =	sld [smem:$0x3FDB];
	_ =	sdelay $0x1  }
0x99: {  	s19 =	simm.s32 $_scs_section_size  }
0x9a: {  	s4 =	simm.s32 $_size__tile_overlayer_lowered;
	s5 =	simm.s32 $_tile_overlayer_lowered  }
0x9b: {  	s22 =	simm.s32 $0x1BFF;
	s21 =	sshll.u32 s5, $0x1;
	s2 =	sadd.s32 s19, s18  }
0x9c: {  	s6 =	simm.s32 $0x0;
	s20 =	sshll.u32 s4, $0x1;
	s4 =	sadd.s32 s21, s2  }
0x9d: {  	[timem:s6], [sflag:s22] =	dma.local [hbm:s4], s20  }
0x9e: {  	_ =	swait.ge [sflag:s22], s20  }
0x9f: {  	s3 =	ssub.s32 $0x0, s20;
	[sflag:s22] =	ssyncset.done $0x0  }
0xa0: {  	[sflag:s22] =	ssyncadd.s32 s3;
	_ =	sdelay $0x1  }
0xa1: {  	s23 =	simm.s32 $0x1B8B  }
0xa2: {  	_ =	swait.ge [sflag:s23], $0x1  }
0xa3: {  	[sflag:s23] =	ssyncset.done $0x0  }
0xa4: {  	s25 =	simm.s32 $0x1B8E;
	s24 =	sld [smem:$0x3FFE];
	[sflag:s23] =	ssyncadd.s32 $0xFFFFFFFF  }
0xa5: {  	s26 =	simm.s32 $execute0_lowered;
	[smem:$0x3FD2] =	sst s25  }
0xa6: {  	s4 =	sshll.u32 s26, $0x1;
	_ =	strace $0x80000067;
	[dreg:$0x1] =	wrdreg $0xFFFFFFFF  }
0xa7: {  	s28 =	simm.s32 $_size_execute0_lowered;
	s2 =	sadd.s32 s2, s4;
	[dreg:$0x0] =	wrdreg $0x0  }
0xa8: {  	s4 =	sshll.u32 s28, $0x1;
	[dreg:$0x2] =	wrdreg s2  }
0xa9: {  	[dreg:$0x3] =	wrdreg s4  }
0xaa: {  	[dreg:$0x4] =	wrdreg $0xC0  }
0xab: {  	_ =	task [dreg:s6], $0x5FFFF  }
0xac: {  	[dreg:$0x1] =	wrdreg $0xFFFFFFFF  }
0xad: {  	[dreg:$0x0] =	wrdreg $0x60  }
0xae: {  	[dreg:$0x2] =	wrdreg s24  }
0xaf: {  	[dreg:$0x3] =	wrdreg $0x9  }
0xb0: {  	_ =	task.clear_ibuf [dreg:s6], $0x4FFFF;
	_ =	strace $0x90000067  }
0xb1: {  	s29 =	simm.s32 $0x9;
	_ =	strace $0x80000069  }
0xb2: {  	_ =	swait.ge [sflag:s29], $0x1  }
0xb3: {  	[sflag:s29] =	ssyncadd.s32 $0xFFFFFFFF  }
0xb4: {  	_ =	strace $0x90000069  }
0xb5: {  	_ =	sfence  }
0xb6: {  	s30 =	sld [smem:$0x0];
	_ =	sdelay $0x2  }
0xb7: {  	s31 =	sshll.u32 s1, $0xD;
	s1 =	sshrl.u32 s1, $0x2  }
0xb8: {  	s3 =	sand.u32 $0x4000, s31;
	s1 =	sadd.s32 s1, s30  }
0xb9: {  	s0 =	sor.u32 s3, s0;
	s1 =	sshll.u32 s1, $0x11  }
0xba: {  	s0 =	sor.u32 s1, s0  }
0xbb: {  	s0 =	sadd.s32 $0x8F2B, s0  }
0xbc: {  	[sflag:s0] =	ssyncadd.remote.s32 $0x1  }
0xbd: {  	_ =	sfence.sel $0xFFFF  }
0xbe: {  	[dreg:$0x0] =	wrdreg $0xFFFFFFFF;
	(pc) =	sbr.abs _section_cstart, $3  }
0xbf: {  	[dreg:$0x1] =	wrdreg $0xFFFFFFFF  }
0xc0: {  	_ =	task.clear_ibuf [dreg:s6], $0x2FFFF;
	_ =	strace $0x9FFFFFFF  }
0xc1: {  	(tm) =	ssettm $0x7FFFFFFF  }
tec
execute0_lowered:
.L_overlay_start_1:
0x0: {  	(tag) =	ssettag $0x1  }
0x1: {  	s7 =	rddreg [dreg:$0x0]  }
0x2: {  	s1 =	srdreg.scid;
	s0 =	rddreg [dreg:$0x1]  }
0x3: {  	_ =	strace $0x80000068;
	s3 =	simm.s32 $0x1;
	s5 =	simm.s32 $0x2  }
0x4: {  	s9 =	simm.s32 $0x3;
	s12 =	simm.s32 $0x0;
	s2 =	sshll.u32 s1, $0x4  }
.Ltmp0:
0x5: {  	s1 =	stileid.u32;
	s4 =	sand.u32 $0x10, s2;
	(pc) =	sbr.rel .LBB2_1-.Ltmp0, $4  }
0x6: {  	s11 =	simm.s32 $0x0;
	[sflag:s3] =	ssyncpa.u1 $0x0;
	s4 =	sor.u32 s1, s4  }
0x7: {  	s6 =	sadd.s32 $0x843400, s7;
	[sflag:s5] =	ssyncpa.u1 $0x0;
	s4 =	smul.u32 $0x30, s4  }
0x8: {  	s2 =	sadd.s32 $0x3B8A00, s7;
	s7 =	sadd.s32 $0x358A00, s7;
	[sflag:s9] =	ssyncpa.u1 $0x0  }
0x9: {  	vm0 =	vmmov $0xff;
	vm1 =	vcmask $0x3F20;
	s9 =	simm.s32 $0x30;
	s8 =	sadd.s32 $0x30, s4;
	s10 =	smov.u32 s4  }
.LBB2_11:
0xa: {  	s12 =	sshrl.u32 s10, $0x3  }
0xb: {  	s13 =	sand.u32 $0x7, s10;
	s12 =	sadd.s32 s6, s12  }
0xc: {  	[tilespmem:s9], [sflag:$0x2] =	stream.linear.gather [hbm4b:s12+s13], $0x30, $0x38;
	[tilespmem:$0x6060] =	vst v63  }
.LBB2_12:
0xd: {  	s12 =	sadd.s32 $0x30, s10  }
0xe: {  	s13 =	smov.u32 s4;
	s11 =	sadd.s32 $0x1, s11;
	p0 =	slt.s32 s12, s8  }
0xf: {  	s13 =	smov.u32 @p0 s12;
	p0 =	sne.s32 s11, $0x3  }
.Ltmp1:
0x10: {  	_ = 	snop;
	(pc) =	sbr.rel @!p0 .LBB2_13-.Ltmp1, $2  }
0x11: {  	_ =	sdelay $0x2  }
0x12: {  	s12 =	smov.u32 s10;
	s10 =	smov.u32 s13  }
.LBB2_1:
0x13: {  	p0 =	seq.s32 s11, $0x0  }
.Ltmp2:
0x14: {  	_ = 	snop;
	(pc) =	sbr.rel @p0 .LBB2_11-.Ltmp2, $1  }
0x15: {  	_ =	sdelay $0x3  }
0x16: {  	p0 =	seq.s32 s11, $0x1  }
.Ltmp3:
0x17: {  	_ = 	snop;
	(pc) =	sbr.rel @!p0 .LBB2_10-.Ltmp3, $1  }
0x18: {  	_ =	sdelay $0x3  }
0x19: {  	_ =	swait.ge [sflag:s5], $0x30  }
0x1a: {  	[sflag:s5] =	ssyncset.done $0x0  }
0x1b: {  	s13 =	simm.s32 $0x0;
	[sflag:s5] =	ssyncadd.s32 $0xFFFFFFD0  }
.LBB2_4:
0x1c: {  	s14 =	sshll.u32 s13, $0x4  }
0x1d: {  	s14 =	sand.u32 $0x3FFFFFF0, s14  }
0x1e: {  	v0 =	vld.msk [tilespmem:s14+$0x30 ss:$0x1], $0xffff;
	_ =	sdelay $0x4  }
0x1f: {  	vm2 =	veq.s32 v0, $0x80000000;
	v1 =	vshrl.u32 v0, $0xA  }
0x20: {  	v2 =	vand.u32 $0x3, v0;
	v0 =	vshrl.u32 v0, $0x2;
	v1 =	vand.u32 $0xF, v1  }
0x21: {  	v0 =	vand.u32 $0xFF, v0;
	v2 =	vmul.u32 $0x90000, v2;
	v1 =	vmul.u32 $0xC000, v1  }
0x22: {  	v0 =	vsel vm2, $0xFFFFFFFF, v0  }
0x23: {  	v1 =	vadd.s32 v2, v1;
	v2 =	vshll.u32 v0, $0x8  }
0x24: {  	v0 =	vshll.u32 v0, $0x7;
	v1 =	vsel vm2, $0xFFF64000, v1;
	v2 =	vand.u32 $0xFFFFF800, v2  }
0x25: {  	s31 =	sshll.u32 s13, $0xC;
	v0 =	vand.u32 $0x380, v0;
	v1 =	vadd.s32 v2, v1  }
0x26: {  	s14 =	sand.u32 $0x3FFFF000, s31;
	v0 =	vor.u32 v0, v1  }
0x27: {  	p0 =	por $0x1, $0x1;
	s15 =	simm.s32 $0x0;
	s14 =	sadd.s32 $0x3060, s14;
	v0 =	vshrl.u32 v0, $0x3  }
.LBB2_5:
0x28: {  	_ =	sdelay $0x1  }
0x29: {  	s15 =	sshra.s32 s15, $0x2;
	p1 =	por p0, p0  }
.Ltmp4:
0x2a: {  	s15 =	sadd.s32 s15, s14;
	(pc) =	sbr.rel @p1 .LBB2_5-.Ltmp4, $4  }
0x2b: {  	[tilespmem:s15], [sflag:$0x1] =	stream.indirect_vreg.gather [hbm:s2], $0x80, v0, vm0, $0x38;
	[tilespmem:$0x6060] =	vst v63  }
0x2c: {  	s15 =	sadd.s32 $0x800, s15  }
0x2d: {  	[tilespmem:s15], [sflag:$0x1] =	stream.indirect_vreg.gather [hbm:s2], $0x80, v0, vm1, $0x38;
	[tilespmem:$0x6060] =	vst v63  }
0x2e: {  	p0 =	por $0x0, $0x0;
	v0 =	vadd.s32 $0x80, v0;
	s15 =	simm.s32 $0x1000  }
0x2f: {  	s13 =	sadd.s32 $0x1, s13  }
0x30: {  	p0 =	sne.s32 s13, $0x3  }
.Ltmp5:
0x31: {  	_ = 	snop;
	(pc) =	sbr.rel @p0 .LBB2_4-.Ltmp5, $1  }
0x32: {  	_ =	sdelay $0x3  }
0x33: {  	s13 =	sshll.u32 s12, $0x5  }
0x34: {  	_ =	swait.ge [sflag:s3], $0x3000;
	s31 =	sshll.u32 s12, $0x4;
	s13 =	sand.u32 $0xFFFFFF00, s13  }
0x35: {  	s14 =	simm.s32 $0x100;
	s12 =	sand.u32 $0x70, s31;
	s13 =	sadd.s32 s13, s7  }
0x36: {  	s15 =	simm.s32 $0x3860;
	[sflag:s3] =	ssyncset.done $0x0;
	s12 =	sadd.s32 s12, s13  }
0x37: {  	[sflag:s3] =	ssyncadd.s32 $0xFFFFD000;
	s13 =	simm.s32 $0x3060;
	s16 =	sadd.s32 $0x0, s12  }
.LBB2_8:
0x38: {  	[hbm:s16] =	stream.linear.scatter [tilespmem:s13], [sflag:$0x3], $0x800, $0x38;
	[tilespmem:$0x6060] =	vst v63  }
0x39: {  	s16 =	smov.u32 s14;
	s13 =	smov.u32 s15;
	p0 =	seq.s32 s14, $0x500  }
.Ltmp6:
0x3a: {  	s14 =	sadd.s32 $0x100, s14;
	(pc) =	sbr.rel @!p0 .LBB2_8-.Ltmp6, $2  }
0x3b: {  	_ =	sdelay $0x2  }
0x3c: {  	s15 =	sadd.s32 $0x800, s15;
	s16 =	sadd.s32 s16, s12  }
.Ltmp7:
0x3d: {  	(pc) =	sbr.rel .LBB2_12-.Ltmp7, $2  }
0x3e: {  	_ =	sdelay $0x2  }
0x3f: {  	[hbm:s16] =	stream.linear.scatter [tilespmem:s13], [sflag:$0x3], $0x800, $0x38;
	[tilespmem:$0x6060] =	vst v63  }
.LBB2_10:
0x40: {  	s2 =	simm.s32 $0x3  }
0x41: {  	_ =	swait.ge [sflag:s2], $0x3000  }
0x42: {  	[sflag:s2] =	ssyncset.done $0x0  }
0x43: {  	[sflag:s2] =	ssyncadd.s32 $0xFFFFD000  }
.LBB2_13:
0x44: {  	_ =	sfence.sel $0x180000  }
0x45: {  	s2 =	simm.s32 $0x2;
	[bflag:$0x0] =	sbarrier.arrive $0xFFFF  }
0x46: {  	s30 =	simm.s32 $0x3;
	[sflag:s2] =	ssyncpa.u1 $0x1  }
0x47: {  	s31 =	simm.s32 $0x1;
	[sflag:s30] =	ssyncpa.u1 $0x1  }
0x48: {  	[sflag:s31] =	ssyncpa.u1 $0x1  }
0x49: {  	p0 =	sne.s32 s1, $0x0;
	_ =	strace $0x90000068  }
0x4a: {  	s0 =	sadd.s32 @!p0 $0x100000, s0;
	[bflag:$0x2] =	sbarrier.arrive $0xFFFF  }
0x4b: {  	[sflag:s0] =	ssyncadd.tile.s32 @!p0 $0x1;
	_ =	shalt  }
.Lfunc_end2:
_tile_overlayer_lowered:
.L_overlay_start_2:
0x4c: {  	(tag) =	ssettag $0x2  }
0x4d: {  	s0 =	rddreg [dreg:$0x0];
	s2 =	stileid.u32  }
0x4e: {  	s1 =	rddreg [dreg:$0x1];
	p0 =	sne.s32 s2, $0x0  }
0x4f: {  	s3 =	rddreg [dreg:$0x2];
	[bflag:$0x3] =	sbarrier.arrive $0xFFFF;
	s2 =	simm.s32 @!p0 $0x1C01  }
0x50: {  	[timem:s3], [sflag:s2] =	dma.local @!p0 [hbm:s0], s1  }
0x51: {  	s0 =	simm.s32 @!p0 $0x1  }
0x52: {  	_ =	swait.ge @!p0 [sflag:s0], s1  }
0x53: {  	s1 =	ssub.s32 @!p0 $0x0, s1;
	[sflag:s0] =	ssyncset.done @!p0 $0x0  }
0x54: {  	[sflag:s0] =	ssyncadd.s32 @!p0 s1  }
0x55: {  	[bflag:$0x3] =	sbarrier.arrive $0xFFFF  }
0x56: {  	_ =	shalt  }

// kernel: gather_offload_async_start.12
scs
__scs_entry_jumppad:
0x0: {  	(pc) =	sbr.rel $0x88, $3  }
0x1: {  	(tag) =	ssettag $0x0;
	lr =	simm.s32 $0x1  }
0x2: {  	[smem:$0x3F8D] =	sst lr;
	_ =	strace $0xD0000000  }
0x3: {  	_ = 	snop  }
0x4: {  	_ = 	snop  }
0x5: {  	_ = 	snop  }
0x6: {  	_ = 	snop  }
0x7: {  	_ = 	snop  }
__scs_overlays_trampoline_lowered:
0x8: {  	[smem:$0x3F9C] =	sst s0  }
0x9: {  	[smem:$0x3F9D] =	sst s1  }
0xa: {  	[smem:$0x3F9E] =	sst s2  }
0xb: {  	[smem:$0x3F9F] =	sst s3  }
0xc: {  	[smem:$0x3FA0] =	sst s4  }
0xd: {  	[smem:$0x3FA1] =	sst s5  }
0xe: {  	[smem:$0x3FA2] =	sst s6  }
0xf: {  	[smem:$0x3FA3] =	sst s7  }
0x10: {  	[smem:$0x3FA4] =	sst s8  }
0x11: {  	[smem:$0x3FA5] =	sst s9;
	s0 =	simm.s32 @!p0 $0x0  }
0x12: {  	s1 =	sld [smem:$0x3F8B];
	s0 =	simm.s32 @p0 $0x1  }
0x13: {  	[smem:$0x3FA6] =	sst s0;
	s0 =	simm.s32 @!p1 $0x0  }
0x14: {  	s2 =	sld [smem:$0x3F8A];
	s0 =	simm.s32 @p1 $0x1  }
0x15: {  	[smem:$0x3FA7] =	sst s0;
	s0 =	simm.s32 @!p2 $0x0  }
0x16: {  	s3 =	sld [smem:$0x3FDB];
	s0 =	simm.s32 @p2 $0x1  }
0x17: {  	s4 =	simm.s32 $0x1BF5;
	[smem:$0x3FA9] =	sst s0  }
0x18: {  	s0 =	sld [smem:$0x3F8C];
	_ =	swait.ge [sflag:s4], $0x0  }
0x19: {  	s7 =	sld [smem:$0x3F8D]  }
0x1a: {  	s8 =	sadd.s32 $0xFFFFE003, lr  }
0x1b: {  	s9 =	sadd.s32 $0xFFFFFEF7, lr;
	s5 =	simm.s32 $0xFFFFFFFF;
	p2 =	slt.u32 s8, $0xFFFFF086  }
0x1c: {  	p1 =	slt.u32 s9, $0xF7A;
	s5 =	simm.s32 @!p2 $0x0  }
0x1d: {  	s5 =	simm.s32 @p1 $0x1;
	p0 =	seq.s32 s7, s2  }
0x1e: {  	s7 =	smul.u32 @!p0 $0xF7A, s2;
	p2 =	seq.s32 @!p0 s5, $0x0  }
0x1f: {  	s9 =	smul.u32 $0xF7A, s1;
	s8 =	simm.s32 @!p0 $0x1BF5;
	p2 =	por !p2, p0  }
0x20: {  	[sflag:s8] =	ssyncset.s32 @!p0 $0xFFFFF086;
	s6 =	sadd.s32 @!p0 s3, s7;
	s7 =	simm.s32 @!p0 $0x108  }
0x21: {  	s3 =	sadd.s32 s3, s9;
	s6 =	sadd.s32 @!p0 $0x88, s6;
	s7 =	simm.s32 @p2 $0x1082  }
0x22: {  	[simem:s7], [sflag:s8] =	dma.local @!p0 [hbm:s6], $0xF7A  }
0x23: {  	s9 =	sor.u32 $0xD0000000, s2;
	s6 =	simm.s32 $0x108;
	_ =	swait.ge @!p0 [sflag:s8], $0x0  }
0x24: {  	s3 =	sadd.s32 $0x88, s3;
	s6 =	simm.s32 @!p1 $0x1082;
	[sflag:s4] =	ssyncset.s32 $0xFFFFF086  }
0x25: {  	[simem:s6], [sflag:s4] =	dma.local [hbm:s3], $0xF7A  }
0x26: {  	[smem:$0x3F8D] =	sst s1;
	(tag) =	ssettag s2;
	_ =	strace s9  }
0x27: {  	s1 =	sld [smem:$0x3F9D]  }
0x28: {  	s2 =	sld [smem:$0x3F9E]  }
0x29: {  	s4 =	sld [smem:$0x3FA0]  }
0x2a: {  	p0 =	seq.s32 s5, $0x0;
	s5 =	sld [smem:$0x3FA1]  }
0x2b: {  	s6 =	sld [smem:$0x3FA2]  }
0x2c: {  	s7 =	sld [smem:$0x3FA3]  }
0x2d: {  	s3 =	simm.s32 $0x108;
	s8 =	sld [smem:$0x3FA4]  }
0x2e: {  	s3 =	simm.s32 @!p0 $0x1082;
	s9 =	sld [smem:$0x3FA5]  }
0x2f: {  	lr =	sadd.s32 s0, s3;
	s0 =	sld [smem:$0x3F9C]  }
0x30: {  	s3 =	sld [smem:$0x3F9F]  }
0x31: {  	[smem:$0x3FA8] =	sst s10  }
0x32: {  	s10 =	sld [smem:$0x3FA6];
	_ =	sdelay $0x3  }
0x33: {  	p0 =	seq.s32 s10, $0x1;
	s10 =	sld [smem:$0x3FA8];
	_ =	sdelay $0x3  }
0x34: {  	[smem:$0x3FA8] =	sst s10  }
0x35: {  	s10 =	sld [smem:$0x3FA7];
	_ =	sdelay $0x3  }
0x36: {  	p1 =	seq.s32 s10, $0x1;
	s10 =	sld [smem:$0x3FA8];
	_ =	sdelay $0x3  }
0x37: {  	[smem:$0x3FA8] =	sst s10  }
0x38: {  	s10 =	sld [smem:$0x3FA9]  }
0x39: {  	_ = 	snop;
	(pc) =	sbr.ind lr, $3  }
0x3a: {  	_ = 	snop  }
0x3b: {  	_ = 	snop  }
0x3c: {  	p2 =	seq.s32 s10, $0x1;
	s10 =	sld [smem:$0x3FA8]  }
0x3d: {  	_ =	shalt  }
0x3e: {  	_ =	shalt  }
0x3f: {  	_ =	shalt  }
0x40: {  	_ =	shalt  }
0x41: {  	_ =	shalt  }
0x42: {  	_ =	shalt  }
0x43: {  	_ =	shalt  }
0x44: {  	_ =	shalt  }
0x45: {  	_ =	shalt  }
0x46: {  	_ =	shalt  }
0x47: {  	_ =	shalt  }
0x48: {  	_ =	shalt  }
0x49: {  	_ =	shalt  }
0x4a: {  	_ =	shalt  }
0x4b: {  	_ =	shalt  }
0x4c: {  	_ =	shalt  }
0x4d: {  	_ =	shalt  }
0x4e: {  	_ =	shalt  }
0x4f: {  	_ =	shalt  }
0x50: {  	_ =	shalt  }
0x51: {  	_ =	shalt  }
0x52: {  	_ =	shalt  }
0x53: {  	_ =	shalt  }
0x54: {  	_ =	shalt  }
0x55: {  	_ =	shalt  }
0x56: {  	_ =	shalt  }
0x57: {  	_ =	shalt  }
0x58: {  	_ =	shalt  }
0x59: {  	_ =	shalt  }
0x5a: {  	_ =	shalt  }
0x5b: {  	_ =	shalt  }
0x5c: {  	_ =	shalt  }
0x5d: {  	_ =	shalt  }
0x5e: {  	_ =	shalt  }
0x5f: {  	_ =	shalt  }
0x60: {  	_ =	shalt  }
0x61: {  	_ =	shalt  }
0x62: {  	_ =	shalt  }
0x63: {  	_ =	shalt  }
0x64: {  	_ =	shalt  }
0x65: {  	_ =	shalt  }
0x66: {  	_ =	shalt  }
0x67: {  	_ =	shalt  }
0x68: {  	_ =	shalt  }
0x69: {  	_ =	shalt  }
0x6a: {  	_ =	shalt  }
0x6b: {  	_ =	shalt  }
0x6c: {  	_ =	shalt  }
0x6d: {  	_ =	shalt  }
0x6e: {  	_ =	shalt  }
0x6f: {  	_ =	shalt  }
0x70: {  	_ =	shalt  }
0x71: {  	_ =	shalt  }
0x72: {  	_ =	shalt  }
0x73: {  	_ =	shalt  }
0x74: {  	_ =	shalt  }
0x75: {  	_ =	shalt  }
0x76: {  	_ =	shalt  }
0x77: {  	_ =	shalt  }
0x78: {  	_ =	shalt  }
0x79: {  	_ =	shalt  }
0x7a: {  	_ =	shalt  }
0x7b: {  	_ =	shalt  }
0x7c: {  	_ =	shalt  }
0x7d: {  	_ =	shalt  }
0x7e: {  	_ =	shalt  }
0x7f: {  	_ =	shalt  }
0x80: {  	_ =	shalt  }
0x81: {  	_ =	shalt  }
0x82: {  	_ =	shalt  }
0x83: {  	_ =	shalt  }
0x84: {  	_ =	shalt  }
0x85: {  	_ =	shalt  }
0x86: {  	_ =	shalt  }
0x87: {  	_ =	shalt  }
.Lfunc_end0:
.L_simem_size_0:
called_computation.12_lowered:
.L_overlay_start_0:
0x88: {  	s2 =	sld [smem:$0x3FD9]  }
0x89: {  	s3 =	sld [smem:$0x3FFE];
	_ =	sdelay $0x1  }
0x8a: {  	s1 =	srdreg.scid  }
0x8b: {  	s0 =	sand.u32 $0x1, s1  }
0x8c: {  	s16 =	sshll.u32 s0, $0xA;
	s2 =	sadd.s32 s3, s2  }
0x8d: {  	s2 =	sadd.s32 s2, s16  }
0x8e: {  	[smem:$0x3FB4] =	sst s2  }
0x8f: {  	_ = 	snop  }
0x90: {  	(tm) =	ssettm $0x1  }
0x91: {  	s17 =	sld [smem:$0x3FFB];
	_ =	sdelay $0x3  }
0x92: {  	_ =	strace s17  }
0x93: {  	s2 =	sld [smem:$0x3FFC];
	_ =	sdelay $0x3  }
0x94: {  	_ =	strace s2  }
0x95: {  	s2 =	sld [smem:$0x3FFD];
	_ =	sdelay $0x3  }
0x96: {  	_ =	strace s2  }
0x97: {  	_ =	strace $0x8FFFFFFF  }
0x98: {  	s18 =	sld [smem:$0x3FDB];
	_ =	sdelay $0x1  }
0x99: {  	s19 =	simm.s32 $_scs_section_size  }
0x9a: {  	s4 =	simm.s32 $_size__tile_overlayer_lowered;
	s5 =	simm.s32 $_tile_overlayer_lowered  }
0x9b: {  	s22 =	simm.s32 $0x1BFF;
	s21 =	sshll.u32 s5, $0x1;
	s2 =	sadd.s32 s19, s18  }
0x9c: {  	s6 =	simm.s32 $0x0;
	s20 =	sshll.u32 s4, $0x1;
	s4 =	sadd.s32 s21, s2  }
0x9d: {  	[timem:s6], [sflag:s22] =	dma.local [hbm:s4], s20  }
0x9e: {  	_ =	swait.ge [sflag:s22], s20  }
0x9f: {  	s3 =	ssub.s32 $0x0, s20;
	[sflag:s22] =	ssyncset.done $0x0  }
0xa0: {  	[sflag:s22] =	ssyncadd.s32 s3;
	_ =	sdelay $0x1  }
0xa1: {  	s23 =	simm.s32 $0x1B8B  }
0xa2: {  	_ =	swait.ge [sflag:s23], $0x1  }
0xa3: {  	[sflag:s23] =	ssyncset.done $0x0  }
0xa4: {  	s25 =	simm.s32 $0x1B8E;
	s24 =	sld [smem:$0x3FFE];
	[sflag:s23] =	ssyncadd.s32 $0xFFFFFFFF  }
0xa5: {  	s26 =	simm.s32 $execute0_lowered;
	[smem:$0x3FD2] =	sst s25  }
0xa6: {  	s4 =	sshll.u32 s26, $0x1;
	_ =	strace $0x8000006A;
	[dreg:$0x1] =	wrdreg $0xFFFFFFFF  }
0xa7: {  	s28 =	simm.s32 $_size_execute0_lowered;
	s2 =	sadd.s32 s2, s4;
	[dreg:$0x0] =	wrdreg $0x0  }
0xa8: {  	s4 =	sshll.u32 s28, $0x1;
	[dreg:$0x2] =	wrdreg s2  }
0xa9: {  	[dreg:$0x3] =	wrdreg s4  }
0xaa: {  	[dreg:$0x4] =	wrdreg $0xC0  }
0xab: {  	_ =	task [dreg:s6], $0x5FFFF  }
0xac: {  	[dreg:$0x1] =	wrdreg $0xFFFFFFFF  }
0xad: {  	[dreg:$0x0] =	wrdreg $0x60  }
0xae: {  	[dreg:$0x2] =	wrdreg s24  }
0xaf: {  	[dreg:$0x3] =	wrdreg $0x9  }
0xb0: {  	_ =	task.clear_ibuf [dreg:s6], $0x4FFFF;
	_ =	strace $0x9000006A  }
0xb1: {  	s29 =	simm.s32 $0x9;
	_ =	strace $0x8000006C  }
0xb2: {  	_ =	swait.ge [sflag:s29], $0x1  }
0xb3: {  	[sflag:s29] =	ssyncadd.s32 $0xFFFFFFFF  }
0xb4: {  	_ =	strace $0x9000006C  }
0xb5: {  	_ =	sfence  }
0xb6: {  	s30 =	sld [smem:$0x0];
	_ =	sdelay $0x2  }
0xb7: {  	s31 =	sshll.u32 s1, $0xD;
	s1 =	sshrl.u32 s1, $0x2  }
0xb8: {  	s3 =	sand.u32 $0x4000, s31;
	s1 =	sadd.s32 s1, s30  }
0xb9: {  	s0 =	sor.u32 s3, s0;
	s1 =	sshll.u32 s1, $0x11  }
0xba: {  	s0 =	sor.u32 s1, s0  }
0xbb: {  	s0 =	sadd.s32 $0x8F2B, s0  }
0xbc: {  	[sflag:s0] =	ssyncadd.remote.s32 $0x1  }
0xbd: {  	_ =	sfence.sel $0xFFFF  }
0xbe: {  	[dreg:$0x0] =	wrdreg $0xFFFFFFFF;
	(pc) =	sbr.abs _section_cstart, $3  }
0xbf: {  	[dreg:$0x1] =	wrdreg $0xFFFFFFFF  }
0xc0: {  	_ =	task.clear_ibuf [dreg:s6], $0x2FFFF;
	_ =	strace $0x9FFFFFFF  }
0xc1: {  	(tm) =	ssettm $0x7FFFFFFF  }
tec
execute0_lowered:
.L_overlay_start_1:
0x0: {  	(tag) =	ssettag $0x1  }
0x1: {  	s7 =	rddreg [dreg:$0x0]  }
0x2: {  	s1 =	srdreg.scid;
	s0 =	rddreg [dreg:$0x1]  }
0x3: {  	_ =	strace $0x8000006B;
	s3 =	simm.s32 $0x1;
	s5 =	simm.s32 $0x2  }
0x4: {  	s9 =	simm.s32 $0x3;
	s12 =	simm.s32 $0x0;
	s2 =	sshll.u32 s1, $0x4  }
.Ltmp0:
0x5: {  	s1 =	stileid.u32;
	s4 =	sand.u32 $0x10, s2;
	(pc) =	sbr.rel .LBB2_1-.Ltmp0, $4  }
0x6: {  	s11 =	simm.s32 $0x0;
	[sflag:s3] =	ssyncpa.u1 $0x0;
	s4 =	sor.u32 s1, s4  }
0x7: {  	s6 =	sadd.s32 $0x843400, s7;
	[sflag:s5] =	ssyncpa.u1 $0x0;
	s4 =	smul.u32 $0x30, s4  }
0x8: {  	s2 =	sadd.s32 $0x3B8A00, s7;
	s7 =	sadd.s32 $0x358A00, s7;
	[sflag:s9] =	ssyncpa.u1 $0x0  }
0x9: {  	vm0 =	vmmov $0xff;
	vm1 =	vcmask $0x3F20;
	s9 =	simm.s32 $0x30;
	s8 =	sadd.s32 $0x30, s4;
	s10 =	smov.u32 s4  }
.LBB2_11:
0xa: {  	s12 =	sshrl.u32 s10, $0x3  }
0xb: {  	s13 =	sand.u32 $0x7, s10;
	s12 =	sadd.s32 s6, s12  }
0xc: {  	[tilespmem:s9], [sflag:$0x2] =	stream.linear.gather [hbm4b:s12+s13], $0x30, $0x38;
	[tilespmem:$0x6060] =	vst v63  }
.LBB2_12:
0xd: {  	s12 =	sadd.s32 $0x30, s10  }
0xe: {  	s13 =	smov.u32 s4;
	s11 =	sadd.s32 $0x1, s11;
	p0 =	slt.s32 s12, s8  }
0xf: {  	s13 =	smov.u32 @p0 s12;
	p0 =	sne.s32 s11, $0x3  }
.Ltmp1:
0x10: {  	_ = 	snop;
	(pc) =	sbr.rel @!p0 .LBB2_13-.Ltmp1, $2  }
0x11: {  	_ =	sdelay $0x2  }
0x12: {  	s12 =	smov.u32 s10;
	s10 =	smov.u32 s13  }
.LBB2_1:
0x13: {  	p0 =	seq.s32 s11, $0x0  }
.Ltmp2:
0x14: {  	_ = 	snop;
	(pc) =	sbr.rel @p0 .LBB2_11-.Ltmp2, $1  }
0x15: {  	_ =	sdelay $0x3  }
0x16: {  	p0 =	seq.s32 s11, $0x1  }
.Ltmp3:
0x17: {  	_ = 	snop;
	(pc) =	sbr.rel @!p0 .LBB2_10-.Ltmp3, $1  }
0x18: {  	_ =	sdelay $0x3  }
0x19: {  	_ =	swait.ge [sflag:s5], $0x30  }
0x1a: {  	[sflag:s5] =	ssyncset.done $0x0  }
0x1b: {  	s13 =	simm.s32 $0x0;
	[sflag:s5] =	ssyncadd.s32 $0xFFFFFFD0  }
.LBB2_4:
0x1c: {  	s14 =	sshll.u32 s13, $0x4  }
0x1d: {  	s14 =	sand.u32 $0x3FFFFFF0, s14  }
0x1e: {  	v0 =	vld.msk [tilespmem:s14+$0x30 ss:$0x1], $0xffff;
	_ =	sdelay $0x4  }
0x1f: {  	vm2 =	veq.s32 v0, $0x80000000;
	v1 =	vshrl.u32 v0, $0xA  }
0x20: {  	v2 =	vand.u32 $0x3, v0;
	v0 =	vshrl.u32 v0, $0x2;
	v1 =	vand.u32 $0xF, v1  }
0x21: {  	v0 =	vand.u32 $0xFF, v0;
	v2 =	vmul.u32 $0x90000, v2;
	v1 =	vmul.u32 $0xC000, v1  }
0x22: {  	v0 =	vsel vm2, $0xFFFFFFFF, v0  }
0x23: {  	v1 =	vadd.s32 v2, v1;
	v2 =	vshll.u32 v0, $0x8  }
0x24: {  	v0 =	vshll.u32 v0, $0x7;
	v1 =	vsel vm2, $0xFFF64000, v1;
	v2 =	vand.u32 $0xFFFFF800, v2  }
0x25: {  	s31 =	sshll.u32 s13, $0xC;
	v0 =	vand.u32 $0x380, v0;
	v1 =	vadd.s32 v2, v1  }
0x26: {  	s14 =	sand.u32 $0x3FFFF000, s31;
	v0 =	vor.u32 v0, v1  }
0x27: {  	p0 =	por $0x1, $0x1;
	s15 =	simm.s32 $0x0;
	s14 =	sadd.s32 $0x3060, s14;
	v0 =	vshrl.u32 v0, $0x3  }
.LBB2_5:
0x28: {  	_ =	sdelay $0x1  }
0x29: {  	s15 =	sshra.s32 s15, $0x2;
	p1 =	por p0, p0  }
.Ltmp4:
0x2a: {  	s15 =	sadd.s32 s15, s14;
	(pc) =	sbr.rel @p1 .LBB2_5-.Ltmp4, $4  }
0x2b: {  	[tilespmem:s15], [sflag:$0x1] =	stream.indirect_vreg.gather [hbm:s2], $0x80, v0, vm0, $0x38;
	[tilespmem:$0x6060] =	vst v63  }
0x2c: {  	s15 =	sadd.s32 $0x800, s15  }
0x2d: {  	[tilespmem:s15], [sflag:$0x1] =	stream.indirect_vreg.gather [hbm:s2], $0x80, v0, vm1, $0x38;
	[tilespmem:$0x6060] =	vst v63  }
0x2e: {  	p0 =	por $0x0, $0x0;
	v0 =	vadd.s32 $0x80, v0;
	s15 =	simm.s32 $0x1000  }
0x2f: {  	s13 =	sadd.s32 $0x1, s13  }
0x30: {  	p0 =	sne.s32 s13, $0x3  }
.Ltmp5:
0x31: {  	_ = 	snop;
	(pc) =	sbr.rel @p0 .LBB2_4-.Ltmp5, $1  }
0x32: {  	_ =	sdelay $0x3  }
0x33: {  	s13 =	sshll.u32 s12, $0x5  }
0x34: {  	_ =	swait.ge [sflag:s3], $0x3000;
	s31 =	sshll.u32 s12, $0x4;
	s13 =	sand.u32 $0xFFFFFF00, s13  }
0x35: {  	s14 =	simm.s32 $0x100;
	s12 =	sand.u32 $0x70, s31;
	s13 =	sadd.s32 s13, s7  }
0x36: {  	s15 =	simm.s32 $0x3860;
	[sflag:s3] =	ssyncset.done $0x0;
	s12 =	sadd.s32 s12, s13  }
0x37: {  	[sflag:s3] =	ssyncadd.s32 $0xFFFFD000;
	s13 =	simm.s32 $0x3060;
	s16 =	sadd.s32 $0x0, s12  }
.LBB2_8:
0x38: {  	[hbm:s16] =	stream.linear.scatter [tilespmem:s13], [sflag:$0x3], $0x800, $0x38;
	[tilespmem:$0x6060] =	vst v63  }
0x39: {  	s16 =	smov.u32 s14;
	s13 =	smov.u32 s15;
	p0 =	seq.s32 s14, $0x500  }
.Ltmp6:
0x3a: {  	s14 =	sadd.s32 $0x100, s14;
	(pc) =	sbr.rel @!p0 .LBB2_8-.Ltmp6, $2  }
0x3b: {  	_ =	sdelay $0x2  }
0x3c: {  	s15 =	sadd.s32 $0x800, s15;
	s16 =	sadd.s32 s16, s12  }
.Ltmp7:
0x3d: {  	(pc) =	sbr.rel .LBB2_12-.Ltmp7, $2  }
0x3e: {  	_ =	sdelay $0x2  }
0x3f: {  	[hbm:s16] =	stream.linear.scatter [tilespmem:s13], [sflag:$0x3], $0x800, $0x38;
	[tilespmem:$0x6060] =	vst v63  }
.LBB2_10:
0x40: {  	s2 =	simm.s32 $0x3  }
0x41: {  	_ =	swait.ge [sflag:s2], $0x3000  }
0x42: {  	[sflag:s2] =	ssyncset.done $0x0  }
0x43: {  	[sflag:s2] =	ssyncadd.s32 $0xFFFFD000  }
.LBB2_13:
0x44: {  	_ =	sfence.sel $0x180000  }
0x45: {  	s2 =	simm.s32 $0x2;
	[bflag:$0x0] =	sbarrier.arrive $0xFFFF  }
0x46: {  	s30 =	simm.s32 $0x3;
	[sflag:s2] =	ssyncpa.u1 $0x1  }
0x47: {  	s31 =	simm.s32 $0x1;
	[sflag:s30] =	ssyncpa.u1 $0x1  }
0x48: {  	[sflag:s31] =	ssyncpa.u1 $0x1  }
0x49: {  	p0 =	sne.s32 s1, $0x0;
	_ =	strace $0x9000006B  }
0x4a: {  	s0 =	sadd.s32 @!p0 $0x100000, s0;
	[bflag:$0x2] =	sbarrier.arrive $0xFFFF  }
0x4b: {  	[sflag:s0] =	ssyncadd.tile.s32 @!p0 $0x1;
	_ =	shalt  }
.Lfunc_end2:
_tile_overlayer_lowered:
.L_overlay_start_2:
0x4c: {  	(tag) =	ssettag $0x2  }
0x4d: {  	s0 =	rddreg [dreg:$0x0];
	s2 =	stileid.u32  }
0x4e: {  	s1 =	rddreg [dreg:$0x1];
	p0 =	sne.s32 s2, $0x0  }
0x4f: {  	s3 =	rddreg [dreg:$0x2];
	[bflag:$0x3] =	sbarrier.arrive $0xFFFF;
	s2 =	simm.s32 @!p0 $0x1C01  }
0x50: {  	[timem:s3], [sflag:s2] =	dma.local @!p0 [hbm:s0], s1  }
0x51: {  	s0 =	simm.s32 @!p0 $0x1  }
0x52: {  	_ =	swait.ge @!p0 [sflag:s0], s1  }
0x53: {  	s1 =	ssub.s32 @!p0 $0x0, s1;
	[sflag:s0] =	ssyncset.done @!p0 $0x0  }
0x54: {  	[sflag:s0] =	ssyncadd.s32 @!p0 s1  }
0x55: {  	[bflag:$0x3] =	sbarrier.arrive $0xFFFF  }
0x56: {  	_ =	shalt  }

// kernel: gather_offload_async_start.13
scs
__scs_entry_jumppad:
0x0: {  	(pc) =	sbr.rel $0x88, $3  }
0x1: {  	(tag) =	ssettag $0x0;
	lr =	simm.s32 $0x1  }
0x2: {  	[smem:$0x3F8D] =	sst lr;
	_ =	strace $0xD0000000  }
0x3: {  	_ = 	snop  }
0x4: {  	_ = 	snop  }
0x5: {  	_ = 	snop  }
0x6: {  	_ = 	snop  }
0x7: {  	_ = 	snop  }
__scs_overlays_trampoline_lowered:
0x8: {  	[smem:$0x3F9C] =	sst s0  }
0x9: {  	[smem:$0x3F9D] =	sst s1  }
0xa: {  	[smem:$0x3F9E] =	sst s2  }
0xb: {  	[smem:$0x3F9F] =	sst s3  }
0xc: {  	[smem:$0x3FA0] =	sst s4  }
0xd: {  	[smem:$0x3FA1] =	sst s5  }
0xe: {  	[smem:$0x3FA2] =	sst s6  }
0xf: {  	[smem:$0x3FA3] =	sst s7  }
0x10: {  	[smem:$0x3FA4] =	sst s8  }
0x11: {  	[smem:$0x3FA5] =	sst s9;
	s0 =	simm.s32 @!p0 $0x0  }
0x12: {  	s1 =	sld [smem:$0x3F8B];
	s0 =	simm.s32 @p0 $0x1  }
0x13: {  	[smem:$0x3FA6] =	sst s0;
	s0 =	simm.s32 @!p1 $0x0  }
0x14: {  	s2 =	sld [smem:$0x3F8A];
	s0 =	simm.s32 @p1 $0x1  }
0x15: {  	[smem:$0x3FA7] =	sst s0;
	s0 =	simm.s32 @!p2 $0x0  }
0x16: {  	s3 =	sld [smem:$0x3FDB];
	s0 =	simm.s32 @p2 $0x1  }
0x17: {  	s4 =	simm.s32 $0x1BF5;
	[smem:$0x3FA9] =	sst s0  }
0x18: {  	s0 =	sld [smem:$0x3F8C];
	_ =	swait.ge [sflag:s4], $0x0  }
0x19: {  	s7 =	sld [smem:$0x3F8D]  }
0x1a: {  	s8 =	sadd.s32 $0xFFFFE003, lr  }
0x1b: {  	s9 =	sadd.s32 $0xFFFFFEF7, lr;
	s5 =	simm.s32 $0xFFFFFFFF;
	p2 =	slt.u32 s8, $0xFFFFF086  }
0x1c: {  	p1 =	slt.u32 s9, $0xF7A;
	s5 =	simm.s32 @!p2 $0x0  }
0x1d: {  	s5 =	simm.s32 @p1 $0x1;
	p0 =	seq.s32 s7, s2  }
0x1e: {  	s7 =	smul.u32 @!p0 $0xF7A, s2;
	p2 =	seq.s32 @!p0 s5, $0x0  }
0x1f: {  	s9 =	smul.u32 $0xF7A, s1;
	s8 =	simm.s32 @!p0 $0x1BF5;
	p2 =	por !p2, p0  }
0x20: {  	[sflag:s8] =	ssyncset.s32 @!p0 $0xFFFFF086;
	s6 =	sadd.s32 @!p0 s3, s7;
	s7 =	simm.s32 @!p0 $0x108  }
0x21: {  	s3 =	sadd.s32 s3, s9;
	s6 =	sadd.s32 @!p0 $0x88, s6;
	s7 =	simm.s32 @p2 $0x1082  }
0x22: {  	[simem:s7], [sflag:s8] =	dma.local @!p0 [hbm:s6], $0xF7A  }
0x23: {  	s9 =	sor.u32 $0xD0000000, s2;
	s6 =	simm.s32 $0x108;
	_ =	swait.ge @!p0 [sflag:s8], $0x0  }
0x24: {  	s3 =	sadd.s32 $0x88, s3;
	s6 =	simm.s32 @!p1 $0x1082;
	[sflag:s4] =	ssyncset.s32 $0xFFFFF086  }
0x25: {  	[simem:s6], [sflag:s4] =	dma.local [hbm:s3], $0xF7A  }
0x26: {  	[smem:$0x3F8D] =	sst s1;
	(tag) =	ssettag s2;
	_ =	strace s9  }
0x27: {  	s1 =	sld [smem:$0x3F9D]  }
0x28: {  	s2 =	sld [smem:$0x3F9E]  }
0x29: {  	s4 =	sld [smem:$0x3FA0]  }
0x2a: {  	p0 =	seq.s32 s5, $0x0;
	s5 =	sld [smem:$0x3FA1]  }
0x2b: {  	s6 =	sld [smem:$0x3FA2]  }
0x2c: {  	s7 =	sld [smem:$0x3FA3]  }
0x2d: {  	s3 =	simm.s32 $0x108;
	s8 =	sld [smem:$0x3FA4]  }
0x2e: {  	s3 =	simm.s32 @!p0 $0x1082;
	s9 =	sld [smem:$0x3FA5]  }
0x2f: {  	lr =	sadd.s32 s0, s3;
	s0 =	sld [smem:$0x3F9C]  }
0x30: {  	s3 =	sld [smem:$0x3F9F]  }
0x31: {  	[smem:$0x3FA8] =	sst s10  }
0x32: {  	s10 =	sld [smem:$0x3FA6];
	_ =	sdelay $0x3  }
0x33: {  	p0 =	seq.s32 s10, $0x1;
	s10 =	sld [smem:$0x3FA8];
	_ =	sdelay $0x3  }
0x34: {  	[smem:$0x3FA8] =	sst s10  }
0x35: {  	s10 =	sld [smem:$0x3FA7];
	_ =	sdelay $0x3  }
0x36: {  	p1 =	seq.s32 s10, $0x1;
	s10 =	sld [smem:$0x3FA8];
	_ =	sdelay $0x3  }
0x37: {  	[smem:$0x3FA8] =	sst s10  }
0x38: {  	s10 =	sld [smem:$0x3FA9]  }
0x39: {  	_ = 	snop;
	(pc) =	sbr.ind lr, $3  }
0x3a: {  	_ = 	snop  }
0x3b: {  	_ = 	snop  }
0x3c: {  	p2 =	seq.s32 s10, $0x1;
	s10 =	sld [smem:$0x3FA8]  }
0x3d: {  	_ =	shalt  }
0x3e: {  	_ =	shalt  }
0x3f: {  	_ =	shalt  }
0x40: {  	_ =	shalt  }
0x41: {  	_ =	shalt  }
0x42: {  	_ =	shalt  }
0x43: {  	_ =	shalt  }
0x44: {  	_ =	shalt  }
0x45: {  	_ =	shalt  }
0x46: {  	_ =	shalt  }
0x47: {  	_ =	shalt  }
0x48: {  	_ =	shalt  }
0x49: {  	_ =	shalt  }
0x4a: {  	_ =	shalt  }
0x4b: {  	_ =	shalt  }
0x4c: {  	_ =	shalt  }
0x4d: {  	_ =	shalt  }
0x4e: {  	_ =	shalt  }
0x4f: {  	_ =	shalt  }
0x50: {  	_ =	shalt  }
0x51: {  	_ =	shalt  }
0x52: {  	_ =	shalt  }
0x53: {  	_ =	shalt  }
0x54: {  	_ =	shalt  }
0x55: {  	_ =	shalt  }
0x56: {  	_ =	shalt  }
0x57: {  	_ =	shalt  }
0x58: {  	_ =	shalt  }
0x59: {  	_ =	shalt  }
0x5a: {  	_ =	shalt  }
0x5b: {  	_ =	shalt  }
0x5c: {  	_ =	shalt  }
0x5d: {  	_ =	shalt  }
0x5e: {  	_ =	shalt  }
0x5f: {  	_ =	shalt  }
0x60: {  	_ =	shalt  }
0x61: {  	_ =	shalt  }
0x62: {  	_ =	shalt  }
0x63: {  	_ =	shalt  }
0x64: {  	_ =	shalt  }
0x65: {  	_ =	shalt  }
0x66: {  	_ =	shalt  }
0x67: {  	_ =	shalt  }
0x68: {  	_ =	shalt  }
0x69: {  	_ =	shalt  }
0x6a: {  	_ =	shalt  }
0x6b: {  	_ =	shalt  }
0x6c: {  	_ =	shalt  }
0x6d: {  	_ =	shalt  }
0x6e: {  	_ =	shalt  }
0x6f: {  	_ =	shalt  }
0x70: {  	_ =	shalt  }
0x71: {  	_ =	shalt  }
0x72: {  	_ =	shalt  }
0x73: {  	_ =	shalt  }
0x74: {  	_ =	shalt  }
0x75: {  	_ =	shalt  }
0x76: {  	_ =	shalt  }
0x77: {  	_ =	shalt  }
0x78: {  	_ =	shalt  }
0x79: {  	_ =	shalt  }
0x7a: {  	_ =	shalt  }
0x7b: {  	_ =	shalt  }
0x7c: {  	_ =	shalt  }
0x7d: {  	_ =	shalt  }
0x7e: {  	_ =	shalt  }
0x7f: {  	_ =	shalt  }
0x80: {  	_ =	shalt  }
0x81: {  	_ =	shalt  }
0x82: {  	_ =	shalt  }
0x83: {  	_ =	shalt  }
0x84: {  	_ =	shalt  }
0x85: {  	_ =	shalt  }
0x86: {  	_ =	shalt  }
0x87: {  	_ =	shalt  }
.Lfunc_end0:
.L_simem_size_0:
called_computation.13_lowered:
.L_overlay_start_0:
0x88: {  	s2 =	sld [smem:$0x3FD9]  }
0x89: {  	s3 =	sld [smem:$0x3FFE];
	_ =	sdelay $0x1  }
0x8a: {  	s1 =	srdreg.scid  }
0x8b: {  	s0 =	sand.u32 $0x1, s1  }
0x8c: {  	s17 =	sshll.u32 s0, $0xA;
	s2 =	sadd.s32 s3, s2  }
0x8d: {  	s2 =	sadd.s32 s2, s17  }
0x8e: {  	[smem:$0x3FB4] =	sst s2  }
0x8f: {  	_ = 	snop  }
0x90: {  	s2 =	sld [smem:$0x3FD0];
	(tm) =	ssettm $0x1  }
0x91: {  	s18 =	sld [smem:$0x3FFB];
	_ =	sdelay $0x3  }
0x92: {  	_ =	strace s18  }
0x93: {  	s3 =	sld [smem:$0x3FFC];
	_ =	sdelay $0x3  }
0x94: {  	_ =	strace s3  }
0x95: {  	s3 =	sld [smem:$0x3FFD];
	_ =	sdelay $0x3  }
0x96: {  	_ =	strace s3  }
0x97: {  	_ =	strace $0x8FFFFFFF  }
0x98: {  	s19 =	sld [smem:$0x3FDB];
	_ =	sdelay $0x1  }
0x99: {  	s4 =	simm.s32 $_scs_section_size  }
0x9a: {  	s5 =	simm.s32 $_size__tile_overlayer_lowered;
	s6 =	simm.s32 $_tile_overlayer_lowered  }
0x9b: {  	s22 =	simm.s32 $0x1BFF;
	s21 =	sshll.u32 s6, $0x1;
	s3 =	sadd.s32 s4, s19  }
0x9c: {  	s7 =	simm.s32 $0x0;
	s20 =	sshll.u32 s5, $0x1;
	s5 =	sadd.s32 s21, s3  }
0x9d: {  	[timem:s7], [sflag:s22] =	dma.local [hbm:s5], s20  }
0x9e: {  	_ =	swait.ge [sflag:s22], s20  }
0x9f: {  	s4 =	ssub.s32 $0x0, s20;
	[sflag:s22] =	ssyncset.done $0x0  }
0xa0: {  	[sflag:s22] =	ssyncadd.s32 s4;
	_ =	sdelay $0x1  }
0xa1: {  	s23 =	simm.s32 $0x1B8B  }
0xa2: {  	_ =	swait.ge [sflag:s23], $0x1  }
0xa3: {  	[sflag:s23] =	ssyncset.done $0x0  }
0xa4: {  	s25 =	simm.s32 $0x1B8E;
	s24 =	sld [smem:$0x3FFE];
	[sflag:s23] =	ssyncadd.s32 $0xFFFFFFFF  }
0xa5: {  	s26 =	simm.s32 $execute0_lowered;
	[smem:$0x3FD2] =	sst s25  }
0xa6: {  	s5 =	sshll.u32 s26, $0x1;
	_ =	strace $0x8000006D;
	[dreg:$0x1] =	wrdreg $0xFFFFFFFF  }
0xa7: {  	s28 =	simm.s32 $_size_execute0_lowered;
	s3 =	sadd.s32 s3, s5;
	[dreg:$0x0] =	wrdreg $0x0  }
0xa8: {  	s5 =	sshll.u32 s28, $0x1;
	[dreg:$0x2] =	wrdreg s3  }
0xa9: {  	[dreg:$0x3] =	wrdreg s5  }
0xaa: {  	[dreg:$0x4] =	wrdreg $0xC0  }
0xab: {  	_ =	task [dreg:s7], $0x5FFFF  }
0xac: {  	[dreg:$0x1] =	wrdreg $0xFFFFFFFF  }
0xad: {  	[dreg:$0x0] =	wrdreg $0x60  }
0xae: {  	[dreg:$0x2] =	wrdreg s24  }
0xaf: {  	[dreg:$0x3] =	wrdreg s2  }
0xb0: {  	[dreg:$0x4] =	wrdreg $0x9  }
0xb1: {  	_ =	task.clear_ibuf [dreg:s7], $0x5FFFF;
	_ =	strace $0x9000006D  }
0xb2: {  	s29 =	simm.s32 $0x9;
	_ =	strace $0x8000006F  }
0xb3: {  	_ =	swait.ge [sflag:s29], $0x1  }
0xb4: {  	[sflag:s29] =	ssyncadd.s32 $0xFFFFFFFF  }
0xb5: {  	_ =	strace $0x9000006F  }
0xb6: {  	_ =	sfence  }
0xb7: {  	s30 =	sld [smem:$0x0];
	_ =	sdelay $0x2  }
0xb8: {  	s31 =	sshll.u32 s1, $0xD;
	s1 =	sshrl.u32 s1, $0x2  }
0xb9: {  	s3 =	sand.u32 $0x4000, s31;
	s1 =	sadd.s32 s1, s30  }
0xba: {  	s0 =	sor.u32 s3, s0;
	s1 =	sshll.u32 s1, $0x11  }
0xbb: {  	s0 =	sor.u32 s1, s0  }
0xbc: {  	s0 =	sadd.s32 $0x8F2B, s0  }
0xbd: {  	[sflag:s0] =	ssyncadd.remote.s32 $0x1  }
0xbe: {  	_ =	sfence.sel $0xFFFF  }
0xbf: {  	[dreg:$0x0] =	wrdreg $0xFFFFFFFF;
	(pc) =	sbr.abs _section_cstart, $3  }
0xc0: {  	[dreg:$0x1] =	wrdreg $0xFFFFFFFF  }
0xc1: {  	_ =	task.clear_ibuf [dreg:s7], $0x2FFFF;
	_ =	strace $0x9FFFFFFF  }
0xc2: {  	(tm) =	ssettm $0x7FFFFFFF  }
0xc3: {  	_ =	shalt  }
tec
execute0_lowered:
.L_overlay_start_1:
0x0: {  	(tag) =	ssettag $0x1  }
0x1: {  	s7 =	rddreg [dreg:$0x0]  }
0x2: {  	s0 =	srdreg.scid;
	s2 =	rddreg [dreg:$0x1]  }
0x3: {  	s1 =	stileid.u32;
	s5 =	simm.s32 $0x2;
	s9 =	simm.s32 $0x3  }
0x4: {  	s3 =	sshll.u32 s0, $0x4;
	s0 =	rddreg [dreg:$0x2];
	_ =	strace $0x8000006E  }
.Ltmp0:
0x5: {  	s4 =	sand.u32 $0x10, s3;
	s3 =	simm.s32 $0x1;
	(pc) =	sbr.rel .LBB2_1-.Ltmp0, $4  }
0x6: {  	s12 =	simm.s32 $0x0;
	s4 =	sor.u32 s1, s4;
	[sflag:s3] =	ssyncpa.u1 $0x0  }
0x7: {  	s11 =	simm.s32 $0x0;
	s4 =	smul.u32 $0x30, s4;
	[sflag:s5] =	ssyncpa.u1 $0x0  }
0x8: {  	s6 =	sadd.s32 $0x35CA00, s7;
	s7 =	sadd.s32 $0x844200, s7;
	[sflag:s9] =	ssyncpa.u1 $0x0  }
0x9: {  	vm0 =	vmmov $0xff;
	vm1 =	vcmask $0x3F20;
	s9 =	simm.s32 $0x30;
	s8 =	sadd.s32 $0x30, s4;
	s10 =	smov.u32 s4  }
.LBB2_11:
0xa: {  	s12 =	sshrl.u32 s10, $0x3  }
0xb: {  	s13 =	sand.u32 $0x7, s10;
	s12 =	sadd.s32 s2, s12  }
0xc: {  	[tilespmem:s9], [sflag:$0x2] =	stream.linear.gather [hbm4b:s12+s13], $0x30, $0x38;
	[tilespmem:$0x6060] =	vst v63  }
.LBB2_12:
0xd: {  	s12 =	sadd.s32 $0x30, s10  }
0xe: {  	s13 =	smov.u32 s4;
	s11 =	sadd.s32 $0x1, s11;
	p0 =	slt.s32 s12, s8  }
0xf: {  	s13 =	smov.u32 @p0 s12;
	p0 =	sne.s32 s11, $0x3  }
.Ltmp1:
0x10: {  	_ = 	snop;
	(pc) =	sbr.rel @!p0 .LBB2_13-.Ltmp1, $2  }
0x11: {  	_ =	sdelay $0x2  }
0x12: {  	s12 =	smov.u32 s10;
	s10 =	smov.u32 s13  }
.LBB2_1:
0x13: {  	p0 =	seq.s32 s11, $0x0  }
.Ltmp2:
0x14: {  	_ = 	snop;
	(pc) =	sbr.rel @p0 .LBB2_11-.Ltmp2, $1  }
0x15: {  	_ =	sdelay $0x3  }
0x16: {  	p0 =	seq.s32 s11, $0x1  }
.Ltmp3:
0x17: {  	_ = 	snop;
	(pc) =	sbr.rel @!p0 .LBB2_10-.Ltmp3, $1  }
0x18: {  	_ =	sdelay $0x3  }
0x19: {  	_ =	swait.ge [sflag:s5], $0x30  }
0x1a: {  	[sflag:s5] =	ssyncset.done $0x0  }
0x1b: {  	s13 =	simm.s32 $0x0;
	[sflag:s5] =	ssyncadd.s32 $0xFFFFFFD0  }
.LBB2_4:
0x1c: {  	s14 =	sshll.u32 s13, $0x4  }
0x1d: {  	s14 =	sand.u32 $0x3FFFFFF0, s14  }
0x1e: {  	v0 =	vld.msk [tilespmem:s14+$0x30 ss:$0x1], $0xffff;
	_ =	sdelay $0x4  }
0x1f: {  	vm2 =	veq.s32 v0, $0x80000000;
	v1 =	vshrl.u32 v0, $0xA  }
0x20: {  	v2 =	vand.u32 $0x3, v0;
	v0 =	vshrl.u32 v0, $0x2;
	v1 =	vand.u32 $0xF, v1  }
0x21: {  	v0 =	vand.u32 $0xFF, v0;
	v2 =	vmul.u32 $0x90000, v2;
	v1 =	vmul.u32 $0xC000, v1  }
0x22: {  	v0 =	vsel vm2, $0xFFFFFFFF, v0  }
0x23: {  	v1 =	vadd.s32 v2, v1;
	v2 =	vshll.u32 v0, $0x8  }
0x24: {  	v0 =	vshll.u32 v0, $0x7;
	v1 =	vsel vm2, $0xFFF64000, v1;
	v2 =	vand.u32 $0xFFFFF800, v2  }
0x25: {  	s31 =	sshll.u32 s13, $0xC;
	v0 =	vand.u32 $0x380, v0;
	v1 =	vadd.s32 v2, v1  }
0x26: {  	s14 =	sand.u32 $0x3FFFF000, s31;
	v0 =	vor.u32 v0, v1  }
0x27: {  	p0 =	por $0x1, $0x1;
	s15 =	simm.s32 $0x0;
	s14 =	sadd.s32 $0x3060, s14;
	v0 =	vshrl.u32 v0, $0x3  }
.LBB2_5:
0x28: {  	_ =	sdelay $0x1  }
0x29: {  	s15 =	sshra.s32 s15, $0x2;
	p1 =	por p0, p0  }
.Ltmp4:
0x2a: {  	s15 =	sadd.s32 s15, s14;
	(pc) =	sbr.rel @p1 .LBB2_5-.Ltmp4, $4  }
0x2b: {  	[tilespmem:s15], [sflag:$0x1] =	stream.indirect_vreg.gather [hbm:s6], $0x80, v0, vm0, $0x38;
	[tilespmem:$0x6060] =	vst v63  }
0x2c: {  	s15 =	sadd.s32 $0x800, s15  }
0x2d: {  	[tilespmem:s15], [sflag:$0x1] =	stream.indirect_vreg.gather [hbm:s6], $0x80, v0, vm1, $0x38;
	[tilespmem:$0x6060] =	vst v63  }
0x2e: {  	p0 =	por $0x0, $0x0;
	v0 =	vadd.s32 $0x80, v0;
	s15 =	simm.s32 $0x1000  }
0x2f: {  	s13 =	sadd.s32 $0x1, s13  }
0x30: {  	p0 =	sne.s32 s13, $0x3  }
.Ltmp5:
0x31: {  	_ = 	snop;
	(pc) =	sbr.rel @p0 .LBB2_4-.Ltmp5, $1  }
0x32: {  	_ =	sdelay $0x3  }
0x33: {  	s13 =	sshll.u32 s12, $0x5  }
0x34: {  	_ =	swait.ge [sflag:s3], $0x3000;
	s31 =	sshll.u32 s12, $0x4;
	s13 =	sand.u32 $0xFFFFFF00, s13  }
0x35: {  	s14 =	simm.s32 $0x100;
	s12 =	sand.u32 $0x70, s31;
	s13 =	sadd.s32 s13, s7  }
0x36: {  	s15 =	simm.s32 $0x3860;
	[sflag:s3] =	ssyncset.done $0x0;
	s12 =	sadd.s32 s12, s13  }
0x37: {  	[sflag:s3] =	ssyncadd.s32 $0xFFFFD000;
	s13 =	simm.s32 $0x3060;
	s16 =	sadd.s32 $0x0, s12  }
.LBB2_8:
0x38: {  	[hbm:s16] =	stream.linear.scatter [tilespmem:s13], [sflag:$0x3], $0x800, $0x38;
	[tilespmem:$0x6060] =	vst v63  }
0x39: {  	s16 =	smov.u32 s14;
	s13 =	smov.u32 s15;
	p0 =	seq.s32 s14, $0x500  }
.Ltmp6:
0x3a: {  	s14 =	sadd.s32 $0x100, s14;
	(pc) =	sbr.rel @!p0 .LBB2_8-.Ltmp6, $2  }
0x3b: {  	_ =	sdelay $0x2  }
0x3c: {  	s15 =	sadd.s32 $0x800, s15;
	s16 =	sadd.s32 s16, s12  }
.Ltmp7:
0x3d: {  	(pc) =	sbr.rel .LBB2_12-.Ltmp7, $2  }
0x3e: {  	_ =	sdelay $0x2  }
0x3f: {  	[hbm:s16] =	stream.linear.scatter [tilespmem:s13], [sflag:$0x3], $0x800, $0x38;
	[tilespmem:$0x6060] =	vst v63  }
.LBB2_10:
0x40: {  	s2 =	simm.s32 $0x3  }
0x41: {  	_ =	swait.ge [sflag:s2], $0x3000  }
0x42: {  	[sflag:s2] =	ssyncset.done $0x0  }
0x43: {  	[sflag:s2] =	ssyncadd.s32 $0xFFFFD000  }
.LBB2_13:
0x44: {  	_ =	sfence.sel $0x180000  }
0x45: {  	s2 =	simm.s32 $0x2;
	[bflag:$0x0] =	sbarrier.arrive $0xFFFF  }
0x46: {  	s30 =	simm.s32 $0x3;
	[sflag:s2] =	ssyncpa.u1 $0x1  }
0x47: {  	s31 =	simm.s32 $0x1;
	[sflag:s30] =	ssyncpa.u1 $0x1  }
0x48: {  	[sflag:s31] =	ssyncpa.u1 $0x1  }
0x49: {  	p0 =	sne.s32 s1, $0x0;
	_ =	strace $0x9000006E  }
0x4a: {  	s0 =	sadd.s32 @!p0 $0x100000, s0;
	[bflag:$0x2] =	sbarrier.arrive $0xFFFF  }
0x4b: {  	[sflag:s0] =	ssyncadd.tile.s32 @!p0 $0x1;
	_ =	shalt  }
.Lfunc_end2:
_tile_overlayer_lowered:
.L_overlay_start_2:
0x4c: {  	(tag) =	ssettag $0x2  }
0x4d: {  	s0 =	rddreg [dreg:$0x0];
	s2 =	stileid.u32  }
0x4e: {  	s1 =	rddreg [dreg:$0x1];
	p0 =	sne.s32 s2, $0x0  }
0x4f: {  	s3 =	rddreg [dreg:$0x2];
	[bflag:$0x3] =	sbarrier.arrive $0xFFFF;
	s2 =	simm.s32 @!p0 $0x1C01  }
0x50: {  	[timem:s3], [sflag:s2] =	dma.local @!p0 [hbm:s0], s1  }
0x51: {  	s0 =	simm.s32 @!p0 $0x1  }
0x52: {  	_ =	swait.ge @!p0 [sflag:s0], s1  }
0x53: {  	s1 =	ssub.s32 @!p0 $0x0, s1;
	[sflag:s0] =	ssyncset.done @!p0 $0x0  }
0x54: {  	[sflag:s0] =	ssyncadd.s32 @!p0 s1  }
0x55: {  	[bflag:$0x3] =	sbarrier.arrive $0xFFFF  }
0x56: {  	_ =	shalt  }

// kernel: gather_offload_async_start.14
scs
__scs_entry_jumppad:
0x0: {  	(pc) =	sbr.rel $0x88, $3  }
0x1: {  	(tag) =	ssettag $0x0;
	lr =	simm.s32 $0x1  }
0x2: {  	[smem:$0x3F8D] =	sst lr;
	_ =	strace $0xD0000000  }
0x3: {  	_ = 	snop  }
0x4: {  	_ = 	snop  }
0x5: {  	_ = 	snop  }
0x6: {  	_ = 	snop  }
0x7: {  	_ = 	snop  }
__scs_overlays_trampoline_lowered:
0x8: {  	[smem:$0x3F9C] =	sst s0  }
0x9: {  	[smem:$0x3F9D] =	sst s1  }
0xa: {  	[smem:$0x3F9E] =	sst s2  }
0xb: {  	[smem:$0x3F9F] =	sst s3  }
0xc: {  	[smem:$0x3FA0] =	sst s4  }
0xd: {  	[smem:$0x3FA1] =	sst s5  }
0xe: {  	[smem:$0x3FA2] =	sst s6  }
0xf: {  	[smem:$0x3FA3] =	sst s7  }
0x10: {  	[smem:$0x3FA4] =	sst s8  }
0x11: {  	[smem:$0x3FA5] =	sst s9;
	s0 =	simm.s32 @!p0 $0x0  }
0x12: {  	s1 =	sld [smem:$0x3F8B];
	s0 =	simm.s32 @p0 $0x1  }
0x13: {  	[smem:$0x3FA6] =	sst s0;
	s0 =	simm.s32 @!p1 $0x0  }
0x14: {  	s2 =	sld [smem:$0x3F8A];
	s0 =	simm.s32 @p1 $0x1  }
0x15: {  	[smem:$0x3FA7] =	sst s0;
	s0 =	simm.s32 @!p2 $0x0  }
0x16: {  	s3 =	sld [smem:$0x3FDB];
	s0 =	simm.s32 @p2 $0x1  }
0x17: {  	s4 =	simm.s32 $0x1BF5;
	[smem:$0x3FA9] =	sst s0  }
0x18: {  	s0 =	sld [smem:$0x3F8C];
	_ =	swait.ge [sflag:s4], $0x0  }
0x19: {  	s7 =	sld [smem:$0x3F8D]  }
0x1a: {  	s8 =	sadd.s32 $0xFFFFE003, lr  }
0x1b: {  	s9 =	sadd.s32 $0xFFFFFEF7, lr;
	s5 =	simm.s32 $0xFFFFFFFF;
	p2 =	slt.u32 s8, $0xFFFFF086  }
0x1c: {  	p1 =	slt.u32 s9, $0xF7A;
	s5 =	simm.s32 @!p2 $0x0  }
0x1d: {  	s5 =	simm.s32 @p1 $0x1;
	p0 =	seq.s32 s7, s2  }
0x1e: {  	s7 =	smul.u32 @!p0 $0xF7A, s2;
	p2 =	seq.s32 @!p0 s5, $0x0  }
0x1f: {  	s9 =	smul.u32 $0xF7A, s1;
	s8 =	simm.s32 @!p0 $0x1BF5;
	p2 =	por !p2, p0  }
0x20: {  	[sflag:s8] =	ssyncset.s32 @!p0 $0xFFFFF086;
	s6 =	sadd.s32 @!p0 s3, s7;
	s7 =	simm.s32 @!p0 $0x108  }
0x21: {  	s3 =	sadd.s32 s3, s9;
	s6 =	sadd.s32 @!p0 $0x88, s6;
	s7 =	simm.s32 @p2 $0x1082  }
0x22: {  	[simem:s7], [sflag:s8] =	dma.local @!p0 [hbm:s6], $0xF7A  }
0x23: {  	s9 =	sor.u32 $0xD0000000, s2;
	s6 =	simm.s32 $0x108;
	_ =	swait.ge @!p0 [sflag:s8], $0x0  }
0x24: {  	s3 =	sadd.s32 $0x88, s3;
	s6 =	simm.s32 @!p1 $0x1082;
	[sflag:s4] =	ssyncset.s32 $0xFFFFF086  }
0x25: {  	[simem:s6], [sflag:s4] =	dma.local [hbm:s3], $0xF7A  }
0x26: {  	[smem:$0x3F8D] =	sst s1;
	(tag) =	ssettag s2;
	_ =	strace s9  }
0x27: {  	s1 =	sld [smem:$0x3F9D]  }
0x28: {  	s2 =	sld [smem:$0x3F9E]  }
0x29: {  	s4 =	sld [smem:$0x3FA0]  }
0x2a: {  	p0 =	seq.s32 s5, $0x0;
	s5 =	sld [smem:$0x3FA1]  }
0x2b: {  	s6 =	sld [smem:$0x3FA2]  }
0x2c: {  	s7 =	sld [smem:$0x3FA3]  }
0x2d: {  	s3 =	simm.s32 $0x108;
	s8 =	sld [smem:$0x3FA4]  }
0x2e: {  	s3 =	simm.s32 @!p0 $0x1082;
	s9 =	sld [smem:$0x3FA5]  }
0x2f: {  	lr =	sadd.s32 s0, s3;
	s0 =	sld [smem:$0x3F9C]  }
0x30: {  	s3 =	sld [smem:$0x3F9F]  }
0x31: {  	[smem:$0x3FA8] =	sst s10  }
0x32: {  	s10 =	sld [smem:$0x3FA6];
	_ =	sdelay $0x3  }
0x33: {  	p0 =	seq.s32 s10, $0x1;
	s10 =	sld [smem:$0x3FA8];
	_ =	sdelay $0x3  }
0x34: {  	[smem:$0x3FA8] =	sst s10  }
0x35: {  	s10 =	sld [smem:$0x3FA7];
	_ =	sdelay $0x3  }
0x36: {  	p1 =	seq.s32 s10, $0x1;
	s10 =	sld [smem:$0x3FA8];
	_ =	sdelay $0x3  }
0x37: {  	[smem:$0x3FA8] =	sst s10  }
0x38: {  	s10 =	sld [smem:$0x3FA9]  }
0x39: {  	_ = 	snop;
	(pc) =	sbr.ind lr, $3  }
0x3a: {  	_ = 	snop  }
0x3b: {  	_ = 	snop  }
0x3c: {  	p2 =	seq.s32 s10, $0x1;
	s10 =	sld [smem:$0x3FA8]  }
0x3d: {  	_ =	shalt  }
0x3e: {  	_ =	shalt  }
0x3f: {  	_ =	shalt  }
0x40: {  	_ =	shalt  }
0x41: {  	_ =	shalt  }
0x42: {  	_ =	shalt  }
0x43: {  	_ =	shalt  }
0x44: {  	_ =	shalt  }
0x45: {  	_ =	shalt  }
0x46: {  	_ =	shalt  }
0x47: {  	_ =	shalt  }
0x48: {  	_ =	shalt  }
0x49: {  	_ =	shalt  }
0x4a: {  	_ =	shalt  }
0x4b: {  	_ =	shalt  }
0x4c: {  	_ =	shalt  }
0x4d: {  	_ =	shalt  }
0x4e: {  	_ =	shalt  }
0x4f: {  	_ =	shalt  }
0x50: {  	_ =	shalt  }
0x51: {  	_ =	shalt  }
0x52: {  	_ =	shalt  }
0x53: {  	_ =	shalt  }
0x54: {  	_ =	shalt  }
0x55: {  	_ =	shalt  }
0x56: {  	_ =	shalt  }
0x57: {  	_ =	shalt  }
0x58: {  	_ =	shalt  }
0x59: {  	_ =	shalt  }
0x5a: {  	_ =	shalt  }
0x5b: {  	_ =	shalt  }
0x5c: {  	_ =	shalt  }
0x5d: {  	_ =	shalt  }
0x5e: {  	_ =	shalt  }
0x5f: {  	_ =	shalt  }
0x60: {  	_ =	shalt  }
0x61: {  	_ =	shalt  }
0x62: {  	_ =	shalt  }
0x63: {  	_ =	shalt  }
0x64: {  	_ =	shalt  }
0x65: {  	_ =	shalt  }
0x66: {  	_ =	shalt  }
0x67: {  	_ =	shalt  }
0x68: {  	_ =	shalt  }
0x69: {  	_ =	shalt  }
0x6a: {  	_ =	shalt  }
0x6b: {  	_ =	shalt  }
0x6c: {  	_ =	shalt  }
0x6d: {  	_ =	shalt  }
0x6e: {  	_ =	shalt  }
0x6f: {  	_ =	shalt  }
0x70: {  	_ =	shalt  }
0x71: {  	_ =	shalt  }
0x72: {  	_ =	shalt  }
0x73: {  	_ =	shalt  }
0x74: {  	_ =	shalt  }
0x75: {  	_ =	shalt  }
0x76: {  	_ =	shalt  }
0x77: {  	_ =	shalt  }
0x78: {  	_ =	shalt  }
0x79: {  	_ =	shalt  }
0x7a: {  	_ =	shalt  }
0x7b: {  	_ =	shalt  }
0x7c: {  	_ =	shalt  }
0x7d: {  	_ =	shalt  }
0x7e: {  	_ =	shalt  }
0x7f: {  	_ =	shalt  }
0x80: {  	_ =	shalt  }
0x81: {  	_ =	shalt  }
0x82: {  	_ =	shalt  }
0x83: {  	_ =	shalt  }
0x84: {  	_ =	shalt  }
0x85: {  	_ =	shalt  }
0x86: {  	_ =	shalt  }
0x87: {  	_ =	shalt  }
.Lfunc_end0:
.L_simem_size_0:
called_computation.14_lowered:
.L_overlay_start_0:
0x88: {  	s2 =	sld [smem:$0x3FD9]  }
0x89: {  	s3 =	sld [smem:$0x3FFE];
	_ =	sdelay $0x1  }
0x8a: {  	s1 =	srdreg.scid  }
0x8b: {  	s0 =	sand.u32 $0x1, s1  }
0x8c: {  	s17 =	sshll.u32 s0, $0xA;
	s2 =	sadd.s32 s3, s2  }
0x8d: {  	s2 =	sadd.s32 s2, s17  }
0x8e: {  	[smem:$0x3FB4] =	sst s2  }
0x8f: {  	_ = 	snop  }
0x90: {  	s2 =	sld [smem:$0x3FD0];
	(tm) =	ssettm $0x1  }
0x91: {  	s18 =	sld [smem:$0x3FFB];
	_ =	sdelay $0x3  }
0x92: {  	_ =	strace s18  }
0x93: {  	s3 =	sld [smem:$0x3FFC];
	_ =	sdelay $0x3  }
0x94: {  	_ =	strace s3  }
0x95: {  	s3 =	sld [smem:$0x3FFD];
	_ =	sdelay $0x3  }
0x96: {  	_ =	strace s3  }
0x97: {  	_ =	strace $0x8FFFFFFF  }
0x98: {  	s19 =	sld [smem:$0x3FDB];
	_ =	sdelay $0x1  }
0x99: {  	s4 =	simm.s32 $_scs_section_size  }
0x9a: {  	s5 =	simm.s32 $_size__tile_overlayer_lowered;
	s6 =	simm.s32 $_tile_overlayer_lowered  }
0x9b: {  	s22 =	simm.s32 $0x1BFF;
	s21 =	sshll.u32 s6, $0x1;
	s3 =	sadd.s32 s4, s19  }
0x9c: {  	s7 =	simm.s32 $0x0;
	s20 =	sshll.u32 s5, $0x1;
	s5 =	sadd.s32 s21, s3  }
0x9d: {  	[timem:s7], [sflag:s22] =	dma.local [hbm:s5], s20  }
0x9e: {  	_ =	swait.ge [sflag:s22], s20  }
0x9f: {  	s4 =	ssub.s32 $0x0, s20;
	[sflag:s22] =	ssyncset.done $0x0  }
0xa0: {  	[sflag:s22] =	ssyncadd.s32 s4;
	_ =	sdelay $0x1  }
0xa1: {  	s23 =	simm.s32 $0x1B8B  }
0xa2: {  	_ =	swait.ge [sflag:s23], $0x1  }
0xa3: {  	[sflag:s23] =	ssyncset.done $0x0  }
0xa4: {  	s25 =	simm.s32 $0x1B8E;
	s24 =	sld [smem:$0x3FFE];
	[sflag:s23] =	ssyncadd.s32 $0xFFFFFFFF  }
0xa5: {  	s26 =	simm.s32 $execute0_lowered;
	[smem:$0x3FD2] =	sst s25  }
0xa6: {  	s5 =	sshll.u32 s26, $0x1;
	_ =	strace $0x80000070;
	[dreg:$0x1] =	wrdreg $0xFFFFFFFF  }
0xa7: {  	s28 =	simm.s32 $_size_execute0_lowered;
	s3 =	sadd.s32 s3, s5;
	[dreg:$0x0] =	wrdreg $0x0  }
0xa8: {  	s5 =	sshll.u32 s28, $0x1;
	[dreg:$0x2] =	wrdreg s3  }
0xa9: {  	[dreg:$0x3] =	wrdreg s5  }
0xaa: {  	[dreg:$0x4] =	wrdreg $0xC0  }
0xab: {  	_ =	task [dreg:s7], $0x5FFFF  }
0xac: {  	[dreg:$0x1] =	wrdreg $0xFFFFFFFF  }
0xad: {  	[dreg:$0x0] =	wrdreg $0x60  }
0xae: {  	[dreg:$0x2] =	wrdreg s24  }
0xaf: {  	[dreg:$0x3] =	wrdreg s2  }
0xb0: {  	[dreg:$0x4] =	wrdreg $0x9  }
0xb1: {  	_ =	task.clear_ibuf [dreg:s7], $0x5FFFF;
	_ =	strace $0x90000070  }
0xb2: {  	s29 =	simm.s32 $0x9;
	_ =	strace $0x80000072  }
0xb3: {  	_ =	swait.ge [sflag:s29], $0x1  }
0xb4: {  	[sflag:s29] =	ssyncadd.s32 $0xFFFFFFFF  }
0xb5: {  	_ =	strace $0x90000072  }
0xb6: {  	_ =	sfence  }
0xb7: {  	s30 =	sld [smem:$0x0];
	_ =	sdelay $0x2  }
0xb8: {  	s31 =	sshll.u32 s1, $0xD;
	s1 =	sshrl.u32 s1, $0x2  }
0xb9: {  	s3 =	sand.u32 $0x4000, s31;
	s1 =	sadd.s32 s1, s30  }
0xba: {  	s0 =	sor.u32 s3, s0;
	s1 =	sshll.u32 s1, $0x11  }
0xbb: {  	s0 =	sor.u32 s1, s0  }
0xbc: {  	s0 =	sadd.s32 $0x8F2B, s0  }
0xbd: {  	[sflag:s0] =	ssyncadd.remote.s32 $0x1  }
0xbe: {  	_ =	sfence.sel $0xFFFF  }
0xbf: {  	[dreg:$0x0] =	wrdreg $0xFFFFFFFF;
	(pc) =	sbr.abs _section_cstart, $3  }
0xc0: {  	[dreg:$0x1] =	wrdreg $0xFFFFFFFF  }
0xc1: {  	_ =	task.clear_ibuf [dreg:s7], $0x2FFFF;
	_ =	strace $0x9FFFFFFF  }
0xc2: {  	(tm) =	ssettm $0x7FFFFFFF  }
0xc3: {  	_ =	shalt  }
tec
execute0_lowered:
.L_overlay_start_1:
0x0: {  	(tag) =	ssettag $0x1  }
0x1: {  	s7 =	rddreg [dreg:$0x0]  }
0x2: {  	s0 =	srdreg.scid;
	s2 =	rddreg [dreg:$0x1]  }
0x3: {  	s1 =	stileid.u32;
	s5 =	simm.s32 $0x2;
	s9 =	simm.s32 $0x3  }
0x4: {  	s3 =	sshll.u32 s0, $0x4;
	s0 =	rddreg [dreg:$0x2];
	_ =	strace $0x80000071  }
.Ltmp0:
0x5: {  	s4 =	sand.u32 $0x10, s3;
	s3 =	simm.s32 $0x1;
	(pc) =	sbr.rel .LBB2_1-.Ltmp0, $4  }
0x6: {  	s12 =	simm.s32 $0x0;
	s4 =	sor.u32 s1, s4;
	[sflag:s3] =	ssyncpa.u1 $0x0  }
0x7: {  	s11 =	simm.s32 $0x0;
	s4 =	smul.u32 $0x30, s4;
	[sflag:s5] =	ssyncpa.u1 $0x0  }
0x8: {  	s6 =	sadd.s32 $0x35CA00, s7;
	s7 =	sadd.s32 $0x844200, s7;
	[sflag:s9] =	ssyncpa.u1 $0x0  }
0x9: {  	vm0 =	vmmov $0xff;
	vm1 =	vcmask $0x3F20;
	s9 =	simm.s32 $0x30;
	s8 =	sadd.s32 $0x30, s4;
	s10 =	smov.u32 s4  }
.LBB2_11:
0xa: {  	s12 =	sshrl.u32 s10, $0x3  }
0xb: {  	s13 =	sand.u32 $0x7, s10;
	s12 =	sadd.s32 s2, s12  }
0xc: {  	[tilespmem:s9], [sflag:$0x2] =	stream.linear.gather [hbm4b:s12+s13], $0x30, $0x38;
	[tilespmem:$0x6060] =	vst v63  }
.LBB2_12:
0xd: {  	s12 =	sadd.s32 $0x30, s10  }
0xe: {  	s13 =	smov.u32 s4;
	s11 =	sadd.s32 $0x1, s11;
	p0 =	slt.s32 s12, s8  }
0xf: {  	s13 =	smov.u32 @p0 s12;
	p0 =	sne.s32 s11, $0x3  }
.Ltmp1:
0x10: {  	_ = 	snop;
	(pc) =	sbr.rel @!p0 .LBB2_13-.Ltmp1, $2  }
0x11: {  	_ =	sdelay $0x2  }
0x12: {  	s12 =	smov.u32 s10;
	s10 =	smov.u32 s13  }
.LBB2_1:
0x13: {  	p0 =	seq.s32 s11, $0x0  }
.Ltmp2:
0x14: {  	_ = 	snop;
	(pc) =	sbr.rel @p0 .LBB2_11-.Ltmp2, $1  }
0x15: {  	_ =	sdelay $0x3  }
0x16: {  	p0 =	seq.s32 s11, $0x1  }
.Ltmp3:
0x17: {  	_ = 	snop;
	(pc) =	sbr.rel @!p0 .LBB2_10-.Ltmp3, $1  }
0x18: {  	_ =	sdelay $0x3  }
0x19: {  	_ =	swait.ge [sflag:s5], $0x30  }
0x1a: {  	[sflag:s5] =	ssyncset.done $0x0  }
0x1b: {  	s13 =	simm.s32 $0x0;
	[sflag:s5] =	ssyncadd.s32 $0xFFFFFFD0  }
.LBB2_4:
0x1c: {  	s14 =	sshll.u32 s13, $0x4  }
0x1d: {  	s14 =	sand.u32 $0x3FFFFFF0, s14  }
0x1e: {  	v0 =	vld.msk [tilespmem:s14+$0x30 ss:$0x1], $0xffff;
	_ =	sdelay $0x4  }
0x1f: {  	vm2 =	veq.s32 v0, $0x80000000;
	v1 =	vshrl.u32 v0, $0xA  }
0x20: {  	v2 =	vand.u32 $0x3, v0;
	v0 =	vshrl.u32 v0, $0x2;
	v1 =	vand.u32 $0xF, v1  }
0x21: {  	v0 =	vand.u32 $0xFF, v0;
	v2 =	vmul.u32 $0x90000, v2;
	v1 =	vmul.u32 $0xC000, v1  }
0x22: {  	v0 =	vsel vm2, $0xFFFFFFFF, v0  }
0x23: {  	v1 =	vadd.s32 v2, v1;
	v2 =	vshll.u32 v0, $0x8  }
0x24: {  	v0 =	vshll.u32 v0, $0x7;
	v1 =	vsel vm2, $0xFFF64000, v1;
	v2 =	vand.u32 $0xFFFFF800, v2  }
0x25: {  	s31 =	sshll.u32 s13, $0xC;
	v0 =	vand.u32 $0x380, v0;
	v1 =	vadd.s32 v2, v1  }
0x26: {  	s14 =	sand.u32 $0x3FFFF000, s31;
	v0 =	vor.u32 v0, v1  }
0x27: {  	p0 =	por $0x1, $0x1;
	s15 =	simm.s32 $0x0;
	s14 =	sadd.s32 $0x3060, s14;
	v0 =	vshrl.u32 v0, $0x3  }
.LBB2_5:
0x28: {  	_ =	sdelay $0x1  }
0x29: {  	s15 =	sshra.s32 s15, $0x2;
	p1 =	por p0, p0  }
.Ltmp4:
0x2a: {  	s15 =	sadd.s32 s15, s14;
	(pc) =	sbr.rel @p1 .LBB2_5-.Ltmp4, $4  }
0x2b: {  	[tilespmem:s15], [sflag:$0x1] =	stream.indirect_vreg.gather [hbm:s6], $0x80, v0, vm0, $0x38;
	[tilespmem:$0x6060] =	vst v63  }
0x2c: {  	s15 =	sadd.s32 $0x800, s15  }
0x2d: {  	[tilespmem:s15], [sflag:$0x1] =	stream.indirect_vreg.gather [hbm:s6], $0x80, v0, vm1, $0x38;
	[tilespmem:$0x6060] =	vst v63  }
0x2e: {  	p0 =	por $0x0, $0x0;
	v0 =	vadd.s32 $0x80, v0;
	s15 =	simm.s32 $0x1000  }
0x2f: {  	s13 =	sadd.s32 $0x1, s13  }
0x30: {  	p0 =	sne.s32 s13, $0x3  }
.Ltmp5:
0x31: {  	_ = 	snop;
	(pc) =	sbr.rel @p0 .LBB2_4-.Ltmp5, $1  }
0x32: {  	_ =	sdelay $0x3  }
0x33: {  	s13 =	sshll.u32 s12, $0x5  }
0x34: {  	_ =	swait.ge [sflag:s3], $0x3000;
	s31 =	sshll.u32 s12, $0x4;
	s13 =	sand.u32 $0xFFFFFF00, s13  }
0x35: {  	s14 =	simm.s32 $0x100;
	s12 =	sand.u32 $0x70, s31;
	s13 =	sadd.s32 s13, s7  }
0x36: {  	s15 =	simm.s32 $0x3860;
	[sflag:s3] =	ssyncset.done $0x0;
	s12 =	sadd.s32 s12, s13  }
0x37: {  	[sflag:s3] =	ssyncadd.s32 $0xFFFFD000;
	s13 =	simm.s32 $0x3060;
	s16 =	sadd.s32 $0x0, s12  }
.LBB2_8:
0x38: {  	[hbm:s16] =	stream.linear.scatter [tilespmem:s13], [sflag:$0x3], $0x800, $0x38;
	[tilespmem:$0x6060] =	vst v63  }
0x39: {  	s16 =	smov.u32 s14;
	s13 =	smov.u32 s15;
	p0 =	seq.s32 s14, $0x500  }
.Ltmp6:
0x3a: {  	s14 =	sadd.s32 $0x100, s14;
	(pc) =	sbr.rel @!p0 .LBB2_8-.Ltmp6, $2  }
0x3b: {  	_ =	sdelay $0x2  }
0x3c: {  	s15 =	sadd.s32 $0x800, s15;
	s16 =	sadd.s32 s16, s12  }
.Ltmp7:
0x3d: {  	(pc) =	sbr.rel .LBB2_12-.Ltmp7, $2  }
0x3e: {  	_ =	sdelay $0x2  }
0x3f: {  	[hbm:s16] =	stream.linear.scatter [tilespmem:s13], [sflag:$0x3], $0x800, $0x38;
	[tilespmem:$0x6060] =	vst v63  }
.LBB2_10:
0x40: {  	s2 =	simm.s32 $0x3  }
0x41: {  	_ =	swait.ge [sflag:s2], $0x3000  }
0x42: {  	[sflag:s2] =	ssyncset.done $0x0  }
0x43: {  	[sflag:s2] =	ssyncadd.s32 $0xFFFFD000  }
.LBB2_13:
0x44: {  	_ =	sfence.sel $0x180000  }
0x45: {  	s2 =	simm.s32 $0x2;
	[bflag:$0x0] =	sbarrier.arrive $0xFFFF  }
0x46: {  	s30 =	simm.s32 $0x3;
	[sflag:s2] =	ssyncpa.u1 $0x1  }
0x47: {  	s31 =	simm.s32 $0x1;
	[sflag:s30] =	ssyncpa.u1 $0x1  }
0x48: {  	[sflag:s31] =	ssyncpa.u1 $0x1  }
0x49: {  	p0 =	sne.s32 s1, $0x0;
	_ =	strace $0x90000071  }
0x4a: {  	s0 =	sadd.s32 @!p0 $0x100000, s0;
	[bflag:$0x2] =	sbarrier.arrive $0xFFFF  }
0x4b: {  	[sflag:s0] =	ssyncadd.tile.s32 @!p0 $0x1;
	_ =	shalt  }
.Lfunc_end2:
_tile_overlayer_lowered:
.L_overlay_start_2:
0x4c: {  	(tag) =	ssettag $0x2  }
0x4d: {  	s0 =	rddreg [dreg:$0x0];
	s2 =	stileid.u32  }
0x4e: {  	s1 =	rddreg [dreg:$0x1];
	p0 =	sne.s32 s2, $0x0  }
0x4f: {  	s3 =	rddreg [dreg:$0x2];
	[bflag:$0x3] =	sbarrier.arrive $0xFFFF;
	s2 =	simm.s32 @!p0 $0x1C01  }
0x50: {  	[timem:s3], [sflag:s2] =	dma.local @!p0 [hbm:s0], s1  }
0x51: {  	s0 =	simm.s32 @!p0 $0x1  }
0x52: {  	_ =	swait.ge @!p0 [sflag:s0], s1  }
0x53: {  	s1 =	ssub.s32 @!p0 $0x0, s1;
	[sflag:s0] =	ssyncset.done @!p0 $0x0  }
0x54: {  	[sflag:s0] =	ssyncadd.s32 @!p0 s1  }
0x55: {  	[bflag:$0x3] =	sbarrier.arrive $0xFFFF  }
0x56: {  	_ =	shalt  }

// kernel: gather_offload_async_start.15
scs
__scs_entry_jumppad:
0x0: {  	(pc) =	sbr.rel $0x88, $3  }
0x1: {  	(tag) =	ssettag $0x0;
	lr =	simm.s32 $0x1  }
0x2: {  	[smem:$0x3F8D] =	sst lr;
	_ =	strace $0xD0000000  }
0x3: {  	_ = 	snop  }
0x4: {  	_ = 	snop  }
0x5: {  	_ = 	snop  }
0x6: {  	_ = 	snop  }
0x7: {  	_ = 	snop  }
__scs_overlays_trampoline_lowered:
0x8: {  	[smem:$0x3F9C] =	sst s0  }
0x9: {  	[smem:$0x3F9D] =	sst s1  }
0xa: {  	[smem:$0x3F9E] =	sst s2  }
0xb: {  	[smem:$0x3F9F] =	sst s3  }
0xc: {  	[smem:$0x3FA0] =	sst s4  }
0xd: {  	[smem:$0x3FA1] =	sst s5  }
0xe: {  	[smem:$0x3FA2] =	sst s6  }
0xf: {  	[smem:$0x3FA3] =	sst s7  }
0x10: {  	[smem:$0x3FA4] =	sst s8  }
0x11: {  	[smem:$0x3FA5] =	sst s9;
	s0 =	simm.s32 @!p0 $0x0  }
0x12: {  	s1 =	sld [smem:$0x3F8B];
	s0 =	simm.s32 @p0 $0x1  }
0x13: {  	[smem:$0x3FA6] =	sst s0;
	s0 =	simm.s32 @!p1 $0x0  }
0x14: {  	s2 =	sld [smem:$0x3F8A];
	s0 =	simm.s32 @p1 $0x1  }
0x15: {  	[smem:$0x3FA7] =	sst s0;
	s0 =	simm.s32 @!p2 $0x0  }
0x16: {  	s3 =	sld [smem:$0x3FDB];
	s0 =	simm.s32 @p2 $0x1  }
0x17: {  	s4 =	simm.s32 $0x1BF5;
	[smem:$0x3FA9] =	sst s0  }
0x18: {  	s0 =	sld [smem:$0x3F8C];
	_ =	swait.ge [sflag:s4], $0x0  }
0x19: {  	s7 =	sld [smem:$0x3F8D]  }
0x1a: {  	s8 =	sadd.s32 $0xFFFFE003, lr  }
0x1b: {  	s9 =	sadd.s32 $0xFFFFFEF7, lr;
	s5 =	simm.s32 $0xFFFFFFFF;
	p2 =	slt.u32 s8, $0xFFFFF086  }
0x1c: {  	p1 =	slt.u32 s9, $0xF7A;
	s5 =	simm.s32 @!p2 $0x0  }
0x1d: {  	s5 =	simm.s32 @p1 $0x1;
	p0 =	seq.s32 s7, s2  }
0x1e: {  	s7 =	smul.u32 @!p0 $0xF7A, s2;
	p2 =	seq.s32 @!p0 s5, $0x0  }
0x1f: {  	s9 =	smul.u32 $0xF7A, s1;
	s8 =	simm.s32 @!p0 $0x1BF5;
	p2 =	por !p2, p0  }
0x20: {  	[sflag:s8] =	ssyncset.s32 @!p0 $0xFFFFF086;
	s6 =	sadd.s32 @!p0 s3, s7;
	s7 =	simm.s32 @!p0 $0x108  }
0x21: {  	s3 =	sadd.s32 s3, s9;
	s6 =	sadd.s32 @!p0 $0x88, s6;
	s7 =	simm.s32 @p2 $0x1082  }
0x22: {  	[simem:s7], [sflag:s8] =	dma.local @!p0 [hbm:s6], $0xF7A  }
0x23: {  	s9 =	sor.u32 $0xD0000000, s2;
	s6 =	simm.s32 $0x108;
	_ =	swait.ge @!p0 [sflag:s8], $0x0  }
0x24: {  	s3 =	sadd.s32 $0x88, s3;
	s6 =	simm.s32 @!p1 $0x1082;
	[sflag:s4] =	ssyncset.s32 $0xFFFFF086  }
0x25: {  	[simem:s6], [sflag:s4] =	dma.local [hbm:s3], $0xF7A  }
0x26: {  	[smem:$0x3F8D] =	sst s1;
	(tag) =	ssettag s2;
	_ =	strace s9  }
0x27: {  	s1 =	sld [smem:$0x3F9D]  }
0x28: {  	s2 =	sld [smem:$0x3F9E]  }
0x29: {  	s4 =	sld [smem:$0x3FA0]  }
0x2a: {  	p0 =	seq.s32 s5, $0x0;
	s5 =	sld [smem:$0x3FA1]  }
0x2b: {  	s6 =	sld [smem:$0x3FA2]  }
0x2c: {  	s7 =	sld [smem:$0x3FA3]  }
0x2d: {  	s3 =	simm.s32 $0x108;
	s8 =	sld [smem:$0x3FA4]  }
0x2e: {  	s3 =	simm.s32 @!p0 $0x1082;
	s9 =	sld [smem:$0x3FA5]  }
0x2f: {  	lr =	sadd.s32 s0, s3;
	s0 =	sld [smem:$0x3F9C]  }
0x30: {  	s3 =	sld [smem:$0x3F9F]  }
0x31: {  	[smem:$0x3FA8] =	sst s10  }
0x32: {  	s10 =	sld [smem:$0x3FA6];
	_ =	sdelay $0x3  }
0x33: {  	p0 =	seq.s32 s10, $0x1;
	s10 =	sld [smem:$0x3FA8];
	_ =	sdelay $0x3  }
0x34: {  	[smem:$0x3FA8] =	sst s10  }
0x35: {  	s10 =	sld [smem:$0x3FA7];
	_ =	sdelay $0x3  }
0x36: {  	p1 =	seq.s32 s10, $0x1;
	s10 =	sld [smem:$0x3FA8];
	_ =	sdelay $0x3  }
0x37: {  	[smem:$0x3FA8] =	sst s10  }
0x38: {  	s10 =	sld [smem:$0x3FA9]  }
0x39: {  	_ = 	snop;
	(pc) =	sbr.ind lr, $3  }
0x3a: {  	_ = 	snop  }
0x3b: {  	_ = 	snop  }
0x3c: {  	p2 =	seq.s32 s10, $0x1;
	s10 =	sld [smem:$0x3FA8]  }
0x3d: {  	_ =	shalt  }
0x3e: {  	_ =	shalt  }
0x3f: {  	_ =	shalt  }
0x40: {  	_ =	shalt  }
0x41: {  	_ =	shalt  }
0x42: {  	_ =	shalt  }
0x43: {  	_ =	shalt  }
0x44: {  	_ =	shalt  }
0x45: {  	_ =	shalt  }
0x46: {  	_ =	shalt  }
0x47: {  	_ =	shalt  }
0x48: {  	_ =	shalt  }
0x49: {  	_ =	shalt  }
0x4a: {  	_ =	shalt  }
0x4b: {  	_ =	shalt  }
0x4c: {  	_ =	shalt  }
0x4d: {  	_ =	shalt  }
0x4e: {  	_ =	shalt  }
0x4f: {  	_ =	shalt  }
0x50: {  	_ =	shalt  }
0x51: {  	_ =	shalt  }
0x52: {  	_ =	shalt  }
0x53: {  	_ =	shalt  }
0x54: {  	_ =	shalt  }
0x55: {  	_ =	shalt  }
0x56: {  	_ =	shalt  }
0x57: {  	_ =	shalt  }
0x58: {  	_ =	shalt  }
0x59: {  	_ =	shalt  }
0x5a: {  	_ =	shalt  }
0x5b: {  	_ =	shalt  }
0x5c: {  	_ =	shalt  }
0x5d: {  	_ =	shalt  }
0x5e: {  	_ =	shalt  }
0x5f: {  	_ =	shalt  }
0x60: {  	_ =	shalt  }
0x61: {  	_ =	shalt  }
0x62: {  	_ =	shalt  }
0x63: {  	_ =	shalt  }
0x64: {  	_ =	shalt  }
0x65: {  	_ =	shalt  }
0x66: {  	_ =	shalt  }
0x67: {  	_ =	shalt  }
0x68: {  	_ =	shalt  }
0x69: {  	_ =	shalt  }
0x6a: {  	_ =	shalt  }
0x6b: {  	_ =	shalt  }
0x6c: {  	_ =	shalt  }
0x6d: {  	_ =	shalt  }
0x6e: {  	_ =	shalt  }
0x6f: {  	_ =	shalt  }
0x70: {  	_ =	shalt  }
0x71: {  	_ =	shalt  }
0x72: {  	_ =	shalt  }
0x73: {  	_ =	shalt  }
0x74: {  	_ =	shalt  }
0x75: {  	_ =	shalt  }
0x76: {  	_ =	shalt  }
0x77: {  	_ =	shalt  }
0x78: {  	_ =	shalt  }
0x79: {  	_ =	shalt  }
0x7a: {  	_ =	shalt  }
0x7b: {  	_ =	shalt  }
0x7c: {  	_ =	shalt  }
0x7d: {  	_ =	shalt  }
0x7e: {  	_ =	shalt  }
0x7f: {  	_ =	shalt  }
0x80: {  	_ =	shalt  }
0x81: {  	_ =	shalt  }
0x82: {  	_ =	shalt  }
0x83: {  	_ =	shalt  }
0x84: {  	_ =	shalt  }
0x85: {  	_ =	shalt  }
0x86: {  	_ =	shalt  }
0x87: {  	_ =	shalt  }
.Lfunc_end0:
.L_simem_size_0:
called_computation.15_lowered:
.L_overlay_start_0:
0x88: {  	s2 =	sld [smem:$0x3FD9]  }
0x89: {  	s3 =	sld [smem:$0x3FFE];
	_ =	sdelay $0x1  }
0x8a: {  	s1 =	srdreg.scid  }
0x8b: {  	s0 =	sand.u32 $0x1, s1  }
0x8c: {  	s17 =	sshll.u32 s0, $0xA;
	s2 =	sadd.s32 s3, s2  }
0x8d: {  	s2 =	sadd.s32 s2, s17  }
0x8e: {  	[smem:$0x3FB4] =	sst s2  }
0x8f: {  	_ = 	snop  }
0x90: {  	s2 =	sld [smem:$0x3FD0];
	(tm) =	ssettm $0x1  }
0x91: {  	s18 =	sld [smem:$0x3FFB];
	_ =	sdelay $0x3  }
0x92: {  	_ =	strace s18  }
0x93: {  	s3 =	sld [smem:$0x3FFC];
	_ =	sdelay $0x3  }
0x94: {  	_ =	strace s3  }
0x95: {  	s3 =	sld [smem:$0x3FFD];
	_ =	sdelay $0x3  }
0x96: {  	_ =	strace s3  }
0x97: {  	_ =	strace $0x8FFFFFFF  }
0x98: {  	s19 =	sld [smem:$0x3FDB];
	_ =	sdelay $0x1  }
0x99: {  	s4 =	simm.s32 $_scs_section_size  }
0x9a: {  	s5 =	simm.s32 $_size__tile_overlayer_lowered;
	s6 =	simm.s32 $_tile_overlayer_lowered  }
0x9b: {  	s22 =	simm.s32 $0x1BFF;
	s21 =	sshll.u32 s6, $0x1;
	s3 =	sadd.s32 s4, s19  }
0x9c: {  	s7 =	simm.s32 $0x0;
	s20 =	sshll.u32 s5, $0x1;
	s5 =	sadd.s32 s21, s3  }
0x9d: {  	[timem:s7], [sflag:s22] =	dma.local [hbm:s5], s20  }
0x9e: {  	_ =	swait.ge [sflag:s22], s20  }
0x9f: {  	s4 =	ssub.s32 $0x0, s20;
	[sflag:s22] =	ssyncset.done $0x0  }
0xa0: {  	[sflag:s22] =	ssyncadd.s32 s4;
	_ =	sdelay $0x1  }
0xa1: {  	s23 =	simm.s32 $0x1B8B  }
0xa2: {  	_ =	swait.ge [sflag:s23], $0x1  }
0xa3: {  	[sflag:s23] =	ssyncset.done $0x0  }
0xa4: {  	s25 =	simm.s32 $0x1B8E;
	s24 =	sld [smem:$0x3FFE];
	[sflag:s23] =	ssyncadd.s32 $0xFFFFFFFF  }
0xa5: {  	s26 =	simm.s32 $execute0_lowered;
	[smem:$0x3FD2] =	sst s25  }
0xa6: {  	s5 =	sshll.u32 s26, $0x1;
	_ =	strace $0x80000073;
	[dreg:$0x1] =	wrdreg $0xFFFFFFFF  }
0xa7: {  	s28 =	simm.s32 $_size_execute0_lowered;
	s3 =	sadd.s32 s3, s5;
	[dreg:$0x0] =	wrdreg $0x0  }
0xa8: {  	s5 =	sshll.u32 s28, $0x1;
	[dreg:$0x2] =	wrdreg s3  }
0xa9: {  	[dreg:$0x3] =	wrdreg s5  }
0xaa: {  	[dreg:$0x4] =	wrdreg $0xC0  }
0xab: {  	_ =	task [dreg:s7], $0x5FFFF  }
0xac: {  	[dreg:$0x1] =	wrdreg $0xFFFFFFFF  }
0xad: {  	[dreg:$0x0] =	wrdreg $0x60  }
0xae: {  	[dreg:$0x2] =	wrdreg s24  }
0xaf: {  	[dreg:$0x3] =	wrdreg s2  }
0xb0: {  	[dreg:$0x4] =	wrdreg $0x9  }
0xb1: {  	_ =	task.clear_ibuf [dreg:s7], $0x5FFFF;
	_ =	strace $0x90000073  }
0xb2: {  	s29 =	simm.s32 $0x9;
	_ =	strace $0x80000075  }
0xb3: {  	_ =	swait.ge [sflag:s29], $0x1  }
0xb4: {  	[sflag:s29] =	ssyncadd.s32 $0xFFFFFFFF  }
0xb5: {  	_ =	strace $0x90000075  }
0xb6: {  	_ =	sfence  }
0xb7: {  	s30 =	sld [smem:$0x0];
	_ =	sdelay $0x2  }
0xb8: {  	s31 =	sshll.u32 s1, $0xD;
	s1 =	sshrl.u32 s1, $0x2  }
0xb9: {  	s3 =	sand.u32 $0x4000, s31;
	s1 =	sadd.s32 s1, s30  }
0xba: {  	s0 =	sor.u32 s3, s0;
	s1 =	sshll.u32 s1, $0x11  }
0xbb: {  	s0 =	sor.u32 s1, s0  }
0xbc: {  	s0 =	sadd.s32 $0x8F2B, s0  }
0xbd: {  	[sflag:s0] =	ssyncadd.remote.s32 $0x1  }
0xbe: {  	_ =	sfence.sel $0xFFFF  }
0xbf: {  	[dreg:$0x0] =	wrdreg $0xFFFFFFFF;
	(pc) =	sbr.abs _section_cstart, $3  }
0xc0: {  	[dreg:$0x1] =	wrdreg $0xFFFFFFFF  }
0xc1: {  	_ =	task.clear_ibuf [dreg:s7], $0x2FFFF;
	_ =	strace $0x9FFFFFFF  }
0xc2: {  	(tm) =	ssettm $0x7FFFFFFF  }
0xc3: {  	_ =	shalt  }
tec
execute0_lowered:
.L_overlay_start_1:
0x0: {  	(tag) =	ssettag $0x1  }
0x1: {  	s2 =	rddreg [dreg:$0x0];
	s0 =	srdreg.scid  }
0x2: {  	s3 =	rddreg [dreg:$0x1];
	s1 =	stileid.u32;
	s6 =	simm.s32 $0x2  }
0x3: {  	s4 =	sshll.u32 s0, $0x4;
	s0 =	rddreg [dreg:$0x2];
	_ =	strace $0x80000074  }
.Ltmp0:
0x4: {  	s5 =	sand.u32 $0x10, s4;
	s4 =	simm.s32 $0x1;
	(pc) =	sbr.rel .LBB2_1-.Ltmp0, $4  }
0x5: {  	s9 =	simm.s32 $0x3;
	s5 =	sor.u32 s1, s5;
	[sflag:s4] =	ssyncpa.u1 $0x0  }
0x6: {  	s12 =	simm.s32 $0x0;
	s5 =	smul.u32 $0x30, s5;
	[sflag:s6] =	ssyncpa.u1 $0x0  }
0x7: {  	s11 =	simm.s32 $0x0;
	s7 =	sadd.s32 $0x8B400, s2;
	[sflag:s9] =	ssyncpa.u1 $0x0  }
0x8: {  	vm0 =	vmmov $0xff;
	vm1 =	vcmask $0x3F20;
	s9 =	simm.s32 $0x30;
	s8 =	sadd.s32 $0x30, s5;
	s10 =	smov.u32 s5  }
.LBB2_11:
0x9: {  	s12 =	sshrl.u32 s10, $0x3  }
0xa: {  	s13 =	sand.u32 $0x7, s10;
	s12 =	sadd.s32 s3, s12  }
0xb: {  	[tilespmem:s9], [sflag:$0x2] =	stream.linear.gather [hbm4b:s12+s13], $0x30, $0x38;
	[tilespmem:$0x6060] =	vst v63  }
.LBB2_12:
0xc: {  	s12 =	sadd.s32 $0x30, s10  }
0xd: {  	s13 =	smov.u32 s5;
	s11 =	sadd.s32 $0x1, s11;
	p0 =	slt.s32 s12, s8  }
0xe: {  	s13 =	smov.u32 @p0 s12;
	p0 =	sne.s32 s11, $0x3  }
.Ltmp1:
0xf: {  	_ = 	snop;
	(pc) =	sbr.rel @!p0 .LBB2_13-.Ltmp1, $2  }
0x10: {  	_ =	sdelay $0x2  }
0x11: {  	s12 =	smov.u32 s10;
	s10 =	smov.u32 s13  }
.LBB2_1:
0x12: {  	p0 =	seq.s32 s11, $0x0  }
.Ltmp2:
0x13: {  	_ = 	snop;
	(pc) =	sbr.rel @p0 .LBB2_11-.Ltmp2, $1  }
0x14: {  	_ =	sdelay $0x3  }
0x15: {  	p0 =	seq.s32 s11, $0x1  }
.Ltmp3:
0x16: {  	_ = 	snop;
	(pc) =	sbr.rel @!p0 .LBB2_10-.Ltmp3, $1  }
0x17: {  	_ =	sdelay $0x3  }
0x18: {  	_ =	swait.ge [sflag:s6], $0x30  }
0x19: {  	[sflag:s6] =	ssyncset.done $0x0  }
0x1a: {  	s13 =	simm.s32 $0x0;
	[sflag:s6] =	ssyncadd.s32 $0xFFFFFFD0  }
.LBB2_4:
0x1b: {  	s14 =	sshll.u32 s13, $0x4  }
0x1c: {  	s14 =	sand.u32 $0x3FFFFFF0, s14  }
0x1d: {  	v0 =	vld.msk [tilespmem:s14+$0x30 ss:$0x1], $0xffff;
	_ =	sdelay $0x4  }
0x1e: {  	vm2 =	veq.s32 v0, $0x80000000;
	v1 =	vshrl.u32 v0, $0xA  }
0x1f: {  	v2 =	vand.u32 $0x3, v0;
	v0 =	vshrl.u32 v0, $0x2;
	v1 =	vand.u32 $0xF, v1  }
0x20: {  	v0 =	vand.u32 $0xFF, v0;
	v2 =	vmul.u32 $0x90000, v2;
	v1 =	vmul.u32 $0xC000, v1  }
0x21: {  	v0 =	vsel vm2, $0xFFFFFFFF, v0  }
0x22: {  	v1 =	vadd.s32 v2, v1;
	v2 =	vshll.u32 v0, $0x8  }
0x23: {  	v0 =	vshll.u32 v0, $0x7;
	v1 =	vsel vm2, $0xFFF64000, v1;
	v2 =	vand.u32 $0xFFFFF800, v2  }
0x24: {  	s31 =	sshll.u32 s13, $0xC;
	v0 =	vand.u32 $0x380, v0;
	v1 =	vadd.s32 v2, v1  }
0x25: {  	s14 =	sand.u32 $0x3FFFF000, s31;
	v0 =	vor.u32 v0, v1  }
0x26: {  	p0 =	por $0x1, $0x1;
	s15 =	simm.s32 $0x0;
	s14 =	sadd.s32 $0x3060, s14;
	v0 =	vshrl.u32 v0, $0x3  }
.LBB2_5:
0x27: {  	_ =	sdelay $0x1  }
0x28: {  	s15 =	sshra.s32 s15, $0x2;
	p1 =	por p0, p0  }
.Ltmp4:
0x29: {  	s15 =	sadd.s32 s15, s14;
	(pc) =	sbr.rel @p1 .LBB2_5-.Ltmp4, $4  }
0x2a: {  	[tilespmem:s15], [sflag:$0x1] =	stream.indirect_vreg.gather [hbm:s7], $0x80, v0, vm0, $0x38;
	[tilespmem:$0x6060] =	vst v63  }
0x2b: {  	s15 =	sadd.s32 $0x800, s15  }
0x2c: {  	[tilespmem:s15], [sflag:$0x1] =	stream.indirect_vreg.gather [hbm:s7], $0x80, v0, vm1, $0x38;
	[tilespmem:$0x6060] =	vst v63  }
0x2d: {  	p0 =	por $0x0, $0x0;
	v0 =	vadd.s32 $0x80, v0;
	s15 =	simm.s32 $0x1000  }
0x2e: {  	s13 =	sadd.s32 $0x1, s13  }
0x2f: {  	p0 =	sne.s32 s13, $0x3  }
.Ltmp5:
0x30: {  	_ = 	snop;
	(pc) =	sbr.rel @p0 .LBB2_4-.Ltmp5, $1  }
0x31: {  	_ =	sdelay $0x3  }
0x32: {  	s13 =	sshll.u32 s12, $0x5  }
0x33: {  	_ =	swait.ge [sflag:s4], $0x3000;
	s31 =	sshll.u32 s12, $0x4;
	s13 =	sand.u32 $0xFFFFFF00, s13  }
0x34: {  	s14 =	simm.s32 $0x100;
	s12 =	sand.u32 $0x70, s31;
	s13 =	sadd.s32 s13, s2  }
0x35: {  	s15 =	simm.s32 $0x3860;
	[sflag:s4] =	ssyncset.done $0x0;
	s12 =	sadd.s32 s12, s13  }
0x36: {  	[sflag:s4] =	ssyncadd.s32 $0xFFFFD000;
	s13 =	simm.s32 $0x3060;
	s16 =	sadd.s32 $0x0, s12  }
.LBB2_8:
0x37: {  	[hbm:s16] =	stream.linear.scatter [tilespmem:s13], [sflag:$0x3], $0x800, $0x38;
	[tilespmem:$0x6060] =	vst v63  }
0x38: {  	s16 =	smov.u32 s14;
	s13 =	smov.u32 s15;
	p0 =	seq.s32 s14, $0x500  }
.Ltmp6:
0x39: {  	s14 =	sadd.s32 $0x100, s14;
	(pc) =	sbr.rel @!p0 .LBB2_8-.Ltmp6, $2  }
0x3a: {  	_ =	sdelay $0x2  }
0x3b: {  	s15 =	sadd.s32 $0x800, s15;
	s16 =	sadd.s32 s16, s12  }
.Ltmp7:
0x3c: {  	(pc) =	sbr.rel .LBB2_12-.Ltmp7, $2  }
0x3d: {  	_ =	sdelay $0x2  }
0x3e: {  	[hbm:s16] =	stream.linear.scatter [tilespmem:s13], [sflag:$0x3], $0x800, $0x38;
	[tilespmem:$0x6060] =	vst v63  }
.LBB2_10:
0x3f: {  	s2 =	simm.s32 $0x3  }
0x40: {  	_ =	swait.ge [sflag:s2], $0x3000  }
0x41: {  	[sflag:s2] =	ssyncset.done $0x0  }
0x42: {  	[sflag:s2] =	ssyncadd.s32 $0xFFFFD000  }
.LBB2_13:
0x43: {  	_ =	sfence.sel $0x180000  }
0x44: {  	s2 =	simm.s32 $0x2;
	[bflag:$0x0] =	sbarrier.arrive $0xFFFF  }
0x45: {  	s30 =	simm.s32 $0x3;
	[sflag:s2] =	ssyncpa.u1 $0x1  }
0x46: {  	s31 =	simm.s32 $0x1;
	[sflag:s30] =	ssyncpa.u1 $0x1  }
0x47: {  	[sflag:s31] =	ssyncpa.u1 $0x1  }
0x48: {  	p0 =	sne.s32 s1, $0x0;
	_ =	strace $0x90000074  }
0x49: {  	s0 =	sadd.s32 @!p0 $0x100000, s0;
	[bflag:$0x2] =	sbarrier.arrive $0xFFFF  }
0x4a: {  	[sflag:s0] =	ssyncadd.tile.s32 @!p0 $0x1;
	_ =	shalt  }
.Lfunc_end2:
_tile_overlayer_lowered:
.L_overlay_start_2:
0x4b: {  	(tag) =	ssettag $0x2  }
0x4c: {  	s0 =	rddreg [dreg:$0x0];
	s2 =	stileid.u32  }
0x4d: {  	s1 =	rddreg [dreg:$0x1];
	p0 =	sne.s32 s2, $0x0  }
0x4e: {  	s3 =	rddreg [dreg:$0x2];
	[bflag:$0x3] =	sbarrier.arrive $0xFFFF;
	s2 =	simm.s32 @!p0 $0x1C01  }
0x4f: {  	[timem:s3], [sflag:s2] =	dma.local @!p0 [hbm:s0], s1  }
0x50: {  	s0 =	simm.s32 @!p0 $0x1  }
0x51: {  	_ =	swait.ge @!p0 [sflag:s0], s1  }
0x52: {  	s1 =	ssub.s32 @!p0 $0x0, s1;
	[sflag:s0] =	ssyncset.done @!p0 $0x0  }
0x53: {  	[sflag:s0] =	ssyncadd.s32 @!p0 s1  }
0x54: {  	[bflag:$0x3] =	sbarrier.arrive $0xFFFF  }
0x55: {  	_ =	shalt  }

// kernel: gather_offload_async_start.1
scs
__scs_entry_jumppad:
0x0: {  	(pc) =	sbr.rel $0x88, $3  }
0x1: {  	(tag) =	ssettag $0x0;
	lr =	simm.s32 $0x1  }
0x2: {  	[smem:$0x3F8D] =	sst lr;
	_ =	strace $0xD0000000  }
0x3: {  	_ = 	snop  }
0x4: {  	_ = 	snop  }
0x5: {  	_ = 	snop  }
0x6: {  	_ = 	snop  }
0x7: {  	_ = 	snop  }
__scs_overlays_trampoline_lowered:
0x8: {  	[smem:$0x3F9C] =	sst s0  }
0x9: {  	[smem:$0x3F9D] =	sst s1  }
0xa: {  	[smem:$0x3F9E] =	sst s2  }
0xb: {  	[smem:$0x3F9F] =	sst s3  }
0xc: {  	[smem:$0x3FA0] =	sst s4  }
0xd: {  	[smem:$0x3FA1] =	sst s5  }
0xe: {  	[smem:$0x3FA2] =	sst s6  }
0xf: {  	[smem:$0x3FA3] =	sst s7  }
0x10: {  	[smem:$0x3FA4] =	sst s8  }
0x11: {  	[smem:$0x3FA5] =	sst s9;
	s0 =	simm.s32 @!p0 $0x0  }
0x12: {  	s1 =	sld [smem:$0x3F8B];
	s0 =	simm.s32 @p0 $0x1  }
0x13: {  	[smem:$0x3FA6] =	sst s0;
	s0 =	simm.s32 @!p1 $0x0  }
0x14: {  	s2 =	sld [smem:$0x3F8A];
	s0 =	simm.s32 @p1 $0x1  }
0x15: {  	[smem:$0x3FA7] =	sst s0;
	s0 =	simm.s32 @!p2 $0x0  }
0x16: {  	s3 =	sld [smem:$0x3FDB];
	s0 =	simm.s32 @p2 $0x1  }
0x17: {  	s4 =	simm.s32 $0x1BF5;
	[smem:$0x3FA9] =	sst s0  }
0x18: {  	s0 =	sld [smem:$0x3F8C];
	_ =	swait.ge [sflag:s4], $0x0  }
0x19: {  	s7 =	sld [smem:$0x3F8D]  }
0x1a: {  	s8 =	sadd.s32 $0xFFFFE003, lr  }
0x1b: {  	s9 =	sadd.s32 $0xFFFFFEF7, lr;
	s5 =	simm.s32 $0xFFFFFFFF;
	p2 =	slt.u32 s8, $0xFFFFF086  }
0x1c: {  	p1 =	slt.u32 s9, $0xF7A;
	s5 =	simm.s32 @!p2 $0x0  }
0x1d: {  	s5 =	simm.s32 @p1 $0x1;
	p0 =	seq.s32 s7, s2  }
0x1e: {  	s7 =	smul.u32 @!p0 $0xF7A, s2;
	p2 =	seq.s32 @!p0 s5, $0x0  }
0x1f: {  	s9 =	smul.u32 $0xF7A, s1;
	s8 =	simm.s32 @!p0 $0x1BF5;
	p2 =	por !p2, p0  }
0x20: {  	[sflag:s8] =	ssyncset.s32 @!p0 $0xFFFFF086;
	s6 =	sadd.s32 @!p0 s3, s7;
	s7 =	simm.s32 @!p0 $0x108  }
0x21: {  	s3 =	sadd.s32 s3, s9;
	s6 =	sadd.s32 @!p0 $0x88, s6;
	s7 =	simm.s32 @p2 $0x1082  }
0x22: {  	[simem:s7], [sflag:s8] =	dma.local @!p0 [hbm:s6], $0xF7A  }
0x23: {  	s9 =	sor.u32 $0xD0000000, s2;
	s6 =	simm.s32 $0x108;
	_ =	swait.ge @!p0 [sflag:s8], $0x0  }
0x24: {  	s3 =	sadd.s32 $0x88, s3;
	s6 =	simm.s32 @!p1 $0x1082;
	[sflag:s4] =	ssyncset.s32 $0xFFFFF086  }
0x25: {  	[simem:s6], [sflag:s4] =	dma.local [hbm:s3], $0xF7A  }
0x26: {  	[smem:$0x3F8D] =	sst s1;
	(tag) =	ssettag s2;
	_ =	strace s9  }
0x27: {  	s1 =	sld [smem:$0x3F9D]  }
0x28: {  	s2 =	sld [smem:$0x3F9E]  }
0x29: {  	s4 =	sld [smem:$0x3FA0]  }
0x2a: {  	p0 =	seq.s32 s5, $0x0;
	s5 =	sld [smem:$0x3FA1]  }
0x2b: {  	s6 =	sld [smem:$0x3FA2]  }
0x2c: {  	s7 =	sld [smem:$0x3FA3]  }
0x2d: {  	s3 =	simm.s32 $0x108;
	s8 =	sld [smem:$0x3FA4]  }
0x2e: {  	s3 =	simm.s32 @!p0 $0x1082;
	s9 =	sld [smem:$0x3FA5]  }
0x2f: {  	lr =	sadd.s32 s0, s3;
	s0 =	sld [smem:$0x3F9C]  }
0x30: {  	s3 =	sld [smem:$0x3F9F]  }
0x31: {  	[smem:$0x3FA8] =	sst s10  }
0x32: {  	s10 =	sld [smem:$0x3FA6];
	_ =	sdelay $0x3  }
0x33: {  	p0 =	seq.s32 s10, $0x1;
	s10 =	sld [smem:$0x3FA8];
	_ =	sdelay $0x3  }
0x34: {  	[smem:$0x3FA8] =	sst s10  }
0x35: {  	s10 =	sld [smem:$0x3FA7];
	_ =	sdelay $0x3  }
0x36: {  	p1 =	seq.s32 s10, $0x1;
	s10 =	sld [smem:$0x3FA8];
	_ =	sdelay $0x3  }
0x37: {  	[smem:$0x3FA8] =	sst s10  }
0x38: {  	s10 =	sld [smem:$0x3FA9]  }
0x39: {  	_ = 	snop;
	(pc) =	sbr.ind lr, $3  }
0x3a: {  	_ = 	snop  }
0x3b: {  	_ = 	snop  }
0x3c: {  	p2 =	seq.s32 s10, $0x1;
	s10 =	sld [smem:$0x3FA8]  }
0x3d: {  	_ =	shalt  }
0x3e: {  	_ =	shalt  }
0x3f: {  	_ =	shalt  }
0x40: {  	_ =	shalt  }
0x41: {  	_ =	shalt  }
0x42: {  	_ =	shalt  }
0x43: {  	_ =	shalt  }
0x44: {  	_ =	shalt  }
0x45: {  	_ =	shalt  }
0x46: {  	_ =	shalt  }
0x47: {  	_ =	shalt  }
0x48: {  	_ =	shalt  }
0x49: {  	_ =	shalt  }
0x4a: {  	_ =	shalt  }
0x4b: {  	_ =	shalt  }
0x4c: {  	_ =	shalt  }
0x4d: {  	_ =	shalt  }
0x4e: {  	_ =	shalt  }
0x4f: {  	_ =	shalt  }
0x50: {  	_ =	shalt  }
0x51: {  	_ =	shalt  }
0x52: {  	_ =	shalt  }
0x53: {  	_ =	shalt  }
0x54: {  	_ =	shalt  }
0x55: {  	_ =	shalt  }
0x56: {  	_ =	shalt  }
0x57: {  	_ =	shalt  }
0x58: {  	_ =	shalt  }
0x59: {  	_ =	shalt  }
0x5a: {  	_ =	shalt  }
0x5b: {  	_ =	shalt  }
0x5c: {  	_ =	shalt  }
0x5d: {  	_ =	shalt  }
0x5e: {  	_ =	shalt  }
0x5f: {  	_ =	shalt  }
0x60: {  	_ =	shalt  }
0x61: {  	_ =	shalt  }
0x62: {  	_ =	shalt  }
0x63: {  	_ =	shalt  }
0x64: {  	_ =	shalt  }
0x65: {  	_ =	shalt  }
0x66: {  	_ =	shalt  }
0x67: {  	_ =	shalt  }
0x68: {  	_ =	shalt  }
0x69: {  	_ =	shalt  }
0x6a: {  	_ =	shalt  }
0x6b: {  	_ =	shalt  }
0x6c: {  	_ =	shalt  }
0x6d: {  	_ =	shalt  }
0x6e: {  	_ =	shalt  }
0x6f: {  	_ =	shalt  }
0x70: {  	_ =	shalt  }
0x71: {  	_ =	shalt  }
0x72: {  	_ =	shalt  }
0x73: {  	_ =	shalt  }
0x74: {  	_ =	shalt  }
0x75: {  	_ =	shalt  }
0x76: {  	_ =	shalt  }
0x77: {  	_ =	shalt  }
0x78: {  	_ =	shalt  }
0x79: {  	_ =	shalt  }
0x7a: {  	_ =	shalt  }
0x7b: {  	_ =	shalt  }
0x7c: {  	_ =	shalt  }
0x7d: {  	_ =	shalt  }
0x7e: {  	_ =	shalt  }
0x7f: {  	_ =	shalt  }
0x80: {  	_ =	shalt  }
0x81: {  	_ =	shalt  }
0x82: {  	_ =	shalt  }
0x83: {  	_ =	shalt  }
0x84: {  	_ =	shalt  }
0x85: {  	_ =	shalt  }
0x86: {  	_ =	shalt  }
0x87: {  	_ =	shalt  }
.Lfunc_end0:
.L_simem_size_0:
called_computation.1_lowered:
.L_overlay_start_0:
0x88: {  	s2 =	sld [smem:$0x3FD9]  }
0x89: {  	s3 =	sld [smem:$0x3FFE];
	_ =	sdelay $0x1  }
0x8a: {  	s1 =	srdreg.scid  }
0x8b: {  	s0 =	sand.u32 $0x1, s1  }
0x8c: {  	s17 =	sshll.u32 s0, $0xA;
	s2 =	sadd.s32 s3, s2  }
0x8d: {  	s2 =	sadd.s32 s2, s17  }
0x8e: {  	[smem:$0x3FB4] =	sst s2  }
0x8f: {  	_ = 	snop  }
0x90: {  	s2 =	sld [smem:$0x3FD0];
	(tm) =	ssettm $0x1  }
0x91: {  	s18 =	sld [smem:$0x3FFB];
	_ =	sdelay $0x3  }
0x92: {  	_ =	strace s18  }
0x93: {  	s3 =	sld [smem:$0x3FFC];
	_ =	sdelay $0x3  }
0x94: {  	_ =	strace s3  }
0x95: {  	s3 =	sld [smem:$0x3FFD];
	_ =	sdelay $0x3  }
0x96: {  	_ =	strace s3  }
0x97: {  	_ =	strace $0x8FFFFFFF  }
0x98: {  	s19 =	sld [smem:$0x3FDB];
	_ =	sdelay $0x1  }
0x99: {  	s4 =	simm.s32 $_scs_section_size  }
0x9a: {  	s5 =	simm.s32 $_size__tile_overlayer_lowered;
	s6 =	simm.s32 $_tile_overlayer_lowered  }
0x9b: {  	s22 =	simm.s32 $0x1BFF;
	s21 =	sshll.u32 s6, $0x1;
	s3 =	sadd.s32 s4, s19  }
0x9c: {  	s7 =	simm.s32 $0x0;
	s20 =	sshll.u32 s5, $0x1;
	s5 =	sadd.s32 s21, s3  }
0x9d: {  	[timem:s7], [sflag:s22] =	dma.local [hbm:s5], s20  }
0x9e: {  	_ =	swait.ge [sflag:s22], s20  }
0x9f: {  	s4 =	ssub.s32 $0x0, s20;
	[sflag:s22] =	ssyncset.done $0x0  }
0xa0: {  	[sflag:s22] =	ssyncadd.s32 s4;
	_ =	sdelay $0x1  }
0xa1: {  	s23 =	simm.s32 $0x1B8B  }
0xa2: {  	_ =	swait.ge [sflag:s23], $0x1  }
0xa3: {  	[sflag:s23] =	ssyncset.done $0x0  }
0xa4: {  	s25 =	simm.s32 $0x1B8E;
	s24 =	sld [smem:$0x3FFE];
	[sflag:s23] =	ssyncadd.s32 $0xFFFFFFFF  }
0xa5: {  	s26 =	simm.s32 $execute0_lowered;
	[smem:$0x3FD2] =	sst s25  }
0xa6: {  	s5 =	sshll.u32 s26, $0x1;
	_ =	strace $0x80000049;
	[dreg:$0x1] =	wrdreg $0xFFFFFFFF  }
0xa7: {  	s28 =	simm.s32 $_size_execute0_lowered;
	s3 =	sadd.s32 s3, s5;
	[dreg:$0x0] =	wrdreg $0x0  }
0xa8: {  	s5 =	sshll.u32 s28, $0x1;
	[dreg:$0x2] =	wrdreg s3  }
0xa9: {  	[dreg:$0x3] =	wrdreg s5  }
0xaa: {  	[dreg:$0x4] =	wrdreg $0xC0  }
0xab: {  	_ =	task [dreg:s7], $0x5FFFF  }
0xac: {  	[dreg:$0x1] =	wrdreg $0xFFFFFFFF  }
0xad: {  	[dreg:$0x0] =	wrdreg $0x60  }
0xae: {  	[dreg:$0x2] =	wrdreg s24  }
0xaf: {  	[dreg:$0x3] =	wrdreg s2  }
0xb0: {  	[dreg:$0x4] =	wrdreg $0x9  }
0xb1: {  	_ =	task.clear_ibuf [dreg:s7], $0x5FFFF;
	_ =	strace $0x90000049  }
0xb2: {  	s29 =	simm.s32 $0x9;
	_ =	strace $0x8000004B  }
0xb3: {  	_ =	swait.ge [sflag:s29], $0x1  }
0xb4: {  	[sflag:s29] =	ssyncadd.s32 $0xFFFFFFFF  }
0xb5: {  	_ =	strace $0x9000004B  }
0xb6: {  	_ =	sfence  }
0xb7: {  	s30 =	sld [smem:$0x0];
	_ =	sdelay $0x2  }
0xb8: {  	s31 =	sshll.u32 s1, $0xD;
	s1 =	sshrl.u32 s1, $0x2  }
0xb9: {  	s3 =	sand.u32 $0x4000, s31;
	s1 =	sadd.s32 s1, s30  }
0xba: {  	s0 =	sor.u32 s3, s0;
	s1 =	sshll.u32 s1, $0x11  }
0xbb: {  	s0 =	sor.u32 s1, s0  }
0xbc: {  	s0 =	sadd.s32 $0x8F2B, s0  }
0xbd: {  	[sflag:s0] =	ssyncadd.remote.s32 $0x1  }
0xbe: {  	_ =	sfence.sel $0xFFFF  }
0xbf: {  	[dreg:$0x0] =	wrdreg $0xFFFFFFFF;
	(pc) =	sbr.abs _section_cstart, $3  }
0xc0: {  	[dreg:$0x1] =	wrdreg $0xFFFFFFFF  }
0xc1: {  	_ =	task.clear_ibuf [dreg:s7], $0x2FFFF;
	_ =	strace $0x9FFFFFFF  }
0xc2: {  	(tm) =	ssettm $0x7FFFFFFF  }
0xc3: {  	_ =	shalt  }
tec
execute0_lowered:
.L_overlay_start_1:
0x0: {  	(tag) =	ssettag $0x1  }
0x1: {  	s7 =	rddreg [dreg:$0x0]  }
0x2: {  	s0 =	srdreg.scid;
	s2 =	rddreg [dreg:$0x1]  }
0x3: {  	s1 =	stileid.u32;
	s5 =	simm.s32 $0x2;
	s9 =	simm.s32 $0x3  }
0x4: {  	s3 =	sshll.u32 s0, $0x4;
	s0 =	rddreg [dreg:$0x2];
	_ =	strace $0x8000004A  }
.Ltmp0:
0x5: {  	s4 =	sand.u32 $0x10, s3;
	s3 =	simm.s32 $0x1;
	(pc) =	sbr.rel .LBB2_1-.Ltmp0, $4  }
0x6: {  	s12 =	simm.s32 $0x0;
	s4 =	sor.u32 s1, s4;
	[sflag:s3] =	ssyncpa.u1 $0x0  }
0x7: {  	s11 =	simm.s32 $0x0;
	s4 =	smul.u32 $0x30, s4;
	[sflag:s5] =	ssyncpa.u1 $0x0  }
0x8: {  	s6 =	sadd.s32 $0x8B2400, s7;
	s7 =	sadd.s32 $0x2CA00, s7;
	[sflag:s9] =	ssyncpa.u1 $0x0  }
0x9: {  	vm0 =	vmmov $0xff;
	vm1 =	vcmask $0x3F20;
	s9 =	simm.s32 $0x30;
	s8 =	sadd.s32 $0x30, s4;
	s10 =	smov.u32 s4  }
.LBB2_11:
0xa: {  	s12 =	sshrl.u32 s10, $0x3  }
0xb: {  	s13 =	sand.u32 $0x7, s10;
	s12 =	sadd.s32 s2, s12  }
0xc: {  	[tilespmem:s9], [sflag:$0x2] =	stream.linear.gather [hbm4b:s12+s13], $0x30, $0x38;
	[tilespmem:$0x6060] =	vst v63  }
.LBB2_12:
0xd: {  	s12 =	sadd.s32 $0x30, s10  }
0xe: {  	s13 =	smov.u32 s4;
	s11 =	sadd.s32 $0x1, s11;
	p0 =	slt.s32 s12, s8  }
0xf: {  	s13 =	smov.u32 @p0 s12;
	p0 =	sne.s32 s11, $0x3  }
.Ltmp1:
0x10: {  	_ = 	snop;
	(pc) =	sbr.rel @!p0 .LBB2_13-.Ltmp1, $2  }
0x11: {  	_ =	sdelay $0x2  }
0x12: {  	s12 =	smov.u32 s10;
	s10 =	smov.u32 s13  }
.LBB2_1:
0x13: {  	p0 =	seq.s32 s11, $0x0  }
.Ltmp2:
0x14: {  	_ = 	snop;
	(pc) =	sbr.rel @p0 .LBB2_11-.Ltmp2, $1  }
0x15: {  	_ =	sdelay $0x3  }
0x16: {  	p0 =	seq.s32 s11, $0x1  }
.Ltmp3:
0x17: {  	_ = 	snop;
	(pc) =	sbr.rel @!p0 .LBB2_10-.Ltmp3, $1  }
0x18: {  	_ =	sdelay $0x3  }
0x19: {  	_ =	swait.ge [sflag:s5], $0x30  }
0x1a: {  	[sflag:s5] =	ssyncset.done $0x0  }
0x1b: {  	s13 =	simm.s32 $0x0;
	[sflag:s5] =	ssyncadd.s32 $0xFFFFFFD0  }
.LBB2_4:
0x1c: {  	s14 =	sshll.u32 s13, $0x4  }
0x1d: {  	s14 =	sand.u32 $0x3FFFFFF0, s14  }
0x1e: {  	v0 =	vld.msk [tilespmem:s14+$0x30 ss:$0x1], $0xffff;
	_ =	sdelay $0x4  }
0x1f: {  	vm2 =	veq.s32 v0, $0x80000000;
	v1 =	vshrl.u32 v0, $0xA  }
0x20: {  	v2 =	vand.u32 $0x3, v0;
	v0 =	vshrl.u32 v0, $0x2;
	v1 =	vand.u32 $0xF, v1  }
0x21: {  	v0 =	vand.u32 $0xFF, v0;
	v2 =	vmul.u32 $0x90000, v2;
	v1 =	vmul.u32 $0xC000, v1  }
0x22: {  	v0 =	vsel vm2, $0xFFFFFFFF, v0  }
0x23: {  	v1 =	vadd.s32 v2, v1;
	v2 =	vshll.u32 v0, $0x8  }
0x24: {  	v0 =	vshll.u32 v0, $0x7;
	v1 =	vsel vm2, $0xFFF64000, v1;
	v2 =	vand.u32 $0xFFFFF800, v2  }
0x25: {  	s31 =	sshll.u32 s13, $0xC;
	v0 =	vand.u32 $0x380, v0;
	v1 =	vadd.s32 v2, v1  }
0x26: {  	s14 =	sand.u32 $0x3FFFF000, s31;
	v0 =	vor.u32 v0, v1  }
0x27: {  	p0 =	por $0x1, $0x1;
	s15 =	simm.s32 $0x0;
	s14 =	sadd.s32 $0x3060, s14;
	v0 =	vshrl.u32 v0, $0x3  }
.LBB2_5:
0x28: {  	_ =	sdelay $0x1  }
0x29: {  	s15 =	sshra.s32 s15, $0x2;
	p1 =	por p0, p0  }
.Ltmp4:
0x2a: {  	s15 =	sadd.s32 s15, s14;
	(pc) =	sbr.rel @p1 .LBB2_5-.Ltmp4, $4  }
0x2b: {  	[tilespmem:s15], [sflag:$0x1] =	stream.indirect_vreg.gather [hbm:s6], $0x80, v0, vm0, $0x38;
	[tilespmem:$0x6060] =	vst v63  }
0x2c: {  	s15 =	sadd.s32 $0x800, s15  }
0x2d: {  	[tilespmem:s15], [sflag:$0x1] =	stream.indirect_vreg.gather [hbm:s6], $0x80, v0, vm1, $0x38;
	[tilespmem:$0x6060] =	vst v63  }
0x2e: {  	p0 =	por $0x0, $0x0;
	v0 =	vadd.s32 $0x80, v0;
	s15 =	simm.s32 $0x1000  }
0x2f: {  	s13 =	sadd.s32 $0x1, s13  }
0x30: {  	p0 =	sne.s32 s13, $0x3  }
.Ltmp5:
0x31: {  	_ = 	snop;
	(pc) =	sbr.rel @p0 .LBB2_4-.Ltmp5, $1  }
0x32: {  	_ =	sdelay $0x3  }
0x33: {  	s13 =	sshll.u32 s12, $0x5  }
0x34: {  	_ =	swait.ge [sflag:s3], $0x3000;
	s31 =	sshll.u32 s12, $0x4;
	s13 =	sand.u32 $0xFFFFFF00, s13  }
0x35: {  	s14 =	simm.s32 $0x100;
	s12 =	sand.u32 $0x70, s31;
	s13 =	sadd.s32 s13, s7  }
0x36: {  	s15 =	simm.s32 $0x3860;
	[sflag:s3] =	ssyncset.done $0x0;
	s12 =	sadd.s32 s12, s13  }
0x37: {  	[sflag:s3] =	ssyncadd.s32 $0xFFFFD000;
	s13 =	simm.s32 $0x3060;
	s16 =	sadd.s32 $0x0, s12  }
.LBB2_8:
0x38: {  	[hbm:s16] =	stream.linear.scatter [tilespmem:s13], [sflag:$0x3], $0x800, $0x38;
	[tilespmem:$0x6060] =	vst v63  }
0x39: {  	s16 =	smov.u32 s14;
	s13 =	smov.u32 s15;
	p0 =	seq.s32 s14, $0x500  }
.Ltmp6:
0x3a: {  	s14 =	sadd.s32 $0x100, s14;
	(pc) =	sbr.rel @!p0 .LBB2_8-.Ltmp6, $2  }
0x3b: {  	_ =	sdelay $0x2  }
0x3c: {  	s15 =	sadd.s32 $0x800, s15;
	s16 =	sadd.s32 s16, s12  }
.Ltmp7:
0x3d: {  	(pc) =	sbr.rel .LBB2_12-.Ltmp7, $2  }
0x3e: {  	_ =	sdelay $0x2  }
0x3f: {  	[hbm:s16] =	stream.linear.scatter [tilespmem:s13], [sflag:$0x3], $0x800, $0x38;
	[tilespmem:$0x6060] =	vst v63  }
.LBB2_10:
0x40: {  	s2 =	simm.s32 $0x3  }
0x41: {  	_ =	swait.ge [sflag:s2], $0x3000  }
0x42: {  	[sflag:s2] =	ssyncset.done $0x0  }
0x43: {  	[sflag:s2] =	ssyncadd.s32 $0xFFFFD000  }
.LBB2_13:
0x44: {  	_ =	sfence.sel $0x180000  }
0x45: {  	s2 =	simm.s32 $0x2;
	[bflag:$0x0] =	sbarrier.arrive $0xFFFF  }
0x46: {  	s30 =	simm.s32 $0x3;
	[sflag:s2] =	ssyncpa.u1 $0x1  }
0x47: {  	s31 =	simm.s32 $0x1;
	[sflag:s30] =	ssyncpa.u1 $0x1  }
0x48: {  	[sflag:s31] =	ssyncpa.u1 $0x1  }
0x49: {  	p0 =	sne.s32 s1, $0x0;
	_ =	strace $0x9000004A  }
0x4a: {  	s0 =	sadd.s32 @!p0 $0x100000, s0;
	[bflag:$0x2] =	sbarrier.arrive $0xFFFF  }
0x4b: {  	[sflag:s0] =	ssyncadd.tile.s32 @!p0 $0x1;
	_ =	shalt  }
.Lfunc_end2:
_tile_overlayer_lowered:
.L_overlay_start_2:
0x4c: {  	(tag) =	ssettag $0x2  }
0x4d: {  	s0 =	rddreg [dreg:$0x0];
	s2 =	stileid.u32  }
0x4e: {  	s1 =	rddreg [dreg:$0x1];
	p0 =	sne.s32 s2, $0x0  }
0x4f: {  	s3 =	rddreg [dreg:$0x2];
	[bflag:$0x3] =	sbarrier.arrive $0xFFFF;
	s2 =	simm.s32 @!p0 $0x1C01  }
0x50: {  	[timem:s3], [sflag:s2] =	dma.local @!p0 [hbm:s0], s1  }
0x51: {  	s0 =	simm.s32 @!p0 $0x1  }
0x52: {  	_ =	swait.ge @!p0 [sflag:s0], s1  }
0x53: {  	s1 =	ssub.s32 @!p0 $0x0, s1;
	[sflag:s0] =	ssyncset.done @!p0 $0x0  }
0x54: {  	[sflag:s0] =	ssyncadd.s32 @!p0 s1  }
0x55: {  	[bflag:$0x3] =	sbarrier.arrive $0xFFFF  }
0x56: {  	_ =	shalt  }

// kernel: gather_offload_async_start.2
scs
__scs_entry_jumppad:
0x0: {  	(pc) =	sbr.rel $0x88, $3  }
0x1: {  	(tag) =	ssettag $0x0;
	lr =	simm.s32 $0x1  }
0x2: {  	[smem:$0x3F8D] =	sst lr;
	_ =	strace $0xD0000000  }
0x3: {  	_ = 	snop  }
0x4: {  	_ = 	snop  }
0x5: {  	_ = 	snop  }
0x6: {  	_ = 	snop  }
0x7: {  	_ = 	snop  }
__scs_overlays_trampoline_lowered:
0x8: {  	[smem:$0x3F9C] =	sst s0  }
0x9: {  	[smem:$0x3F9D] =	sst s1  }
0xa: {  	[smem:$0x3F9E] =	sst s2  }
0xb: {  	[smem:$0x3F9F] =	sst s3  }
0xc: {  	[smem:$0x3FA0] =	sst s4  }
0xd: {  	[smem:$0x3FA1] =	sst s5  }
0xe: {  	[smem:$0x3FA2] =	sst s6  }
0xf: {  	[smem:$0x3FA3] =	sst s7  }
0x10: {  	[smem:$0x3FA4] =	sst s8  }
0x11: {  	[smem:$0x3FA5] =	sst s9;
	s0 =	simm.s32 @!p0 $0x0  }
0x12: {  	s1 =	sld [smem:$0x3F8B];
	s0 =	simm.s32 @p0 $0x1  }
0x13: {  	[smem:$0x3FA6] =	sst s0;
	s0 =	simm.s32 @!p1 $0x0  }
0x14: {  	s2 =	sld [smem:$0x3F8A];
	s0 =	simm.s32 @p1 $0x1  }
0x15: {  	[smem:$0x3FA7] =	sst s0;
	s0 =	simm.s32 @!p2 $0x0  }
0x16: {  	s3 =	sld [smem:$0x3FDB];
	s0 =	simm.s32 @p2 $0x1  }
0x17: {  	s4 =	simm.s32 $0x1BF5;
	[smem:$0x3FA9] =	sst s0  }
0x18: {  	s0 =	sld [smem:$0x3F8C];
	_ =	swait.ge [sflag:s4], $0x0  }
0x19: {  	s7 =	sld [smem:$0x3F8D]  }
0x1a: {  	s8 =	sadd.s32 $0xFFFFE003, lr  }
0x1b: {  	s9 =	sadd.s32 $0xFFFFFEF7, lr;
	s5 =	simm.s32 $0xFFFFFFFF;
	p2 =	slt.u32 s8, $0xFFFFF086  }
0x1c: {  	p1 =	slt.u32 s9, $0xF7A;
	s5 =	simm.s32 @!p2 $0x0  }
0x1d: {  	s5 =	simm.s32 @p1 $0x1;
	p0 =	seq.s32 s7, s2  }
0x1e: {  	s7 =	smul.u32 @!p0 $0xF7A, s2;
	p2 =	seq.s32 @!p0 s5, $0x0  }
0x1f: {  	s9 =	smul.u32 $0xF7A, s1;
	s8 =	simm.s32 @!p0 $0x1BF5;
	p2 =	por !p2, p0  }
0x20: {  	[sflag:s8] =	ssyncset.s32 @!p0 $0xFFFFF086;
	s6 =	sadd.s32 @!p0 s3, s7;
	s7 =	simm.s32 @!p0 $0x108  }
0x21: {  	s3 =	sadd.s32 s3, s9;
	s6 =	sadd.s32 @!p0 $0x88, s6;
	s7 =	simm.s32 @p2 $0x1082  }
0x22: {  	[simem:s7], [sflag:s8] =	dma.local @!p0 [hbm:s6], $0xF7A  }
0x23: {  	s9 =	sor.u32 $0xD0000000, s2;
	s6 =	simm.s32 $0x108;
	_ =	swait.ge @!p0 [sflag:s8], $0x0  }
0x24: {  	s3 =	sadd.s32 $0x88, s3;
	s6 =	simm.s32 @!p1 $0x1082;
	[sflag:s4] =	ssyncset.s32 $0xFFFFF086  }
0x25: {  	[simem:s6], [sflag:s4] =	dma.local [hbm:s3], $0xF7A  }
0x26: {  	[smem:$0x3F8D] =	sst s1;
	(tag) =	ssettag s2;
	_ =	strace s9  }
0x27: {  	s1 =	sld [smem:$0x3F9D]  }
0x28: {  	s2 =	sld [smem:$0x3F9E]  }
0x29: {  	s4 =	sld [smem:$0x3FA0]  }
0x2a: {  	p0 =	seq.s32 s5, $0x0;
	s5 =	sld [smem:$0x3FA1]  }
0x2b: {  	s6 =	sld [smem:$0x3FA2]  }
0x2c: {  	s7 =	sld [smem:$0x3FA3]  }
0x2d: {  	s3 =	simm.s32 $0x108;
	s8 =	sld [smem:$0x3FA4]  }
0x2e: {  	s3 =	simm.s32 @!p0 $0x1082;
	s9 =	sld [smem:$0x3FA5]  }
0x2f: {  	lr =	sadd.s32 s0, s3;
	s0 =	sld [smem:$0x3F9C]  }
0x30: {  	s3 =	sld [smem:$0x3F9F]  }
0x31: {  	[smem:$0x3FA8] =	sst s10  }
0x32: {  	s10 =	sld [smem:$0x3FA6];
	_ =	sdelay $0x3  }
0x33: {  	p0 =	seq.s32 s10, $0x1;
	s10 =	sld [smem:$0x3FA8];
	_ =	sdelay $0x3  }
0x34: {  	[smem:$0x3FA8] =	sst s10  }
0x35: {  	s10 =	sld [smem:$0x3FA7];
	_ =	sdelay $0x3  }
0x36: {  	p1 =	seq.s32 s10, $0x1;
	s10 =	sld [smem:$0x3FA8];
	_ =	sdelay $0x3  }
0x37: {  	[smem:$0x3FA8] =	sst s10  }
0x38: {  	s10 =	sld [smem:$0x3FA9]  }
0x39: {  	_ = 	snop;
	(pc) =	sbr.ind lr, $3  }
0x3a: {  	_ = 	snop  }
0x3b: {  	_ = 	snop  }
0x3c: {  	p2 =	seq.s32 s10, $0x1;
	s10 =	sld [smem:$0x3FA8]  }
0x3d: {  	_ =	shalt  }
0x3e: {  	_ =	shalt  }
0x3f: {  	_ =	shalt  }
0x40: {  	_ =	shalt  }
0x41: {  	_ =	shalt  }
0x42: {  	_ =	shalt  }
0x43: {  	_ =	shalt  }
0x44: {  	_ =	shalt  }
0x45: {  	_ =	shalt  }
0x46: {  	_ =	shalt  }
0x47: {  	_ =	shalt  }
0x48: {  	_ =	shalt  }
0x49: {  	_ =	shalt  }
0x4a: {  	_ =	shalt  }
0x4b: {  	_ =	shalt  }
0x4c: {  	_ =	shalt  }
0x4d: {  	_ =	shalt  }
0x4e: {  	_ =	shalt  }
0x4f: {  	_ =	shalt  }
0x50: {  	_ =	shalt  }
0x51: {  	_ =	shalt  }
0x52: {  	_ =	shalt  }
0x53: {  	_ =	shalt  }
0x54: {  	_ =	shalt  }
0x55: {  	_ =	shalt  }
0x56: {  	_ =	shalt  }
0x57: {  	_ =	shalt  }
0x58: {  	_ =	shalt  }
0x59: {  	_ =	shalt  }
0x5a: {  	_ =	shalt  }
0x5b: {  	_ =	shalt  }
0x5c: {  	_ =	shalt  }
0x5d: {  	_ =	shalt  }
0x5e: {  	_ =	shalt  }
0x5f: {  	_ =	shalt  }
0x60: {  	_ =	shalt  }
0x61: {  	_ =	shalt  }
0x62: {  	_ =	shalt  }
0x63: {  	_ =	shalt  }
0x64: {  	_ =	shalt  }
0x65: {  	_ =	shalt  }
0x66: {  	_ =	shalt  }
0x67: {  	_ =	shalt  }
0x68: {  	_ =	shalt  }
0x69: {  	_ =	shalt  }
0x6a: {  	_ =	shalt  }
0x6b: {  	_ =	shalt  }
0x6c: {  	_ =	shalt  }
0x6d: {  	_ =	shalt  }
0x6e: {  	_ =	shalt  }
0x6f: {  	_ =	shalt  }
0x70: {  	_ =	shalt  }
0x71: {  	_ =	shalt  }
0x72: {  	_ =	shalt  }
0x73: {  	_ =	shalt  }
0x74: {  	_ =	shalt  }
0x75: {  	_ =	shalt  }
0x76: {  	_ =	shalt  }
0x77: {  	_ =	shalt  }
0x78: {  	_ =	shalt  }
0x79: {  	_ =	shalt  }
0x7a: {  	_ =	shalt  }
0x7b: {  	_ =	shalt  }
0x7c: {  	_ =	shalt  }
0x7d: {  	_ =	shalt  }
0x7e: {  	_ =	shalt  }
0x7f: {  	_ =	shalt  }
0x80: {  	_ =	shalt  }
0x81: {  	_ =	shalt  }
0x82: {  	_ =	shalt  }
0x83: {  	_ =	shalt  }
0x84: {  	_ =	shalt  }
0x85: {  	_ =	shalt  }
0x86: {  	_ =	shalt  }
0x87: {  	_ =	shalt  }
.Lfunc_end0:
.L_simem_size_0:
called_computation.2_lowered:
.L_overlay_start_0:
0x88: {  	s2 =	sld [smem:$0x3FD9]  }
0x89: {  	s3 =	sld [smem:$0x3FFE];
	_ =	sdelay $0x1  }
0x8a: {  	s1 =	srdreg.scid  }
0x8b: {  	s0 =	sand.u32 $0x1, s1  }
0x8c: {  	s17 =	sshll.u32 s0, $0xA;
	s2 =	sadd.s32 s3, s2  }
0x8d: {  	s2 =	sadd.s32 s2, s17  }
0x8e: {  	[smem:$0x3FB4] =	sst s2  }
0x8f: {  	_ = 	snop  }
0x90: {  	s2 =	sld [smem:$0x3FD0];
	(tm) =	ssettm $0x1  }
0x91: {  	s18 =	sld [smem:$0x3FFB];
	_ =	sdelay $0x3  }
0x92: {  	_ =	strace s18  }
0x93: {  	s3 =	sld [smem:$0x3FFC];
	_ =	sdelay $0x3  }
0x94: {  	_ =	strace s3  }
0x95: {  	s3 =	sld [smem:$0x3FFD];
	_ =	sdelay $0x3  }
0x96: {  	_ =	strace s3  }
0x97: {  	_ =	strace $0x8FFFFFFF  }
0x98: {  	s19 =	sld [smem:$0x3FDB];
	_ =	sdelay $0x1  }
0x99: {  	s4 =	simm.s32 $_scs_section_size  }
0x9a: {  	s5 =	simm.s32 $_size__tile_overlayer_lowered;
	s6 =	simm.s32 $_tile_overlayer_lowered  }
0x9b: {  	s22 =	simm.s32 $0x1BFF;
	s21 =	sshll.u32 s6, $0x1;
	s3 =	sadd.s32 s4, s19  }
0x9c: {  	s7 =	simm.s32 $0x0;
	s20 =	sshll.u32 s5, $0x1;
	s5 =	sadd.s32 s21, s3  }
0x9d: {  	[timem:s7], [sflag:s22] =	dma.local [hbm:s5], s20  }
0x9e: {  	_ =	swait.ge [sflag:s22], s20  }
0x9f: {  	s4 =	ssub.s32 $0x0, s20;
	[sflag:s22] =	ssyncset.done $0x0  }
0xa0: {  	[sflag:s22] =	ssyncadd.s32 s4;
	_ =	sdelay $0x1  }
0xa1: {  	s23 =	simm.s32 $0x1B8B  }
0xa2: {  	_ =	swait.ge [sflag:s23], $0x1  }
0xa3: {  	[sflag:s23] =	ssyncset.done $0x0  }
0xa4: {  	s25 =	simm.s32 $0x1B8E;
	s24 =	sld [smem:$0x3FFE];
	[sflag:s23] =	ssyncadd.s32 $0xFFFFFFFF  }
0xa5: {  	s26 =	simm.s32 $execute0_lowered;
	[smem:$0x3FD2] =	sst s25  }
0xa6: {  	s5 =	sshll.u32 s26, $0x1;
	_ =	strace $0x8000004C;
	[dreg:$0x1] =	wrdreg $0xFFFFFFFF  }
0xa7: {  	s28 =	simm.s32 $_size_execute0_lowered;
	s3 =	sadd.s32 s3, s5;
	[dreg:$0x0] =	wrdreg $0x0  }
0xa8: {  	s5 =	sshll.u32 s28, $0x1;
	[dreg:$0x2] =	wrdreg s3  }
0xa9: {  	[dreg:$0x3] =	wrdreg s5  }
0xaa: {  	[dreg:$0x4] =	wrdreg $0xC0  }
0xab: {  	_ =	task [dreg:s7], $0x5FFFF  }
0xac: {  	[dreg:$0x1] =	wrdreg $0xFFFFFFFF  }
0xad: {  	[dreg:$0x0] =	wrdreg $0x60  }
0xae: {  	[dreg:$0x2] =	wrdreg s24  }
0xaf: {  	[dreg:$0x3] =	wrdreg s2  }
0xb0: {  	[dreg:$0x4] =	wrdreg $0x9  }
0xb1: {  	_ =	task.clear_ibuf [dreg:s7], $0x5FFFF;
	_ =	strace $0x9000004C  }
0xb2: {  	s29 =	simm.s32 $0x9;
	_ =	strace $0x8000004E  }
0xb3: {  	_ =	swait.ge [sflag:s29], $0x1  }
0xb4: {  	[sflag:s29] =	ssyncadd.s32 $0xFFFFFFFF  }
0xb5: {  	_ =	strace $0x9000004E  }
0xb6: {  	_ =	sfence  }
0xb7: {  	s30 =	sld [smem:$0x0];
	_ =	sdelay $0x2  }
0xb8: {  	s31 =	sshll.u32 s1, $0xD;
	s1 =	sshrl.u32 s1, $0x2  }
0xb9: {  	s3 =	sand.u32 $0x4000, s31;
	s1 =	sadd.s32 s1, s30  }
0xba: {  	s0 =	sor.u32 s3, s0;
	s1 =	sshll.u32 s1, $0x11  }
0xbb: {  	s0 =	sor.u32 s1, s0  }
0xbc: {  	s0 =	sadd.s32 $0x8F2B, s0  }
0xbd: {  	[sflag:s0] =	ssyncadd.remote.s32 $0x1  }
0xbe: {  	_ =	sfence.sel $0xFFFF  }
0xbf: {  	[dreg:$0x0] =	wrdreg $0xFFFFFFFF;
	(pc) =	sbr.abs _section_cstart, $3  }
0xc0: {  	[dreg:$0x1] =	wrdreg $0xFFFFFFFF  }
0xc1: {  	_ =	task.clear_ibuf [dreg:s7], $0x2FFFF;
	_ =	strace $0x9FFFFFFF  }
0xc2: {  	(tm) =	ssettm $0x7FFFFFFF  }
0xc3: {  	_ =	shalt  }
tec
execute0_lowered:
.L_overlay_start_1:
0x0: {  	(tag) =	ssettag $0x1  }
0x1: {  	s7 =	rddreg [dreg:$0x0]  }
0x2: {  	s0 =	srdreg.scid;
	s2 =	rddreg [dreg:$0x1]  }
0x3: {  	s1 =	stileid.u32;
	s5 =	simm.s32 $0x2;
	s9 =	simm.s32 $0x3  }
0x4: {  	s3 =	sshll.u32 s0, $0x4;
	s0 =	rddreg [dreg:$0x2];
	_ =	strace $0x8000004D  }
.Ltmp0:
0x5: {  	s4 =	sand.u32 $0x10, s3;
	s3 =	simm.s32 $0x1;
	(pc) =	sbr.rel .LBB2_1-.Ltmp0, $4  }
0x6: {  	s12 =	simm.s32 $0x0;
	s4 =	sor.u32 s1, s4;
	[sflag:s3] =	ssyncpa.u1 $0x0  }
0x7: {  	s11 =	simm.s32 $0x0;
	s4 =	smul.u32 $0x30, s4;
	[sflag:s5] =	ssyncpa.u1 $0x0  }
0x8: {  	s6 =	sadd.s32 $0x34A00, s7;
	s7 =	sadd.s32 $0x7CA00, s7;
	[sflag:s9] =	ssyncpa.u1 $0x0  }
0x9: {  	vm0 =	vmmov $0xff;
	vm1 =	vcmask $0x3F20;
	s9 =	simm.s32 $0x30;
	s8 =	sadd.s32 $0x30, s4;
	s10 =	smov.u32 s4  }
.LBB2_11:
0xa: {  	s12 =	sshrl.u32 s10, $0x3  }
0xb: {  	s13 =	sand.u32 $0x7, s10;
	s12 =	sadd.s32 s2, s12  }
0xc: {  	[tilespmem:s9], [sflag:$0x2] =	stream.linear.gather [hbm4b:s12+s13], $0x30, $0x38;
	[tilespmem:$0x6060] =	vst v63  }
.LBB2_12:
0xd: {  	s12 =	sadd.s32 $0x30, s10  }
0xe: {  	s13 =	smov.u32 s4;
	s11 =	sadd.s32 $0x1, s11;
	p0 =	slt.s32 s12, s8  }
0xf: {  	s13 =	smov.u32 @p0 s12;
	p0 =	sne.s32 s11, $0x3  }
.Ltmp1:
0x10: {  	_ = 	snop;
	(pc) =	sbr.rel @!p0 .LBB2_13-.Ltmp1, $2  }
0x11: {  	_ =	sdelay $0x2  }
0x12: {  	s12 =	smov.u32 s10;
	s10 =	smov.u32 s13  }
.LBB2_1:
0x13: {  	p0 =	seq.s32 s11, $0x0  }
.Ltmp2:
0x14: {  	_ = 	snop;
	(pc) =	sbr.rel @p0 .LBB2_11-.Ltmp2, $1  }
0x15: {  	_ =	sdelay $0x3  }
0x16: {  	p0 =	seq.s32 s11, $0x1  }
.Ltmp3:
0x17: {  	_ = 	snop;
	(pc) =	sbr.rel @!p0 .LBB2_10-.Ltmp3, $1  }
0x18: {  	_ =	sdelay $0x3  }
0x19: {  	_ =	swait.ge [sflag:s5], $0x30  }
0x1a: {  	[sflag:s5] =	ssyncset.done $0x0  }
0x1b: {  	s13 =	simm.s32 $0x0;
	[sflag:s5] =	ssyncadd.s32 $0xFFFFFFD0  }
.LBB2_4:
0x1c: {  	s14 =	sshll.u32 s13, $0x4  }
0x1d: {  	s14 =	sand.u32 $0x3FFFFFF0, s14  }
0x1e: {  	v0 =	vld.msk [tilespmem:s14+$0x30 ss:$0x1], $0xffff;
	_ =	sdelay $0x4  }
0x1f: {  	vm2 =	veq.s32 v0, $0x80000000;
	v1 =	vshrl.u32 v0, $0xA  }
0x20: {  	v2 =	vand.u32 $0x3, v0;
	v0 =	vshrl.u32 v0, $0x2;
	v1 =	vand.u32 $0xF, v1  }
0x21: {  	v0 =	vand.u32 $0xFF, v0;
	v2 =	vmul.u32 $0x90000, v2;
	v1 =	vmul.u32 $0xC000, v1  }
0x22: {  	v0 =	vsel vm2, $0xFFFFFFFF, v0  }
0x23: {  	v1 =	vadd.s32 v2, v1;
	v2 =	vshll.u32 v0, $0x8  }
0x24: {  	v0 =	vshll.u32 v0, $0x7;
	v1 =	vsel vm2, $0xFFF64000, v1;
	v2 =	vand.u32 $0xFFFFF800, v2  }
0x25: {  	s31 =	sshll.u32 s13, $0xC;
	v0 =	vand.u32 $0x380, v0;
	v1 =	vadd.s32 v2, v1  }
0x26: {  	s14 =	sand.u32 $0x3FFFF000, s31;
	v0 =	vor.u32 v0, v1  }
0x27: {  	p0 =	por $0x1, $0x1;
	s15 =	simm.s32 $0x0;
	s14 =	sadd.s32 $0x3060, s14;
	v0 =	vshrl.u32 v0, $0x3  }
.LBB2_5:
0x28: {  	_ =	sdelay $0x1  }
0x29: {  	s15 =	sshra.s32 s15, $0x2;
	p1 =	por p0, p0  }
.Ltmp4:
0x2a: {  	s15 =	sadd.s32 s15, s14;
	(pc) =	sbr.rel @p1 .LBB2_5-.Ltmp4, $4  }
0x2b: {  	[tilespmem:s15], [sflag:$0x1] =	stream.indirect_vreg.gather [hbm:s6], $0x80, v0, vm0, $0x38;
	[tilespmem:$0x6060] =	vst v63  }
0x2c: {  	s15 =	sadd.s32 $0x800, s15  }
0x2d: {  	[tilespmem:s15], [sflag:$0x1] =	stream.indirect_vreg.gather [hbm:s6], $0x80, v0, vm1, $0x38;
	[tilespmem:$0x6060] =	vst v63  }
0x2e: {  	p0 =	por $0x0, $0x0;
	v0 =	vadd.s32 $0x80, v0;
	s15 =	simm.s32 $0x1000  }
0x2f: {  	s13 =	sadd.s32 $0x1, s13  }
0x30: {  	p0 =	sne.s32 s13, $0x3  }
.Ltmp5:
0x31: {  	_ = 	snop;
	(pc) =	sbr.rel @p0 .LBB2_4-.Ltmp5, $1  }
0x32: {  	_ =	sdelay $0x3  }
0x33: {  	s13 =	sshll.u32 s12, $0x5  }
0x34: {  	_ =	swait.ge [sflag:s3], $0x3000;
	s31 =	sshll.u32 s12, $0x4;
	s13 =	sand.u32 $0xFFFFFF00, s13  }
0x35: {  	s14 =	simm.s32 $0x100;
	s12 =	sand.u32 $0x70, s31;
	s13 =	sadd.s32 s13, s7  }
0x36: {  	s15 =	simm.s32 $0x3860;
	[sflag:s3] =	ssyncset.done $0x0;
	s12 =	sadd.s32 s12, s13  }
0x37: {  	[sflag:s3] =	ssyncadd.s32 $0xFFFFD000;
	s13 =	simm.s32 $0x3060;
	s16 =	sadd.s32 $0x0, s12  }
.LBB2_8:
0x38: {  	[hbm:s16] =	stream.linear.scatter [tilespmem:s13], [sflag:$0x3], $0x800, $0x38;
	[tilespmem:$0x6060] =	vst v63  }
0x39: {  	s16 =	smov.u32 s14;
	s13 =	smov.u32 s15;
	p0 =	seq.s32 s14, $0x500  }
.Ltmp6:
0x3a: {  	s14 =	sadd.s32 $0x100, s14;
	(pc) =	sbr.rel @!p0 .LBB2_8-.Ltmp6, $2  }
0x3b: {  	_ =	sdelay $0x2  }
0x3c: {  	s15 =	sadd.s32 $0x800, s15;
	s16 =	sadd.s32 s16, s12  }
.Ltmp7:
0x3d: {  	(pc) =	sbr.rel .LBB2_12-.Ltmp7, $2  }
0x3e: {  	_ =	sdelay $0x2  }
0x3f: {  	[hbm:s16] =	stream.linear.scatter [tilespmem:s13], [sflag:$0x3], $0x800, $0x38;
	[tilespmem:$0x6060] =	vst v63  }
.LBB2_10:
0x40: {  	s2 =	simm.s32 $0x3  }
0x41: {  	_ =	swait.ge [sflag:s2], $0x3000  }
0x42: {  	[sflag:s2] =	ssyncset.done $0x0  }
0x43: {  	[sflag:s2] =	ssyncadd.s32 $0xFFFFD000  }
.LBB2_13:
0x44: {  	_ =	sfence.sel $0x180000  }
0x45: {  	s2 =	simm.s32 $0x2;
	[bflag:$0x0] =	sbarrier.arrive $0xFFFF  }
0x46: {  	s30 =	simm.s32 $0x3;
	[sflag:s2] =	ssyncpa.u1 $0x1  }
0x47: {  	s31 =	simm.s32 $0x1;
	[sflag:s30] =	ssyncpa.u1 $0x1  }
0x48: {  	[sflag:s31] =	ssyncpa.u1 $0x1  }
0x49: {  	p0 =	sne.s32 s1, $0x0;
	_ =	strace $0x9000004D  }
0x4a: {  	s0 =	sadd.s32 @!p0 $0x100000, s0;
	[bflag:$0x2] =	sbarrier.arrive $0xFFFF  }
0x4b: {  	[sflag:s0] =	ssyncadd.tile.s32 @!p0 $0x1;
	_ =	shalt  }
.Lfunc_end2:
_tile_overlayer_lowered:
.L_overlay_start_2:
0x4c: {  	(tag) =	ssettag $0x2  }
0x4d: {  	s0 =	rddreg [dreg:$0x0];
	s2 =	stileid.u32  }
0x4e: {  	s1 =	rddreg [dreg:$0x1];
	p0 =	sne.s32 s2, $0x0  }
0x4f: {  	s3 =	rddreg [dreg:$0x2];
	[bflag:$0x3] =	sbarrier.arrive $0xFFFF;
	s2 =	simm.s32 @!p0 $0x1C01  }
0x50: {  	[timem:s3], [sflag:s2] =	dma.local @!p0 [hbm:s0], s1  }
0x51: {  	s0 =	simm.s32 @!p0 $0x1  }
0x52: {  	_ =	swait.ge @!p0 [sflag:s0], s1  }
0x53: {  	s1 =	ssub.s32 @!p0 $0x0, s1;
	[sflag:s0] =	ssyncset.done @!p0 $0x0  }
0x54: {  	[sflag:s0] =	ssyncadd.s32 @!p0 s1  }
0x55: {  	[bflag:$0x3] =	sbarrier.arrive $0xFFFF  }
0x56: {  	_ =	shalt  }

// kernel: gather_offload_async_start.3
scs
__scs_entry_jumppad:
0x0: {  	(pc) =	sbr.rel $0x88, $3  }
0x1: {  	(tag) =	ssettag $0x0;
	lr =	simm.s32 $0x1  }
0x2: {  	[smem:$0x3F8D] =	sst lr;
	_ =	strace $0xD0000000  }
0x3: {  	_ = 	snop  }
0x4: {  	_ = 	snop  }
0x5: {  	_ = 	snop  }
0x6: {  	_ = 	snop  }
0x7: {  	_ = 	snop  }
__scs_overlays_trampoline_lowered:
0x8: {  	[smem:$0x3F9C] =	sst s0  }
0x9: {  	[smem:$0x3F9D] =	sst s1  }
0xa: {  	[smem:$0x3F9E] =	sst s2  }
0xb: {  	[smem:$0x3F9F] =	sst s3  }
0xc: {  	[smem:$0x3FA0] =	sst s4  }
0xd: {  	[smem:$0x3FA1] =	sst s5  }
0xe: {  	[smem:$0x3FA2] =	sst s6  }
0xf: {  	[smem:$0x3FA3] =	sst s7  }
0x10: {  	[smem:$0x3FA4] =	sst s8  }
0x11: {  	[smem:$0x3FA5] =	sst s9;
	s0 =	simm.s32 @!p0 $0x0  }
0x12: {  	s1 =	sld [smem:$0x3F8B];
	s0 =	simm.s32 @p0 $0x1  }
0x13: {  	[smem:$0x3FA6] =	sst s0;
	s0 =	simm.s32 @!p1 $0x0  }
0x14: {  	s2 =	sld [smem:$0x3F8A];
	s0 =	simm.s32 @p1 $0x1  }
0x15: {  	[smem:$0x3FA7] =	sst s0;
	s0 =	simm.s32 @!p2 $0x0  }
0x16: {  	s3 =	sld [smem:$0x3FDB];
	s0 =	simm.s32 @p2 $0x1  }
0x17: {  	s4 =	simm.s32 $0x1BF5;
	[smem:$0x3FA9] =	sst s0  }
0x18: {  	s0 =	sld [smem:$0x3F8C];
	_ =	swait.ge [sflag:s4], $0x0  }
0x19: {  	s7 =	sld [smem:$0x3F8D]  }
0x1a: {  	s8 =	sadd.s32 $0xFFFFE003, lr  }
0x1b: {  	s9 =	sadd.s32 $0xFFFFFEF7, lr;
	s5 =	simm.s32 $0xFFFFFFFF;
	p2 =	slt.u32 s8, $0xFFFFF086  }
0x1c: {  	p1 =	slt.u32 s9, $0xF7A;
	s5 =	simm.s32 @!p2 $0x0  }
0x1d: {  	s5 =	simm.s32 @p1 $0x1;
	p0 =	seq.s32 s7, s2  }
0x1e: {  	s7 =	smul.u32 @!p0 $0xF7A, s2;
	p2 =	seq.s32 @!p0 s5, $0x0  }
0x1f: {  	s9 =	smul.u32 $0xF7A, s1;
	s8 =	simm.s32 @!p0 $0x1BF5;
	p2 =	por !p2, p0  }
0x20: {  	[sflag:s8] =	ssyncset.s32 @!p0 $0xFFFFF086;
	s6 =	sadd.s32 @!p0 s3, s7;
	s7 =	simm.s32 @!p0 $0x108  }
0x21: {  	s3 =	sadd.s32 s3, s9;
	s6 =	sadd.s32 @!p0 $0x88, s6;
	s7 =	simm.s32 @p2 $0x1082  }
0x22: {  	[simem:s7], [sflag:s8] =	dma.local @!p0 [hbm:s6], $0xF7A  }
0x23: {  	s9 =	sor.u32 $0xD0000000, s2;
	s6 =	simm.s32 $0x108;
	_ =	swait.ge @!p0 [sflag:s8], $0x0  }
0x24: {  	s3 =	sadd.s32 $0x88, s3;
	s6 =	simm.s32 @!p1 $0x1082;
	[sflag:s4] =	ssyncset.s32 $0xFFFFF086  }
0x25: {  	[simem:s6], [sflag:s4] =	dma.local [hbm:s3], $0xF7A  }
0x26: {  	[smem:$0x3F8D] =	sst s1;
	(tag) =	ssettag s2;
	_ =	strace s9  }
0x27: {  	s1 =	sld [smem:$0x3F9D]  }
0x28: {  	s2 =	sld [smem:$0x3F9E]  }
0x29: {  	s4 =	sld [smem:$0x3FA0]  }
0x2a: {  	p0 =	seq.s32 s5, $0x0;
	s5 =	sld [smem:$0x3FA1]  }
0x2b: {  	s6 =	sld [smem:$0x3FA2]  }
0x2c: {  	s7 =	sld [smem:$0x3FA3]  }
0x2d: {  	s3 =	simm.s32 $0x108;
	s8 =	sld [smem:$0x3FA4]  }
0x2e: {  	s3 =	simm.s32 @!p0 $0x1082;
	s9 =	sld [smem:$0x3FA5]  }
0x2f: {  	lr =	sadd.s32 s0, s3;
	s0 =	sld [smem:$0x3F9C]  }
0x30: {  	s3 =	sld [smem:$0x3F9F]  }
0x31: {  	[smem:$0x3FA8] =	sst s10  }
0x32: {  	s10 =	sld [smem:$0x3FA6];
	_ =	sdelay $0x3  }
0x33: {  	p0 =	seq.s32 s10, $0x1;
	s10 =	sld [smem:$0x3FA8];
	_ =	sdelay $0x3  }
0x34: {  	[smem:$0x3FA8] =	sst s10  }
0x35: {  	s10 =	sld [smem:$0x3FA7];
	_ =	sdelay $0x3  }
0x36: {  	p1 =	seq.s32 s10, $0x1;
	s10 =	sld [smem:$0x3FA8];
	_ =	sdelay $0x3  }
0x37: {  	[smem:$0x3FA8] =	sst s10  }
0x38: {  	s10 =	sld [smem:$0x3FA9]  }
0x39: {  	_ = 	snop;
	(pc) =	sbr.ind lr, $3  }
0x3a: {  	_ = 	snop  }
0x3b: {  	_ = 	snop  }
0x3c: {  	p2 =	seq.s32 s10, $0x1;
	s10 =	sld [smem:$0x3FA8]  }
0x3d: {  	_ =	shalt  }
0x3e: {  	_ =	shalt  }
0x3f: {  	_ =	shalt  }
0x40: {  	_ =	shalt  }
0x41: {  	_ =	shalt  }
0x42: {  	_ =	shalt  }
0x43: {  	_ =	shalt  }
0x44: {  	_ =	shalt  }
0x45: {  	_ =	shalt  }
0x46: {  	_ =	shalt  }
0x47: {  	_ =	shalt  }
0x48: {  	_ =	shalt  }
0x49: {  	_ =	shalt  }
0x4a: {  	_ =	shalt  }
0x4b: {  	_ =	shalt  }
0x4c: {  	_ =	shalt  }
0x4d: {  	_ =	shalt  }
0x4e: {  	_ =	shalt  }
0x4f: {  	_ =	shalt  }
0x50: {  	_ =	shalt  }
0x51: {  	_ =	shalt  }
0x52: {  	_ =	shalt  }
0x53: {  	_ =	shalt  }
0x54: {  	_ =	shalt  }
0x55: {  	_ =	shalt  }
0x56: {  	_ =	shalt  }
0x57: {  	_ =	shalt  }
0x58: {  	_ =	shalt  }
0x59: {  	_ =	shalt  }
0x5a: {  	_ =	shalt  }
0x5b: {  	_ =	shalt  }
0x5c: {  	_ =	shalt  }
0x5d: {  	_ =	shalt  }
0x5e: {  	_ =	shalt  }
0x5f: {  	_ =	shalt  }
0x60: {  	_ =	shalt  }
0x61: {  	_ =	shalt  }
0x62: {  	_ =	shalt  }
0x63: {  	_ =	shalt  }
0x64: {  	_ =	shalt  }
0x65: {  	_ =	shalt  }
0x66: {  	_ =	shalt  }
0x67: {  	_ =	shalt  }
0x68: {  	_ =	shalt  }
0x69: {  	_ =	shalt  }
0x6a: {  	_ =	shalt  }
0x6b: {  	_ =	shalt  }
0x6c: {  	_ =	shalt  }
0x6d: {  	_ =	shalt  }
0x6e: {  	_ =	shalt  }
0x6f: {  	_ =	shalt  }
0x70: {  	_ =	shalt  }
0x71: {  	_ =	shalt  }
0x72: {  	_ =	shalt  }
0x73: {  	_ =	shalt  }
0x74: {  	_ =	shalt  }
0x75: {  	_ =	shalt  }
0x76: {  	_ =	shalt  }
0x77: {  	_ =	shalt  }
0x78: {  	_ =	shalt  }
0x79: {  	_ =	shalt  }
0x7a: {  	_ =	shalt  }
0x7b: {  	_ =	shalt  }
0x7c: {  	_ =	shalt  }
0x7d: {  	_ =	shalt  }
0x7e: {  	_ =	shalt  }
0x7f: {  	_ =	shalt  }
0x80: {  	_ =	shalt  }
0x81: {  	_ =	shalt  }
0x82: {  	_ =	shalt  }
0x83: {  	_ =	shalt  }
0x84: {  	_ =	shalt  }
0x85: {  	_ =	shalt  }
0x86: {  	_ =	shalt  }
0x87: {  	_ =	shalt  }
.Lfunc_end0:
.L_simem_size_0:
called_computation.3_lowered:
.L_overlay_start_0:
0x88: {  	s2 =	sld [smem:$0x3FD9]  }
0x89: {  	s3 =	sld [smem:$0x3FFE];
	_ =	sdelay $0x1  }
0x8a: {  	s1 =	srdreg.scid  }
0x8b: {  	s0 =	sand.u32 $0x1, s1  }
0x8c: {  	s17 =	sshll.u32 s0, $0xA;
	s2 =	sadd.s32 s3, s2  }
0x8d: {  	s2 =	sadd.s32 s2, s17  }
0x8e: {  	[smem:$0x3FB4] =	sst s2  }
0x8f: {  	_ = 	snop  }
0x90: {  	s2 =	sld [smem:$0x3FD0];
	(tm) =	ssettm $0x1  }
0x91: {  	s18 =	sld [smem:$0x3FFB];
	_ =	sdelay $0x3  }
0x92: {  	_ =	strace s18  }
0x93: {  	s3 =	sld [smem:$0x3FFC];
	_ =	sdelay $0x3  }
0x94: {  	_ =	strace s3  }
0x95: {  	s3 =	sld [smem:$0x3FFD];
	_ =	sdelay $0x3  }
0x96: {  	_ =	strace s3  }
0x97: {  	_ =	strace $0x8FFFFFFF  }
0x98: {  	s19 =	sld [smem:$0x3FDB];
	_ =	sdelay $0x1  }
0x99: {  	s4 =	simm.s32 $_scs_section_size  }
0x9a: {  	s5 =	simm.s32 $_size__tile_overlayer_lowered;
	s6 =	simm.s32 $_tile_overlayer_lowered  }
0x9b: {  	s22 =	simm.s32 $0x1BFF;
	s21 =	sshll.u32 s6, $0x1;
	s3 =	sadd.s32 s4, s19  }
0x9c: {  	s7 =	simm.s32 $0x0;
	s20 =	sshll.u32 s5, $0x1;
	s5 =	sadd.s32 s21, s3  }
0x9d: {  	[timem:s7], [sflag:s22] =	dma.local [hbm:s5], s20  }
0x9e: {  	_ =	swait.ge [sflag:s22], s20  }
0x9f: {  	s4 =	ssub.s32 $0x0, s20;
	[sflag:s22] =	ssyncset.done $0x0  }
0xa0: {  	[sflag:s22] =	ssyncadd.s32 s4;
	_ =	sdelay $0x1  }
0xa1: {  	s23 =	simm.s32 $0x1B8B  }
0xa2: {  	_ =	swait.ge [sflag:s23], $0x1  }
0xa3: {  	[sflag:s23] =	ssyncset.done $0x0  }
0xa4: {  	s25 =	simm.s32 $0x1B8E;
	s24 =	sld [smem:$0x3FFE];
	[sflag:s23] =	ssyncadd.s32 $0xFFFFFFFF  }
0xa5: {  	s26 =	simm.s32 $execute0_lowered;
	[smem:$0x3FD2] =	sst s25  }
0xa6: {  	s5 =	sshll.u32 s26, $0x1;
	_ =	strace $0x8000004F;
	[dreg:$0x1] =	wrdreg $0xFFFFFFFF  }
0xa7: {  	s28 =	simm.s32 $_size_execute0_lowered;
	s3 =	sadd.s32 s3, s5;
	[dreg:$0x0] =	wrdreg $0x0  }
0xa8: {  	s5 =	sshll.u32 s28, $0x1;
	[dreg:$0x2] =	wrdreg s3  }
0xa9: {  	[dreg:$0x3] =	wrdreg s5  }
0xaa: {  	[dreg:$0x4] =	wrdreg $0xC0  }
0xab: {  	_ =	task [dreg:s7], $0x5FFFF  }
0xac: {  	[dreg:$0x1] =	wrdreg $0xFFFFFFFF  }
0xad: {  	[dreg:$0x0] =	wrdreg $0x60  }
0xae: {  	[dreg:$0x2] =	wrdreg s24  }
0xaf: {  	[dreg:$0x3] =	wrdreg s2  }
0xb0: {  	[dreg:$0x4] =	wrdreg $0x9  }
0xb1: {  	_ =	task.clear_ibuf [dreg:s7], $0x5FFFF;
	_ =	strace $0x9000004F  }
0xb2: {  	s29 =	simm.s32 $0x9;
	_ =	strace $0x80000051  }
0xb3: {  	_ =	swait.ge [sflag:s29], $0x1  }
0xb4: {  	[sflag:s29] =	ssyncadd.s32 $0xFFFFFFFF  }
0xb5: {  	_ =	strace $0x90000051  }
0xb6: {  	_ =	sfence  }
0xb7: {  	s30 =	sld [smem:$0x0];
	_ =	sdelay $0x2  }
0xb8: {  	s31 =	sshll.u32 s1, $0xD;
	s1 =	sshrl.u32 s1, $0x2  }
0xb9: {  	s3 =	sand.u32 $0x4000, s31;
	s1 =	sadd.s32 s1, s30  }
0xba: {  	s0 =	sor.u32 s3, s0;
	s1 =	sshll.u32 s1, $0x11  }
0xbb: {  	s0 =	sor.u32 s1, s0  }
0xbc: {  	s0 =	sadd.s32 $0x8F2B, s0  }
0xbd: {  	[sflag:s0] =	ssyncadd.remote.s32 $0x1  }
0xbe: {  	_ =	sfence.sel $0xFFFF  }
0xbf: {  	[dreg:$0x0] =	wrdreg $0xFFFFFFFF;
	(pc) =	sbr.abs _section_cstart, $3  }
0xc0: {  	[dreg:$0x1] =	wrdreg $0xFFFFFFFF  }
0xc1: {  	_ =	task.clear_ibuf [dreg:s7], $0x2FFFF;
	_ =	strace $0x9FFFFFFF  }
0xc2: {  	(tm) =	ssettm $0x7FFFFFFF  }
0xc3: {  	_ =	shalt  }
tec
execute0_lowered:
.L_overlay_start_1:
0x0: {  	(tag) =	ssettag $0x1  }
0x1: {  	s7 =	rddreg [dreg:$0x0]  }
0x2: {  	s0 =	srdreg.scid;
	s2 =	rddreg [dreg:$0x1]  }
0x3: {  	s1 =	stileid.u32;
	s5 =	simm.s32 $0x2;
	s9 =	simm.s32 $0x3  }
0x4: {  	s3 =	sshll.u32 s0, $0x4;
	s0 =	rddreg [dreg:$0x2];
	_ =	strace $0x80000050  }
.Ltmp0:
0x5: {  	s4 =	sand.u32 $0x10, s3;
	s3 =	simm.s32 $0x1;
	(pc) =	sbr.rel .LBB2_1-.Ltmp0, $4  }
0x6: {  	s12 =	simm.s32 $0x0;
	s4 =	sor.u32 s1, s4;
	[sflag:s3] =	ssyncpa.u1 $0x0  }
0x7: {  	s11 =	simm.s32 $0x0;
	s4 =	smul.u32 $0x30, s4;
	[sflag:s5] =	ssyncpa.u1 $0x0  }
0x8: {  	s6 =	sadd.s32 $0x30AA00, s7;
	s7 =	sadd.s32 $0x59CA00, s7;
	[sflag:s9] =	ssyncpa.u1 $0x0  }
0x9: {  	vm0 =	vmmov $0xff;
	vm1 =	vcmask $0x3F20;
	s9 =	simm.s32 $0x30;
	s8 =	sadd.s32 $0x30, s4;
	s10 =	smov.u32 s4  }
.LBB2_11:
0xa: {  	s12 =	sshrl.u32 s10, $0x3  }
0xb: {  	s13 =	sand.u32 $0x7, s10;
	s12 =	sadd.s32 s2, s12  }
0xc: {  	[tilespmem:s9], [sflag:$0x2] =	stream.linear.gather [hbm4b:s12+s13], $0x30, $0x38;
	[tilespmem:$0x6060] =	vst v63  }
.LBB2_12:
0xd: {  	s12 =	sadd.s32 $0x30, s10  }
0xe: {  	s13 =	smov.u32 s4;
	s11 =	sadd.s32 $0x1, s11;
	p0 =	slt.s32 s12, s8  }
0xf: {  	s13 =	smov.u32 @p0 s12;
	p0 =	sne.s32 s11, $0x3  }
.Ltmp1:
0x10: {  	_ = 	snop;
	(pc) =	sbr.rel @!p0 .LBB2_13-.Ltmp1, $2  }
0x11: {  	_ =	sdelay $0x2  }
0x12: {  	s12 =	smov.u32 s10;
	s10 =	smov.u32 s13  }
.LBB2_1:
0x13: {  	p0 =	seq.s32 s11, $0x0  }
.Ltmp2:
0x14: {  	_ = 	snop;
	(pc) =	sbr.rel @p0 .LBB2_11-.Ltmp2, $1  }
0x15: {  	_ =	sdelay $0x3  }
0x16: {  	p0 =	seq.s32 s11, $0x1  }
.Ltmp3:
0x17: {  	_ = 	snop;
	(pc) =	sbr.rel @!p0 .LBB2_10-.Ltmp3, $1  }
0x18: {  	_ =	sdelay $0x3  }
0x19: {  	_ =	swait.ge [sflag:s5], $0x30  }
0x1a: {  	[sflag:s5] =	ssyncset.done $0x0  }
0x1b: {  	s13 =	simm.s32 $0x0;
	[sflag:s5] =	ssyncadd.s32 $0xFFFFFFD0  }
.LBB2_4:
0x1c: {  	s14 =	sshll.u32 s13, $0x4  }
0x1d: {  	s14 =	sand.u32 $0x3FFFFFF0, s14  }
0x1e: {  	v0 =	vld.msk [tilespmem:s14+$0x30 ss:$0x1], $0xffff;
	_ =	sdelay $0x4  }
0x1f: {  	vm2 =	veq.s32 v0, $0x80000000;
	v1 =	vshrl.u32 v0, $0xA  }
0x20: {  	v2 =	vand.u32 $0x3, v0;
	v0 =	vshrl.u32 v0, $0x2;
	v1 =	vand.u32 $0xF, v1  }
0x21: {  	v0 =	vand.u32 $0xFF, v0;
	v2 =	vmul.u32 $0x90000, v2;
	v1 =	vmul.u32 $0xC000, v1  }
0x22: {  	v0 =	vsel vm2, $0xFFFFFFFF, v0  }
0x23: {  	v1 =	vadd.s32 v2, v1;
	v2 =	vshll.u32 v0, $0x8  }
0x24: {  	v0 =	vshll.u32 v0, $0x7;
	v1 =	vsel vm2, $0xFFF64000, v1;
	v2 =	vand.u32 $0xFFFFF800, v2  }
0x25: {  	s31 =	sshll.u32 s13, $0xC;
	v0 =	vand.u32 $0x380, v0;
	v1 =	vadd.s32 v2, v1  }
0x26: {  	s14 =	sand.u32 $0x3FFFF000, s31;
	v0 =	vor.u32 v0, v1  }
0x27: {  	p0 =	por $0x1, $0x1;
	s15 =	simm.s32 $0x0;
	s14 =	sadd.s32 $0x3060, s14;
	v0 =	vshrl.u32 v0, $0x3  }
.LBB2_5:
0x28: {  	_ =	sdelay $0x1  }
0x29: {  	s15 =	sshra.s32 s15, $0x2;
	p1 =	por p0, p0  }
.Ltmp4:
0x2a: {  	s15 =	sadd.s32 s15, s14;
	(pc) =	sbr.rel @p1 .LBB2_5-.Ltmp4, $4  }
0x2b: {  	[tilespmem:s15], [sflag:$0x1] =	stream.indirect_vreg.gather [hbm:s6], $0x80, v0, vm0, $0x38;
	[tilespmem:$0x6060] =	vst v63  }
0x2c: {  	s15 =	sadd.s32 $0x800, s15  }
0x2d: {  	[tilespmem:s15], [sflag:$0x1] =	stream.indirect_vreg.gather [hbm:s6], $0x80, v0, vm1, $0x38;
	[tilespmem:$0x6060] =	vst v63  }
0x2e: {  	p0 =	por $0x0, $0x0;
	v0 =	vadd.s32 $0x80, v0;
	s15 =	simm.s32 $0x1000  }
0x2f: {  	s13 =	sadd.s32 $0x1, s13  }
0x30: {  	p0 =	sne.s32 s13, $0x3  }
.Ltmp5:
0x31: {  	_ = 	snop;
	(pc) =	sbr.rel @p0 .LBB2_4-.Ltmp5, $1  }
0x32: {  	_ =	sdelay $0x3  }
0x33: {  	s13 =	sshll.u32 s12, $0x5  }
0x34: {  	_ =	swait.ge [sflag:s3], $0x3000;
	s31 =	sshll.u32 s12, $0x4;
	s13 =	sand.u32 $0xFFFFFF00, s13  }
0x35: {  	s14 =	simm.s32 $0x100;
	s12 =	sand.u32 $0x70, s31;
	s13 =	sadd.s32 s13, s7  }
0x36: {  	s15 =	simm.s32 $0x3860;
	[sflag:s3] =	ssyncset.done $0x0;
	s12 =	sadd.s32 s12, s13  }
0x37: {  	[sflag:s3] =	ssyncadd.s32 $0xFFFFD000;
	s13 =	simm.s32 $0x3060;
	s16 =	sadd.s32 $0x0, s12  }
.LBB2_8:
0x38: {  	[hbm:s16] =	stream.linear.scatter [tilespmem:s13], [sflag:$0x3], $0x800, $0x38;
	[tilespmem:$0x6060] =	vst v63  }
0x39: {  	s16 =	smov.u32 s14;
	s13 =	smov.u32 s15;
	p0 =	seq.s32 s14, $0x500  }
.Ltmp6:
0x3a: {  	s14 =	sadd.s32 $0x100, s14;
	(pc) =	sbr.rel @!p0 .LBB2_8-.Ltmp6, $2  }
0x3b: {  	_ =	sdelay $0x2  }
0x3c: {  	s15 =	sadd.s32 $0x800, s15;
	s16 =	sadd.s32 s16, s12  }
.Ltmp7:
0x3d: {  	(pc) =	sbr.rel .LBB2_12-.Ltmp7, $2  }
0x3e: {  	_ =	sdelay $0x2  }
0x3f: {  	[hbm:s16] =	stream.linear.scatter [tilespmem:s13], [sflag:$0x3], $0x800, $0x38;
	[tilespmem:$0x6060] =	vst v63  }
.LBB2_10:
0x40: {  	s2 =	simm.s32 $0x3  }
0x41: {  	_ =	swait.ge [sflag:s2], $0x3000  }
0x42: {  	[sflag:s2] =	ssyncset.done $0x0  }
0x43: {  	[sflag:s2] =	ssyncadd.s32 $0xFFFFD000  }
.LBB2_13:
0x44: {  	_ =	sfence.sel $0x180000  }
0x45: {  	s2 =	simm.s32 $0x2;
	[bflag:$0x0] =	sbarrier.arrive $0xFFFF  }
0x46: {  	s30 =	simm.s32 $0x3;
	[sflag:s2] =	ssyncpa.u1 $0x1  }
0x47: {  	s31 =	simm.s32 $0x1;
	[sflag:s30] =	ssyncpa.u1 $0x1  }
0x48: {  	[sflag:s31] =	ssyncpa.u1 $0x1  }
0x49: {  	p0 =	sne.s32 s1, $0x0;
	_ =	strace $0x90000050  }
0x4a: {  	s0 =	sadd.s32 @!p0 $0x100000, s0;
	[bflag:$0x2] =	sbarrier.arrive $0xFFFF  }
0x4b: {  	[sflag:s0] =	ssyncadd.tile.s32 @!p0 $0x1;
	_ =	shalt  }
.Lfunc_end2:
_tile_overlayer_lowered:
.L_overlay_start_2:
0x4c: {  	(tag) =	ssettag $0x2  }
0x4d: {  	s0 =	rddreg [dreg:$0x0];
	s2 =	stileid.u32  }
0x4e: {  	s1 =	rddreg [dreg:$0x1];
	p0 =	sne.s32 s2, $0x0  }
0x4f: {  	s3 =	rddreg [dreg:$0x2];
	[bflag:$0x3] =	sbarrier.arrive $0xFFFF;
	s2 =	simm.s32 @!p0 $0x1C01  }
0x50: {  	[timem:s3], [sflag:s2] =	dma.local @!p0 [hbm:s0], s1  }
0x51: {  	s0 =	simm.s32 @!p0 $0x1  }
0x52: {  	_ =	swait.ge @!p0 [sflag:s0], s1  }
0x53: {  	s1 =	ssub.s32 @!p0 $0x0, s1;
	[sflag:s0] =	ssyncset.done @!p0 $0x0  }
0x54: {  	[sflag:s0] =	ssyncadd.s32 @!p0 s1  }
0x55: {  	[bflag:$0x3] =	sbarrier.arrive $0xFFFF  }
0x56: {  	_ =	shalt  }

// kernel: gather_offload_async_start.4
scs
__scs_entry_jumppad:
0x0: {  	(pc) =	sbr.rel $0x88, $3  }
0x1: {  	(tag) =	ssettag $0x0;
	lr =	simm.s32 $0x1  }
0x2: {  	[smem:$0x3F8D] =	sst lr;
	_ =	strace $0xD0000000  }
0x3: {  	_ = 	snop  }
0x4: {  	_ = 	snop  }
0x5: {  	_ = 	snop  }
0x6: {  	_ = 	snop  }
0x7: {  	_ = 	snop  }
__scs_overlays_trampoline_lowered:
0x8: {  	[smem:$0x3F9C] =	sst s0  }
0x9: {  	[smem:$0x3F9D] =	sst s1  }
0xa: {  	[smem:$0x3F9E] =	sst s2  }
0xb: {  	[smem:$0x3F9F] =	sst s3  }
0xc: {  	[smem:$0x3FA0] =	sst s4  }
0xd: {  	[smem:$0x3FA1] =	sst s5  }
0xe: {  	[smem:$0x3FA2] =	sst s6  }
0xf: {  	[smem:$0x3FA3] =	sst s7  }
0x10: {  	[smem:$0x3FA4] =	sst s8  }
0x11: {  	[smem:$0x3FA5] =	sst s9;
	s0 =	simm.s32 @!p0 $0x0  }
0x12: {  	s1 =	sld [smem:$0x3F8B];
	s0 =	simm.s32 @p0 $0x1  }
0x13: {  	[smem:$0x3FA6] =	sst s0;
	s0 =	simm.s32 @!p1 $0x0  }
0x14: {  	s2 =	sld [smem:$0x3F8A];
	s0 =	simm.s32 @p1 $0x1  }
0x15: {  	[smem:$0x3FA7] =	sst s0;
	s0 =	simm.s32 @!p2 $0x0  }
0x16: {  	s3 =	sld [smem:$0x3FDB];
	s0 =	simm.s32 @p2 $0x1  }
0x17: {  	s4 =	simm.s32 $0x1BF5;
	[smem:$0x3FA9] =	sst s0  }
0x18: {  	s0 =	sld [smem:$0x3F8C];
	_ =	swait.ge [sflag:s4], $0x0  }
0x19: {  	s7 =	sld [smem:$0x3F8D]  }
0x1a: {  	s8 =	sadd.s32 $0xFFFFE003, lr  }
0x1b: {  	s9 =	sadd.s32 $0xFFFFFEF7, lr;
	s5 =	simm.s32 $0xFFFFFFFF;
	p2 =	slt.u32 s8, $0xFFFFF086  }
0x1c: {  	p1 =	slt.u32 s9, $0xF7A;
	s5 =	simm.s32 @!p2 $0x0  }
0x1d: {  	s5 =	simm.s32 @p1 $0x1;
	p0 =	seq.s32 s7, s2  }
0x1e: {  	s7 =	smul.u32 @!p0 $0xF7A, s2;
	p2 =	seq.s32 @!p0 s5, $0x0  }
0x1f: {  	s9 =	smul.u32 $0xF7A, s1;
	s8 =	simm.s32 @!p0 $0x1BF5;
	p2 =	por !p2, p0  }
0x20: {  	[sflag:s8] =	ssyncset.s32 @!p0 $0xFFFFF086;
	s6 =	sadd.s32 @!p0 s3, s7;
	s7 =	simm.s32 @!p0 $0x108  }
0x21: {  	s3 =	sadd.s32 s3, s9;
	s6 =	sadd.s32 @!p0 $0x88, s6;
	s7 =	simm.s32 @p2 $0x1082  }
0x22: {  	[simem:s7], [sflag:s8] =	dma.local @!p0 [hbm:s6], $0xF7A  }
0x23: {  	s9 =	sor.u32 $0xD0000000, s2;
	s6 =	simm.s32 $0x108;
	_ =	swait.ge @!p0 [sflag:s8], $0x0  }
0x24: {  	s3 =	sadd.s32 $0x88, s3;
	s6 =	simm.s32 @!p1 $0x1082;
	[sflag:s4] =	ssyncset.s32 $0xFFFFF086  }
0x25: {  	[simem:s6], [sflag:s4] =	dma.local [hbm:s3], $0xF7A  }
0x26: {  	[smem:$0x3F8D] =	sst s1;
	(tag) =	ssettag s2;
	_ =	strace s9  }
0x27: {  	s1 =	sld [smem:$0x3F9D]  }
0x28: {  	s2 =	sld [smem:$0x3F9E]  }
0x29: {  	s4 =	sld [smem:$0x3FA0]  }
0x2a: {  	p0 =	seq.s32 s5, $0x0;
	s5 =	sld [smem:$0x3FA1]  }
0x2b: {  	s6 =	sld [smem:$0x3FA2]  }
0x2c: {  	s7 =	sld [smem:$0x3FA3]  }
0x2d: {  	s3 =	simm.s32 $0x108;
	s8 =	sld [smem:$0x3FA4]  }
0x2e: {  	s3 =	simm.s32 @!p0 $0x1082;
	s9 =	sld [smem:$0x3FA5]  }
0x2f: {  	lr =	sadd.s32 s0, s3;
	s0 =	sld [smem:$0x3F9C]  }
0x30: {  	s3 =	sld [smem:$0x3F9F]  }
0x31: {  	[smem:$0x3FA8] =	sst s10  }
0x32: {  	s10 =	sld [smem:$0x3FA6];
	_ =	sdelay $0x3  }
0x33: {  	p0 =	seq.s32 s10, $0x1;
	s10 =	sld [smem:$0x3FA8];
	_ =	sdelay $0x3  }
0x34: {  	[smem:$0x3FA8] =	sst s10  }
0x35: {  	s10 =	sld [smem:$0x3FA7];
	_ =	sdelay $0x3  }
0x36: {  	p1 =	seq.s32 s10, $0x1;
	s10 =	sld [smem:$0x3FA8];
	_ =	sdelay $0x3  }
0x37: {  	[smem:$0x3FA8] =	sst s10  }
0x38: {  	s10 =	sld [smem:$0x3FA9]  }
0x39: {  	_ = 	snop;
	(pc) =	sbr.ind lr, $3  }
0x3a: {  	_ = 	snop  }
0x3b: {  	_ = 	snop  }
0x3c: {  	p2 =	seq.s32 s10, $0x1;
	s10 =	sld [smem:$0x3FA8]  }
0x3d: {  	_ =	shalt  }
0x3e: {  	_ =	shalt  }
0x3f: {  	_ =	shalt  }
0x40: {  	_ =	shalt  }
0x41: {  	_ =	shalt  }
0x42: {  	_ =	shalt  }
0x43: {  	_ =	shalt  }
0x44: {  	_ =	shalt  }
0x45: {  	_ =	shalt  }
0x46: {  	_ =	shalt  }
0x47: {  	_ =	shalt  }
0x48: {  	_ =	shalt  }
0x49: {  	_ =	shalt  }
0x4a: {  	_ =	shalt  }
0x4b: {  	_ =	shalt  }
0x4c: {  	_ =	shalt  }
0x4d: {  	_ =	shalt  }
0x4e: {  	_ =	shalt  }
0x4f: {  	_ =	shalt  }
0x50: {  	_ =	shalt  }
0x51: {  	_ =	shalt  }
0x52: {  	_ =	shalt  }
0x53: {  	_ =	shalt  }
0x54: {  	_ =	shalt  }
0x55: {  	_ =	shalt  }
0x56: {  	_ =	shalt  }
0x57: {  	_ =	shalt  }
0x58: {  	_ =	shalt  }
0x59: {  	_ =	shalt  }
0x5a: {  	_ =	shalt  }
0x5b: {  	_ =	shalt  }
0x5c: {  	_ =	shalt  }
0x5d: {  	_ =	shalt  }
0x5e: {  	_ =	shalt  }
0x5f: {  	_ =	shalt  }
0x60: {  	_ =	shalt  }
0x61: {  	_ =	shalt  }
0x62: {  	_ =	shalt  }
0x63: {  	_ =	shalt  }
0x64: {  	_ =	shalt  }
0x65: {  	_ =	shalt  }
0x66: {  	_ =	shalt  }
0x67: {  	_ =	shalt  }
0x68: {  	_ =	shalt  }
0x69: {  	_ =	shalt  }
0x6a: {  	_ =	shalt  }
0x6b: {  	_ =	shalt  }
0x6c: {  	_ =	shalt  }
0x6d: {  	_ =	shalt  }
0x6e: {  	_ =	shalt  }
0x6f: {  	_ =	shalt  }
0x70: {  	_ =	shalt  }
0x71: {  	_ =	shalt  }
0x72: {  	_ =	shalt  }
0x73: {  	_ =	shalt  }
0x74: {  	_ =	shalt  }
0x75: {  	_ =	shalt  }
0x76: {  	_ =	shalt  }
0x77: {  	_ =	shalt  }
0x78: {  	_ =	shalt  }
0x79: {  	_ =	shalt  }
0x7a: {  	_ =	shalt  }
0x7b: {  	_ =	shalt  }
0x7c: {  	_ =	shalt  }
0x7d: {  	_ =	shalt  }
0x7e: {  	_ =	shalt  }
0x7f: {  	_ =	shalt  }
0x80: {  	_ =	shalt  }
0x81: {  	_ =	shalt  }
0x82: {  	_ =	shalt  }
0x83: {  	_ =	shalt  }
0x84: {  	_ =	shalt  }
0x85: {  	_ =	shalt  }
0x86: {  	_ =	shalt  }
0x87: {  	_ =	shalt  }
.Lfunc_end0:
.L_simem_size_0:
called_computation.4_lowered:
.L_overlay_start_0:
0x88: {  	s2 =	sld [smem:$0x3FD9]  }
0x89: {  	s3 =	sld [smem:$0x3FFE];
	_ =	sdelay $0x1  }
0x8a: {  	s1 =	srdreg.scid  }
0x8b: {  	s0 =	sand.u32 $0x1, s1  }
0x8c: {  	s17 =	sshll.u32 s0, $0xA;
	s2 =	sadd.s32 s3, s2  }
0x8d: {  	s2 =	sadd.s32 s2, s17  }
0x8e: {  	[smem:$0x3FB4] =	sst s2  }
0x8f: {  	_ = 	snop  }
0x90: {  	s2 =	sld [smem:$0x3FD0];
	(tm) =	ssettm $0x1  }
0x91: {  	s18 =	sld [smem:$0x3FFB];
	_ =	sdelay $0x3  }
0x92: {  	_ =	strace s18  }
0x93: {  	s3 =	sld [smem:$0x3FFC];
	_ =	sdelay $0x3  }
0x94: {  	_ =	strace s3  }
0x95: {  	s3 =	sld [smem:$0x3FFD];
	_ =	sdelay $0x3  }
0x96: {  	_ =	strace s3  }
0x97: {  	_ =	strace $0x8FFFFFFF  }
0x98: {  	s19 =	sld [smem:$0x3FDB];
	_ =	sdelay $0x1  }
0x99: {  	s4 =	simm.s32 $_scs_section_size  }
0x9a: {  	s5 =	simm.s32 $_size__tile_overlayer_lowered;
	s6 =	simm.s32 $_tile_overlayer_lowered  }
0x9b: {  	s22 =	simm.s32 $0x1BFF;
	s21 =	sshll.u32 s6, $0x1;
	s3 =	sadd.s32 s4, s19  }
0x9c: {  	s7 =	simm.s32 $0x0;
	s20 =	sshll.u32 s5, $0x1;
	s5 =	sadd.s32 s21, s3  }
0x9d: {  	[timem:s7], [sflag:s22] =	dma.local [hbm:s5], s20  }
0x9e: {  	_ =	swait.ge [sflag:s22], s20  }
0x9f: {  	s4 =	ssub.s32 $0x0, s20;
	[sflag:s22] =	ssyncset.done $0x0  }
0xa0: {  	[sflag:s22] =	ssyncadd.s32 s4;
	_ =	sdelay $0x1  }
0xa1: {  	s23 =	simm.s32 $0x1B8B  }
0xa2: {  	_ =	swait.ge [sflag:s23], $0x1  }
0xa3: {  	[sflag:s23] =	ssyncset.done $0x0  }
0xa4: {  	s25 =	simm.s32 $0x1B8E;
	s24 =	sld [smem:$0x3FFE];
	[sflag:s23] =	ssyncadd.s32 $0xFFFFFFFF  }
0xa5: {  	s26 =	simm.s32 $execute0_lowered;
	[smem:$0x3FD2] =	sst s25  }
0xa6: {  	s5 =	sshll.u32 s26, $0x1;
	_ =	strace $0x80000052;
	[dreg:$0x1] =	wrdreg $0xFFFFFFFF  }
0xa7: {  	s28 =	simm.s32 $_size_execute0_lowered;
	s3 =	sadd.s32 s3, s5;
	[dreg:$0x0] =	wrdreg $0x0  }
0xa8: {  	s5 =	sshll.u32 s28, $0x1;
	[dreg:$0x2] =	wrdreg s3  }
0xa9: {  	[dreg:$0x3] =	wrdreg s5  }
0xaa: {  	[dreg:$0x4] =	wrdreg $0xC0  }
0xab: {  	_ =	task [dreg:s7], $0x5FFFF  }
0xac: {  	[dreg:$0x1] =	wrdreg $0xFFFFFFFF  }
0xad: {  	[dreg:$0x0] =	wrdreg $0x60  }
0xae: {  	[dreg:$0x2] =	wrdreg s24  }
0xaf: {  	[dreg:$0x3] =	wrdreg s2  }
0xb0: {  	[dreg:$0x4] =	wrdreg $0x9  }
0xb1: {  	_ =	task.clear_ibuf [dreg:s7], $0x5FFFF;
	_ =	strace $0x90000052  }
0xb2: {  	s29 =	simm.s32 $0x9;
	_ =	strace $0x80000054  }
0xb3: {  	_ =	swait.ge [sflag:s29], $0x1  }
0xb4: {  	[sflag:s29] =	ssyncadd.s32 $0xFFFFFFFF  }
0xb5: {  	_ =	strace $0x90000054  }
0xb6: {  	_ =	sfence  }
0xb7: {  	s30 =	sld [smem:$0x0];
	_ =	sdelay $0x2  }
0xb8: {  	s31 =	sshll.u32 s1, $0xD;
	s1 =	sshrl.u32 s1, $0x2  }
0xb9: {  	s3 =	sand.u32 $0x4000, s31;
	s1 =	sadd.s32 s1, s30  }
0xba: {  	s0 =	sor.u32 s3, s0;
	s1 =	sshll.u32 s1, $0x11  }
0xbb: {  	s0 =	sor.u32 s1, s0  }
0xbc: {  	s0 =	sadd.s32 $0x8F2B, s0  }
0xbd: {  	[sflag:s0] =	ssyncadd.remote.s32 $0x1  }
0xbe: {  	_ =	sfence.sel $0xFFFF  }
0xbf: {  	[dreg:$0x0] =	wrdreg $0xFFFFFFFF;
	(pc) =	sbr.abs _section_cstart, $3  }
0xc0: {  	[dreg:$0x1] =	wrdreg $0xFFFFFFFF  }
0xc1: {  	_ =	task.clear_ibuf [dreg:s7], $0x2FFFF;
	_ =	strace $0x9FFFFFFF  }
0xc2: {  	(tm) =	ssettm $0x7FFFFFFF  }
0xc3: {  	_ =	shalt  }
tec
execute0_lowered:
.L_overlay_start_1:
0x0: {  	(tag) =	ssettag $0x1  }
0x1: {  	s7 =	rddreg [dreg:$0x0]  }
0x2: {  	s0 =	srdreg.scid;
	s2 =	rddreg [dreg:$0x1]  }
0x3: {  	s1 =	stileid.u32;
	s5 =	simm.s32 $0x2;
	s9 =	simm.s32 $0x3  }
0x4: {  	s3 =	sshll.u32 s0, $0x4;
	s0 =	rddreg [dreg:$0x2];
	_ =	strace $0x80000053  }
.Ltmp0:
0x5: {  	s4 =	sand.u32 $0x10, s3;
	s3 =	simm.s32 $0x1;
	(pc) =	sbr.rel .LBB2_1-.Ltmp0, $4  }
0x6: {  	s12 =	simm.s32 $0x0;
	s4 =	sor.u32 s1, s4;
	[sflag:s3] =	ssyncpa.u1 $0x0  }
0x7: {  	s11 =	simm.s32 $0x0;
	s4 =	smul.u32 $0x30, s4;
	[sflag:s5] =	ssyncpa.u1 $0x0  }
0x8: {  	s6 =	sadd.s32 $0x59CA00, s7;
	s7 =	sadd.s32 $0x5E4A00, s7;
	[sflag:s9] =	ssyncpa.u1 $0x0  }
0x9: {  	vm0 =	vmmov $0xff;
	vm1 =	vcmask $0x3F20;
	s9 =	simm.s32 $0x30;
	s8 =	sadd.s32 $0x30, s4;
	s10 =	smov.u32 s4  }
.LBB2_11:
0xa: {  	s12 =	sshrl.u32 s10, $0x3  }
0xb: {  	s13 =	sand.u32 $0x7, s10;
	s12 =	sadd.s32 s2, s12  }
0xc: {  	[tilespmem:s9], [sflag:$0x2] =	stream.linear.gather [hbm4b:s12+s13], $0x30, $0x38;
	[tilespmem:$0x6060] =	vst v63  }
.LBB2_12:
0xd: {  	s12 =	sadd.s32 $0x30, s10  }
0xe: {  	s13 =	smov.u32 s4;
	s11 =	sadd.s32 $0x1, s11;
	p0 =	slt.s32 s12, s8  }
0xf: {  	s13 =	smov.u32 @p0 s12;
	p0 =	sne.s32 s11, $0x3  }
.Ltmp1:
0x10: {  	_ = 	snop;
	(pc) =	sbr.rel @!p0 .LBB2_13-.Ltmp1, $2  }
0x11: {  	_ =	sdelay $0x2  }
0x12: {  	s12 =	smov.u32 s10;
	s10 =	smov.u32 s13  }
.LBB2_1:
0x13: {  	p0 =	seq.s32 s11, $0x0  }
.Ltmp2:
0x14: {  	_ = 	snop;
	(pc) =	sbr.rel @p0 .LBB2_11-.Ltmp2, $1  }
0x15: {  	_ =	sdelay $0x3  }
0x16: {  	p0 =	seq.s32 s11, $0x1  }
.Ltmp3:
0x17: {  	_ = 	snop;
	(pc) =	sbr.rel @!p0 .LBB2_10-.Ltmp3, $1  }
0x18: {  	_ =	sdelay $0x3  }
0x19: {  	_ =	swait.ge [sflag:s5], $0x30  }
0x1a: {  	[sflag:s5] =	ssyncset.done $0x0  }
0x1b: {  	s13 =	simm.s32 $0x0;
	[sflag:s5] =	ssyncadd.s32 $0xFFFFFFD0  }
.LBB2_4:
0x1c: {  	s14 =	sshll.u32 s13, $0x4  }
0x1d: {  	s14 =	sand.u32 $0x3FFFFFF0, s14  }
0x1e: {  	v0 =	vld.msk [tilespmem:s14+$0x30 ss:$0x1], $0xffff;
	_ =	sdelay $0x4  }
0x1f: {  	vm2 =	veq.s32 v0, $0x80000000;
	v1 =	vshrl.u32 v0, $0xA  }
0x20: {  	v2 =	vand.u32 $0x3, v0;
	v0 =	vshrl.u32 v0, $0x2;
	v1 =	vand.u32 $0xF, v1  }
0x21: {  	v0 =	vand.u32 $0xFF, v0;
	v2 =	vmul.u32 $0x90000, v2;
	v1 =	vmul.u32 $0xC000, v1  }
0x22: {  	v0 =	vsel vm2, $0xFFFFFFFF, v0  }
0x23: {  	v1 =	vadd.s32 v2, v1;
	v2 =	vshll.u32 v0, $0x8  }
0x24: {  	v0 =	vshll.u32 v0, $0x7;
	v1 =	vsel vm2, $0xFFF64000, v1;
	v2 =	vand.u32 $0xFFFFF800, v2  }
0x25: {  	s31 =	sshll.u32 s13, $0xC;
	v0 =	vand.u32 $0x380, v0;
	v1 =	vadd.s32 v2, v1  }
0x26: {  	s14 =	sand.u32 $0x3FFFF000, s31;
	v0 =	vor.u32 v0, v1  }
0x27: {  	p0 =	por $0x1, $0x1;
	s15 =	simm.s32 $0x0;
	s14 =	sadd.s32 $0x3060, s14;
	v0 =	vshrl.u32 v0, $0x3  }
.LBB2_5:
0x28: {  	_ =	sdelay $0x1  }
0x29: {  	s15 =	sshra.s32 s15, $0x2;
	p1 =	por p0, p0  }
.Ltmp4:
0x2a: {  	s15 =	sadd.s32 s15, s14;
	(pc) =	sbr.rel @p1 .LBB2_5-.Ltmp4, $4  }
0x2b: {  	[tilespmem:s15], [sflag:$0x1] =	stream.indirect_vreg.gather [hbm:s6], $0x80, v0, vm0, $0x38;
	[tilespmem:$0x6060] =	vst v63  }
0x2c: {  	s15 =	sadd.s32 $0x800, s15  }
0x2d: {  	[tilespmem:s15], [sflag:$0x1] =	stream.indirect_vreg.gather [hbm:s6], $0x80, v0, vm1, $0x38;
	[tilespmem:$0x6060] =	vst v63  }
0x2e: {  	p0 =	por $0x0, $0x0;
	v0 =	vadd.s32 $0x80, v0;
	s15 =	simm.s32 $0x1000  }
0x2f: {  	s13 =	sadd.s32 $0x1, s13  }
0x30: {  	p0 =	sne.s32 s13, $0x3  }
.Ltmp5:
0x31: {  	_ = 	snop;
	(pc) =	sbr.rel @p0 .LBB2_4-.Ltmp5, $1  }
0x32: {  	_ =	sdelay $0x3  }
0x33: {  	s13 =	sshll.u32 s12, $0x5  }
0x34: {  	_ =	swait.ge [sflag:s3], $0x3000;
	s31 =	sshll.u32 s12, $0x4;
	s13 =	sand.u32 $0xFFFFFF00, s13  }
0x35: {  	s14 =	simm.s32 $0x100;
	s12 =	sand.u32 $0x70, s31;
	s13 =	sadd.s32 s13, s7  }
0x36: {  	s15 =	simm.s32 $0x3860;
	[sflag:s3] =	ssyncset.done $0x0;
	s12 =	sadd.s32 s12, s13  }
0x37: {  	[sflag:s3] =	ssyncadd.s32 $0xFFFFD000;
	s13 =	simm.s32 $0x3060;
	s16 =	sadd.s32 $0x0, s12  }
.LBB2_8:
0x38: {  	[hbm:s16] =	stream.linear.scatter [tilespmem:s13], [sflag:$0x3], $0x800, $0x38;
	[tilespmem:$0x6060] =	vst v63  }
0x39: {  	s16 =	smov.u32 s14;
	s13 =	smov.u32 s15;
	p0 =	seq.s32 s14, $0x500  }
.Ltmp6:
0x3a: {  	s14 =	sadd.s32 $0x100, s14;
	(pc) =	sbr.rel @!p0 .LBB2_8-.Ltmp6, $2  }
0x3b: {  	_ =	sdelay $0x2  }
0x3c: {  	s15 =	sadd.s32 $0x800, s15;
	s16 =	sadd.s32 s16, s12  }
.Ltmp7:
0x3d: {  	(pc) =	sbr.rel .LBB2_12-.Ltmp7, $2  }
0x3e: {  	_ =	sdelay $0x2  }
0x3f: {  	[hbm:s16] =	stream.linear.scatter [tilespmem:s13], [sflag:$0x3], $0x800, $0x38;
	[tilespmem:$0x6060] =	vst v63  }
.LBB2_10:
0x40: {  	s2 =	simm.s32 $0x3  }
0x41: {  	_ =	swait.ge [sflag:s2], $0x3000  }
0x42: {  	[sflag:s2] =	ssyncset.done $0x0  }
0x43: {  	[sflag:s2] =	ssyncadd.s32 $0xFFFFD000  }
.LBB2_13:
0x44: {  	_ =	sfence.sel $0x180000  }
0x45: {  	s2 =	simm.s32 $0x2;
	[bflag:$0x0] =	sbarrier.arrive $0xFFFF  }
0x46: {  	s30 =	simm.s32 $0x3;
	[sflag:s2] =	ssyncpa.u1 $0x1  }
0x47: {  	s31 =	simm.s32 $0x1;
	[sflag:s30] =	ssyncpa.u1 $0x1  }
0x48: {  	[sflag:s31] =	ssyncpa.u1 $0x1  }
0x49: {  	p0 =	sne.s32 s1, $0x0;
	_ =	strace $0x90000053  }
0x4a: {  	s0 =	sadd.s32 @!p0 $0x100000, s0;
	[bflag:$0x2] =	sbarrier.arrive $0xFFFF  }
0x4b: {  	[sflag:s0] =	ssyncadd.tile.s32 @!p0 $0x1;
	_ =	shalt  }
.Lfunc_end2:
_tile_overlayer_lowered:
.L_overlay_start_2:
0x4c: {  	(tag) =	ssettag $0x2  }
0x4d: {  	s0 =	rddreg [dreg:$0x0];
	s2 =	stileid.u32  }
0x4e: {  	s1 =	rddreg [dreg:$0x1];
	p0 =	sne.s32 s2, $0x0  }
0x4f: {  	s3 =	rddreg [dreg:$0x2];
	[bflag:$0x3] =	sbarrier.arrive $0xFFFF;
	s2 =	simm.s32 @!p0 $0x1C01  }
0x50: {  	[timem:s3], [sflag:s2] =	dma.local @!p0 [hbm:s0], s1  }
0x51: {  	s0 =	simm.s32 @!p0 $0x1  }
0x52: {  	_ =	swait.ge @!p0 [sflag:s0], s1  }
0x53: {  	s1 =	ssub.s32 @!p0 $0x0, s1;
	[sflag:s0] =	ssyncset.done @!p0 $0x0  }
0x54: {  	[sflag:s0] =	ssyncadd.s32 @!p0 s1  }
0x55: {  	[bflag:$0x3] =	sbarrier.arrive $0xFFFF  }
0x56: {  	_ =	shalt  }

// kernel: gather_offload_async_start.5
scs
__scs_entry_jumppad:
0x0: {  	(pc) =	sbr.rel $0x88, $3  }
0x1: {  	(tag) =	ssettag $0x0;
	lr =	simm.s32 $0x1  }
0x2: {  	[smem:$0x3F8D] =	sst lr;
	_ =	strace $0xD0000000  }
0x3: {  	_ = 	snop  }
0x4: {  	_ = 	snop  }
0x5: {  	_ = 	snop  }
0x6: {  	_ = 	snop  }
0x7: {  	_ = 	snop  }
__scs_overlays_trampoline_lowered:
0x8: {  	[smem:$0x3F9C] =	sst s0  }
0x9: {  	[smem:$0x3F9D] =	sst s1  }
0xa: {  	[smem:$0x3F9E] =	sst s2  }
0xb: {  	[smem:$0x3F9F] =	sst s3  }
0xc: {  	[smem:$0x3FA0] =	sst s4  }
0xd: {  	[smem:$0x3FA1] =	sst s5  }
0xe: {  	[smem:$0x3FA2] =	sst s6  }
0xf: {  	[smem:$0x3FA3] =	sst s7  }
0x10: {  	[smem:$0x3FA4] =	sst s8  }
0x11: {  	[smem:$0x3FA5] =	sst s9;
	s0 =	simm.s32 @!p0 $0x0  }
0x12: {  	s1 =	sld [smem:$0x3F8B];
	s0 =	simm.s32 @p0 $0x1  }
0x13: {  	[smem:$0x3FA6] =	sst s0;
	s0 =	simm.s32 @!p1 $0x0  }
0x14: {  	s2 =	sld [smem:$0x3F8A];
	s0 =	simm.s32 @p1 $0x1  }
0x15: {  	[smem:$0x3FA7] =	sst s0;
	s0 =	simm.s32 @!p2 $0x0  }
0x16: {  	s3 =	sld [smem:$0x3FDB];
	s0 =	simm.s32 @p2 $0x1  }
0x17: {  	s4 =	simm.s32 $0x1BF5;
	[smem:$0x3FA9] =	sst s0  }
0x18: {  	s0 =	sld [smem:$0x3F8C];
	_ =	swait.ge [sflag:s4], $0x0  }
0x19: {  	s7 =	sld [smem:$0x3F8D]  }
0x1a: {  	s8 =	sadd.s32 $0xFFFFE003, lr  }
0x1b: {  	s9 =	sadd.s32 $0xFFFFFEF7, lr;
	s5 =	simm.s32 $0xFFFFFFFF;
	p2 =	slt.u32 s8, $0xFFFFF086  }
0x1c: {  	p1 =	slt.u32 s9, $0xF7A;
	s5 =	simm.s32 @!p2 $0x0  }
0x1d: {  	s5 =	simm.s32 @p1 $0x1;
	p0 =	seq.s32 s7, s2  }
0x1e: {  	s7 =	smul.u32 @!p0 $0xF7A, s2;
	p2 =	seq.s32 @!p0 s5, $0x0  }
0x1f: {  	s9 =	smul.u32 $0xF7A, s1;
	s8 =	simm.s32 @!p0 $0x1BF5;
	p2 =	por !p2, p0  }
0x20: {  	[sflag:s8] =	ssyncset.s32 @!p0 $0xFFFFF086;
	s6 =	sadd.s32 @!p0 s3, s7;
	s7 =	simm.s32 @!p0 $0x108  }
0x21: {  	s3 =	sadd.s32 s3, s9;
	s6 =	sadd.s32 @!p0 $0x88, s6;
	s7 =	simm.s32 @p2 $0x1082  }
0x22: {  	[simem:s7], [sflag:s8] =	dma.local @!p0 [hbm:s6], $0xF7A  }
0x23: {  	s9 =	sor.u32 $0xD0000000, s2;
	s6 =	simm.s32 $0x108;
	_ =	swait.ge @!p0 [sflag:s8], $0x0  }
0x24: {  	s3 =	sadd.s32 $0x88, s3;
	s6 =	simm.s32 @!p1 $0x1082;
	[sflag:s4] =	ssyncset.s32 $0xFFFFF086  }
0x25: {  	[simem:s6], [sflag:s4] =	dma.local [hbm:s3], $0xF7A  }
0x26: {  	[smem:$0x3F8D] =	sst s1;
	(tag) =	ssettag s2;
	_ =	strace s9  }
0x27: {  	s1 =	sld [smem:$0x3F9D]  }
0x28: {  	s2 =	sld [smem:$0x3F9E]  }
0x29: {  	s4 =	sld [smem:$0x3FA0]  }
0x2a: {  	p0 =	seq.s32 s5, $0x0;
	s5 =	sld [smem:$0x3FA1]  }
0x2b: {  	s6 =	sld [smem:$0x3FA2]  }
0x2c: {  	s7 =	sld [smem:$0x3FA3]  }
0x2d: {  	s3 =	simm.s32 $0x108;
	s8 =	sld [smem:$0x3FA4]  }
0x2e: {  	s3 =	simm.s32 @!p0 $0x1082;
	s9 =	sld [smem:$0x3FA5]  }
0x2f: {  	lr =	sadd.s32 s0, s3;
	s0 =	sld [smem:$0x3F9C]  }
0x30: {  	s3 =	sld [smem:$0x3F9F]  }
0x31: {  	[smem:$0x3FA8] =	sst s10  }
0x32: {  	s10 =	sld [smem:$0x3FA6];
	_ =	sdelay $0x3  }
0x33: {  	p0 =	seq.s32 s10, $0x1;
	s10 =	sld [smem:$0x3FA8];
	_ =	sdelay $0x3  }
0x34: {  	[smem:$0x3FA8] =	sst s10  }
0x35: {  	s10 =	sld [smem:$0x3FA7];
	_ =	sdelay $0x3  }
0x36: {  	p1 =	seq.s32 s10, $0x1;
	s10 =	sld [smem:$0x3FA8];
	_ =	sdelay $0x3  }
0x37: {  	[smem:$0x3FA8] =	sst s10  }
0x38: {  	s10 =	sld [smem:$0x3FA9]  }
0x39: {  	_ = 	snop;
	(pc) =	sbr.ind lr, $3  }
0x3a: {  	_ = 	snop  }
0x3b: {  	_ = 	snop  }
0x3c: {  	p2 =	seq.s32 s10, $0x1;
	s10 =	sld [smem:$0x3FA8]  }
0x3d: {  	_ =	shalt  }
0x3e: {  	_ =	shalt  }
0x3f: {  	_ =	shalt  }
0x40: {  	_ =	shalt  }
0x41: {  	_ =	shalt  }
0x42: {  	_ =	shalt  }
0x43: {  	_ =	shalt  }
0x44: {  	_ =	shalt  }
0x45: {  	_ =	shalt  }
0x46: {  	_ =	shalt  }
0x47: {  	_ =	shalt  }
0x48: {  	_ =	shalt  }
0x49: {  	_ =	shalt  }
0x4a: {  	_ =	shalt  }
0x4b: {  	_ =	shalt  }
0x4c: {  	_ =	shalt  }
0x4d: {  	_ =	shalt  }
0x4e: {  	_ =	shalt  }
0x4f: {  	_ =	shalt  }
0x50: {  	_ =	shalt  }
0x51: {  	_ =	shalt  }
0x52: {  	_ =	shalt  }
0x53: {  	_ =	shalt  }
0x54: {  	_ =	shalt  }
0x55: {  	_ =	shalt  }
0x56: {  	_ =	shalt  }
0x57: {  	_ =	shalt  }
0x58: {  	_ =	shalt  }
0x59: {  	_ =	shalt  }
0x5a: {  	_ =	shalt  }
0x5b: {  	_ =	shalt  }
0x5c: {  	_ =	shalt  }
0x5d: {  	_ =	shalt  }
0x5e: {  	_ =	shalt  }
0x5f: {  	_ =	shalt  }
0x60: {  	_ =	shalt  }
0x61: {  	_ =	shalt  }
0x62: {  	_ =	shalt  }
0x63: {  	_ =	shalt  }
0x64: {  	_ =	shalt  }
0x65: {  	_ =	shalt  }
0x66: {  	_ =	shalt  }
0x67: {  	_ =	shalt  }
0x68: {  	_ =	shalt  }
0x69: {  	_ =	shalt  }
0x6a: {  	_ =	shalt  }
0x6b: {  	_ =	shalt  }
0x6c: {  	_ =	shalt  }
0x6d: {  	_ =	shalt  }
0x6e: {  	_ =	shalt  }
0x6f: {  	_ =	shalt  }
0x70: {  	_ =	shalt  }
0x71: {  	_ =	shalt  }
0x72: {  	_ =	shalt  }
0x73: {  	_ =	shalt  }
0x74: {  	_ =	shalt  }
0x75: {  	_ =	shalt  }
0x76: {  	_ =	shalt  }
0x77: {  	_ =	shalt  }
0x78: {  	_ =	shalt  }
0x79: {  	_ =	shalt  }
0x7a: {  	_ =	shalt  }
0x7b: {  	_ =	shalt  }
0x7c: {  	_ =	shalt  }
0x7d: {  	_ =	shalt  }
0x7e: {  	_ =	shalt  }
0x7f: {  	_ =	shalt  }
0x80: {  	_ =	shalt  }
0x81: {  	_ =	shalt  }
0x82: {  	_ =	shalt  }
0x83: {  	_ =	shalt  }
0x84: {  	_ =	shalt  }
0x85: {  	_ =	shalt  }
0x86: {  	_ =	shalt  }
0x87: {  	_ =	shalt  }
.Lfunc_end0:
.L_simem_size_0:
called_computation.5_lowered:
.L_overlay_start_0:
0x88: {  	s2 =	sld [smem:$0x3FD9]  }
0x89: {  	s3 =	sld [smem:$0x3FFE];
	_ =	sdelay $0x1  }
0x8a: {  	s1 =	srdreg.scid  }
0x8b: {  	s0 =	sand.u32 $0x1, s1  }
0x8c: {  	s17 =	sshll.u32 s0, $0xA;
	s2 =	sadd.s32 s3, s2  }
0x8d: {  	s2 =	sadd.s32 s2, s17  }
0x8e: {  	[smem:$0x3FB4] =	sst s2  }
0x8f: {  	_ = 	snop  }
0x90: {  	s2 =	sld [smem:$0x3FD0];
	(tm) =	ssettm $0x1  }
0x91: {  	s18 =	sld [smem:$0x3FFB];
	_ =	sdelay $0x3  }
0x92: {  	_ =	strace s18  }
0x93: {  	s3 =	sld [smem:$0x3FFC];
	_ =	sdelay $0x3  }
0x94: {  	_ =	strace s3  }
0x95: {  	s3 =	sld [smem:$0x3FFD];
	_ =	sdelay $0x3  }
0x96: {  	_ =	strace s3  }
0x97: {  	_ =	strace $0x8FFFFFFF  }
0x98: {  	s19 =	sld [smem:$0x3FDB];
	_ =	sdelay $0x1  }
0x99: {  	s4 =	simm.s32 $_scs_section_size  }
0x9a: {  	s5 =	simm.s32 $_size__tile_overlayer_lowered;
	s6 =	simm.s32 $_tile_overlayer_lowered  }
0x9b: {  	s22 =	simm.s32 $0x1BFF;
	s21 =	sshll.u32 s6, $0x1;
	s3 =	sadd.s32 s4, s19  }
0x9c: {  	s7 =	simm.s32 $0x0;
	s20 =	sshll.u32 s5, $0x1;
	s5 =	sadd.s32 s21, s3  }
0x9d: {  	[timem:s7], [sflag:s22] =	dma.local [hbm:s5], s20  }
0x9e: {  	_ =	swait.ge [sflag:s22], s20  }
0x9f: {  	s4 =	ssub.s32 $0x0, s20;
	[sflag:s22] =	ssyncset.done $0x0  }
0xa0: {  	[sflag:s22] =	ssyncadd.s32 s4;
	_ =	sdelay $0x1  }
0xa1: {  	s23 =	simm.s32 $0x1B8B  }
0xa2: {  	_ =	swait.ge [sflag:s23], $0x1  }
0xa3: {  	[sflag:s23] =	ssyncset.done $0x0  }
0xa4: {  	s25 =	simm.s32 $0x1B8E;
	s24 =	sld [smem:$0x3FFE];
	[sflag:s23] =	ssyncadd.s32 $0xFFFFFFFF  }
0xa5: {  	s26 =	simm.s32 $execute0_lowered;
	[smem:$0x3FD2] =	sst s25  }
0xa6: {  	s5 =	sshll.u32 s26, $0x1;
	_ =	strace $0x80000055;
	[dreg:$0x1] =	wrdreg $0xFFFFFFFF  }
0xa7: {  	s28 =	simm.s32 $_size_execute0_lowered;
	s3 =	sadd.s32 s3, s5;
	[dreg:$0x0] =	wrdreg $0x0  }
0xa8: {  	s5 =	sshll.u32 s28, $0x1;
	[dreg:$0x2] =	wrdreg s3  }
0xa9: {  	[dreg:$0x3] =	wrdreg s5  }
0xaa: {  	[dreg:$0x4] =	wrdreg $0xC0  }
0xab: {  	_ =	task [dreg:s7], $0x5FFFF  }
0xac: {  	[dreg:$0x1] =	wrdreg $0xFFFFFFFF  }
0xad: {  	[dreg:$0x0] =	wrdreg $0x60  }
0xae: {  	[dreg:$0x2] =	wrdreg s24  }
0xaf: {  	[dreg:$0x3] =	wrdreg s2  }
0xb0: {  	[dreg:$0x4] =	wrdreg $0x9  }
0xb1: {  	_ =	task.clear_ibuf [dreg:s7], $0x5FFFF;
	_ =	strace $0x90000055  }
0xb2: {  	s29 =	simm.s32 $0x9;
	_ =	strace $0x80000057  }
0xb3: {  	_ =	swait.ge [sflag:s29], $0x1  }
0xb4: {  	[sflag:s29] =	ssyncadd.s32 $0xFFFFFFFF  }
0xb5: {  	_ =	strace $0x90000057  }
0xb6: {  	_ =	sfence  }
0xb7: {  	s30 =	sld [smem:$0x0];
	_ =	sdelay $0x2  }
0xb8: {  	s31 =	sshll.u32 s1, $0xD;
	s1 =	sshrl.u32 s1, $0x2  }
0xb9: {  	s3 =	sand.u32 $0x4000, s31;
	s1 =	sadd.s32 s1, s30  }
0xba: {  	s0 =	sor.u32 s3, s0;
	s1 =	sshll.u32 s1, $0x11  }
0xbb: {  	s0 =	sor.u32 s1, s0  }
0xbc: {  	s0 =	sadd.s32 $0x8F2B, s0  }
0xbd: {  	[sflag:s0] =	ssyncadd.remote.s32 $0x1  }
0xbe: {  	_ =	sfence.sel $0xFFFF  }
0xbf: {  	[dreg:$0x0] =	wrdreg $0xFFFFFFFF;
	(pc) =	sbr.abs _section_cstart, $3  }
0xc0: {  	[dreg:$0x1] =	wrdreg $0xFFFFFFFF  }
0xc1: {  	_ =	task.clear_ibuf [dreg:s7], $0x2FFFF;
	_ =	strace $0x9FFFFFFF  }
0xc2: {  	(tm) =	ssettm $0x7FFFFFFF  }
0xc3: {  	_ =	shalt  }
tec
execute0_lowered:
.L_overlay_start_1:
0x0: {  	(tag) =	ssettag $0x1  }
0x1: {  	s7 =	rddreg [dreg:$0x0]  }
0x2: {  	s0 =	srdreg.scid;
	s2 =	rddreg [dreg:$0x1]  }
0x3: {  	s1 =	stileid.u32;
	s5 =	simm.s32 $0x2;
	s9 =	simm.s32 $0x3  }
0x4: {  	s3 =	sshll.u32 s0, $0x4;
	s0 =	rddreg [dreg:$0x2];
	_ =	strace $0x80000056  }
.Ltmp0:
0x5: {  	s4 =	sand.u32 $0x10, s3;
	s3 =	simm.s32 $0x1;
	(pc) =	sbr.rel .LBB2_1-.Ltmp0, $4  }
0x6: {  	s12 =	simm.s32 $0x0;
	s4 =	sor.u32 s1, s4;
	[sflag:s3] =	ssyncpa.u1 $0x0  }
0x7: {  	s11 =	simm.s32 $0x0;
	s4 =	smul.u32 $0x30, s4;
	[sflag:s5] =	ssyncpa.u1 $0x0  }
0x8: {  	s6 =	sadd.s32 $0x59CA00, s7;
	s7 =	sadd.s32 $0x5E4A00, s7;
	[sflag:s9] =	ssyncpa.u1 $0x0  }
0x9: {  	vm0 =	vmmov $0xff;
	vm1 =	vcmask $0x3F20;
	s9 =	simm.s32 $0x30;
	s8 =	sadd.s32 $0x30, s4;
	s10 =	smov.u32 s4  }
.LBB2_11:
0xa: {  	s12 =	sshrl.u32 s10, $0x3  }
0xb: {  	s13 =	sand.u32 $0x7, s10;
	s12 =	sadd.s32 s2, s12  }
0xc: {  	[tilespmem:s9], [sflag:$0x2] =	stream.linear.gather [hbm4b:s12+s13], $0x30, $0x38;
	[tilespmem:$0x6060] =	vst v63  }
.LBB2_12:
0xd: {  	s12 =	sadd.s32 $0x30, s10  }
0xe: {  	s13 =	smov.u32 s4;
	s11 =	sadd.s32 $0x1, s11;
	p0 =	slt.s32 s12, s8  }
0xf: {  	s13 =	smov.u32 @p0 s12;
	p0 =	sne.s32 s11, $0x3  }
.Ltmp1:
0x10: {  	_ = 	snop;
	(pc) =	sbr.rel @!p0 .LBB2_13-.Ltmp1, $2  }
0x11: {  	_ =	sdelay $0x2  }
0x12: {  	s12 =	smov.u32 s10;
	s10 =	smov.u32 s13  }
.LBB2_1:
0x13: {  	p0 =	seq.s32 s11, $0x0  }
.Ltmp2:
0x14: {  	_ = 	snop;
	(pc) =	sbr.rel @p0 .LBB2_11-.Ltmp2, $1  }
0x15: {  	_ =	sdelay $0x3  }
0x16: {  	p0 =	seq.s32 s11, $0x1  }
.Ltmp3:
0x17: {  	_ = 	snop;
	(pc) =	sbr.rel @!p0 .LBB2_10-.Ltmp3, $1  }
0x18: {  	_ =	sdelay $0x3  }
0x19: {  	_ =	swait.ge [sflag:s5], $0x30  }
0x1a: {  	[sflag:s5] =	ssyncset.done $0x0  }
0x1b: {  	s13 =	simm.s32 $0x0;
	[sflag:s5] =	ssyncadd.s32 $0xFFFFFFD0  }
.LBB2_4:
0x1c: {  	s14 =	sshll.u32 s13, $0x4  }
0x1d: {  	s14 =	sand.u32 $0x3FFFFFF0, s14  }
0x1e: {  	v0 =	vld.msk [tilespmem:s14+$0x30 ss:$0x1], $0xffff;
	_ =	sdelay $0x4  }
0x1f: {  	vm2 =	veq.s32 v0, $0x80000000;
	v1 =	vshrl.u32 v0, $0xA  }
0x20: {  	v2 =	vand.u32 $0x3, v0;
	v0 =	vshrl.u32 v0, $0x2;
	v1 =	vand.u32 $0xF, v1  }
0x21: {  	v0 =	vand.u32 $0xFF, v0;
	v2 =	vmul.u32 $0x90000, v2;
	v1 =	vmul.u32 $0xC000, v1  }
0x22: {  	v0 =	vsel vm2, $0xFFFFFFFF, v0  }
0x23: {  	v1 =	vadd.s32 v2, v1;
	v2 =	vshll.u32 v0, $0x8  }
0x24: {  	v0 =	vshll.u32 v0, $0x7;
	v1 =	vsel vm2, $0xFFF64000, v1;
	v2 =	vand.u32 $0xFFFFF800, v2  }
0x25: {  	s31 =	sshll.u32 s13, $0xC;
	v0 =	vand.u32 $0x380, v0;
	v1 =	vadd.s32 v2, v1  }
0x26: {  	s14 =	sand.u32 $0x3FFFF000, s31;
	v0 =	vor.u32 v0, v1  }
0x27: {  	p0 =	por $0x1, $0x1;
	s15 =	simm.s32 $0x0;
	s14 =	sadd.s32 $0x3060, s14;
	v0 =	vshrl.u32 v0, $0x3  }
.LBB2_5:
0x28: {  	_ =	sdelay $0x1  }
0x29: {  	s15 =	sshra.s32 s15, $0x2;
	p1 =	por p0, p0  }
.Ltmp4:
0x2a: {  	s15 =	sadd.s32 s15, s14;
	(pc) =	sbr.rel @p1 .LBB2_5-.Ltmp4, $4  }
0x2b: {  	[tilespmem:s15], [sflag:$0x1] =	stream.indirect_vreg.gather [hbm:s6], $0x80, v0, vm0, $0x38;
	[tilespmem:$0x6060] =	vst v63  }
0x2c: {  	s15 =	sadd.s32 $0x800, s15  }
0x2d: {  	[tilespmem:s15], [sflag:$0x1] =	stream.indirect_vreg.gather [hbm:s6], $0x80, v0, vm1, $0x38;
	[tilespmem:$0x6060] =	vst v63  }
0x2e: {  	p0 =	por $0x0, $0x0;
	v0 =	vadd.s32 $0x80, v0;
	s15 =	simm.s32 $0x1000  }
0x2f: {  	s13 =	sadd.s32 $0x1, s13  }
0x30: {  	p0 =	sne.s32 s13, $0x3  }
.Ltmp5:
0x31: {  	_ = 	snop;
	(pc) =	sbr.rel @p0 .LBB2_4-.Ltmp5, $1  }
0x32: {  	_ =	sdelay $0x3  }
0x33: {  	s13 =	sshll.u32 s12, $0x5  }
0x34: {  	_ =	swait.ge [sflag:s3], $0x3000;
	s31 =	sshll.u32 s12, $0x4;
	s13 =	sand.u32 $0xFFFFFF00, s13  }
0x35: {  	s14 =	simm.s32 $0x100;
	s12 =	sand.u32 $0x70, s31;
	s13 =	sadd.s32 s13, s7  }
0x36: {  	s15 =	simm.s32 $0x3860;
	[sflag:s3] =	ssyncset.done $0x0;
	s12 =	sadd.s32 s12, s13  }
0x37: {  	[sflag:s3] =	ssyncadd.s32 $0xFFFFD000;
	s13 =	simm.s32 $0x3060;
	s16 =	sadd.s32 $0x0, s12  }
.LBB2_8:
0x38: {  	[hbm:s16] =	stream.linear.scatter [tilespmem:s13], [sflag:$0x3], $0x800, $0x38;
	[tilespmem:$0x6060] =	vst v63  }
0x39: {  	s16 =	smov.u32 s14;
	s13 =	smov.u32 s15;
	p0 =	seq.s32 s14, $0x500  }
.Ltmp6:
0x3a: {  	s14 =	sadd.s32 $0x100, s14;
	(pc) =	sbr.rel @!p0 .LBB2_8-.Ltmp6, $2  }
0x3b: {  	_ =	sdelay $0x2  }
0x3c: {  	s15 =	sadd.s32 $0x800, s15;
	s16 =	sadd.s32 s16, s12  }
.Ltmp7:
0x3d: {  	(pc) =	sbr.rel .LBB2_12-.Ltmp7, $2  }
0x3e: {  	_ =	sdelay $0x2  }
0x3f: {  	[hbm:s16] =	stream.linear.scatter [tilespmem:s13], [sflag:$0x3], $0x800, $0x38;
	[tilespmem:$0x6060] =	vst v63  }
.LBB2_10:
0x40: {  	s2 =	simm.s32 $0x3  }
0x41: {  	_ =	swait.ge [sflag:s2], $0x3000  }
0x42: {  	[sflag:s2] =	ssyncset.done $0x0  }
0x43: {  	[sflag:s2] =	ssyncadd.s32 $0xFFFFD000  }
.LBB2_13:
0x44: {  	_ =	sfence.sel $0x180000  }
0x45: {  	s2 =	simm.s32 $0x2;
	[bflag:$0x0] =	sbarrier.arrive $0xFFFF  }
0x46: {  	s30 =	simm.s32 $0x3;
	[sflag:s2] =	ssyncpa.u1 $0x1  }
0x47: {  	s31 =	simm.s32 $0x1;
	[sflag:s30] =	ssyncpa.u1 $0x1  }
0x48: {  	[sflag:s31] =	ssyncpa.u1 $0x1  }
0x49: {  	p0 =	sne.s32 s1, $0x0;
	_ =	strace $0x90000056  }
0x4a: {  	s0 =	sadd.s32 @!p0 $0x100000, s0;
	[bflag:$0x2] =	sbarrier.arrive $0xFFFF  }
0x4b: {  	[sflag:s0] =	ssyncadd.tile.s32 @!p0 $0x1;
	_ =	shalt  }
.Lfunc_end2:
_tile_overlayer_lowered:
.L_overlay_start_2:
0x4c: {  	(tag) =	ssettag $0x2  }
0x4d: {  	s0 =	rddreg [dreg:$0x0];
	s2 =	stileid.u32  }
0x4e: {  	s1 =	rddreg [dreg:$0x1];
	p0 =	sne.s32 s2, $0x0  }
0x4f: {  	s3 =	rddreg [dreg:$0x2];
	[bflag:$0x3] =	sbarrier.arrive $0xFFFF;
	s2 =	simm.s32 @!p0 $0x1C01  }
0x50: {  	[timem:s3], [sflag:s2] =	dma.local @!p0 [hbm:s0], s1  }
0x51: {  	s0 =	simm.s32 @!p0 $0x1  }
0x52: {  	_ =	swait.ge @!p0 [sflag:s0], s1  }
0x53: {  	s1 =	ssub.s32 @!p0 $0x0, s1;
	[sflag:s0] =	ssyncset.done @!p0 $0x0  }
0x54: {  	[sflag:s0] =	ssyncadd.s32 @!p0 s1  }
0x55: {  	[bflag:$0x3] =	sbarrier.arrive $0xFFFF  }
0x56: {  	_ =	shalt  }

// kernel: gather_offload_async_start.6
scs
__scs_entry_jumppad:
0x0: {  	(pc) =	sbr.rel $0x88, $3  }
0x1: {  	(tag) =	ssettag $0x0;
	lr =	simm.s32 $0x1  }
0x2: {  	[smem:$0x3F8D] =	sst lr;
	_ =	strace $0xD0000000  }
0x3: {  	_ = 	snop  }
0x4: {  	_ = 	snop  }
0x5: {  	_ = 	snop  }
0x6: {  	_ = 	snop  }
0x7: {  	_ = 	snop  }
__scs_overlays_trampoline_lowered:
0x8: {  	[smem:$0x3F9C] =	sst s0  }
0x9: {  	[smem:$0x3F9D] =	sst s1  }
0xa: {  	[smem:$0x3F9E] =	sst s2  }
0xb: {  	[smem:$0x3F9F] =	sst s3  }
0xc: {  	[smem:$0x3FA0] =	sst s4  }
0xd: {  	[smem:$0x3FA1] =	sst s5  }
0xe: {  	[smem:$0x3FA2] =	sst s6  }
0xf: {  	[smem:$0x3FA3] =	sst s7  }
0x10: {  	[smem:$0x3FA4] =	sst s8  }
0x11: {  	[smem:$0x3FA5] =	sst s9;
	s0 =	simm.s32 @!p0 $0x0  }
0x12: {  	s1 =	sld [smem:$0x3F8B];
	s0 =	simm.s32 @p0 $0x1  }
0x13: {  	[smem:$0x3FA6] =	sst s0;
	s0 =	simm.s32 @!p1 $0x0  }
0x14: {  	s2 =	sld [smem:$0x3F8A];
	s0 =	simm.s32 @p1 $0x1  }
0x15: {  	[smem:$0x3FA7] =	sst s0;
	s0 =	simm.s32 @!p2 $0x0  }
0x16: {  	s3 =	sld [smem:$0x3FDB];
	s0 =	simm.s32 @p2 $0x1  }
0x17: {  	s4 =	simm.s32 $0x1BF5;
	[smem:$0x3FA9] =	sst s0  }
0x18: {  	s0 =	sld [smem:$0x3F8C];
	_ =	swait.ge [sflag:s4], $0x0  }
0x19: {  	s7 =	sld [smem:$0x3F8D]  }
0x1a: {  	s8 =	sadd.s32 $0xFFFFE003, lr  }
0x1b: {  	s9 =	sadd.s32 $0xFFFFFEF7, lr;
	s5 =	simm.s32 $0xFFFFFFFF;
	p2 =	slt.u32 s8, $0xFFFFF086  }
0x1c: {  	p1 =	slt.u32 s9, $0xF7A;
	s5 =	simm.s32 @!p2 $0x0  }
0x1d: {  	s5 =	simm.s32 @p1 $0x1;
	p0 =	seq.s32 s7, s2  }
0x1e: {  	s7 =	smul.u32 @!p0 $0xF7A, s2;
	p2 =	seq.s32 @!p0 s5, $0x0  }
0x1f: {  	s9 =	smul.u32 $0xF7A, s1;
	s8 =	simm.s32 @!p0 $0x1BF5;
	p2 =	por !p2, p0  }
0x20: {  	[sflag:s8] =	ssyncset.s32 @!p0 $0xFFFFF086;
	s6 =	sadd.s32 @!p0 s3, s7;
	s7 =	simm.s32 @!p0 $0x108  }
0x21: {  	s3 =	sadd.s32 s3, s9;
	s6 =	sadd.s32 @!p0 $0x88, s6;
	s7 =	simm.s32 @p2 $0x1082  }
0x22: {  	[simem:s7], [sflag:s8] =	dma.local @!p0 [hbm:s6], $0xF7A  }
0x23: {  	s9 =	sor.u32 $0xD0000000, s2;
	s6 =	simm.s32 $0x108;
	_ =	swait.ge @!p0 [sflag:s8], $0x0  }
0x24: {  	s3 =	sadd.s32 $0x88, s3;
	s6 =	simm.s32 @!p1 $0x1082;
	[sflag:s4] =	ssyncset.s32 $0xFFFFF086  }
0x25: {  	[simem:s6], [sflag:s4] =	dma.local [hbm:s3], $0xF7A  }
0x26: {  	[smem:$0x3F8D] =	sst s1;
	(tag) =	ssettag s2;
	_ =	strace s9  }
0x27: {  	s1 =	sld [smem:$0x3F9D]  }
0x28: {  	s2 =	sld [smem:$0x3F9E]  }
0x29: {  	s4 =	sld [smem:$0x3FA0]  }
0x2a: {  	p0 =	seq.s32 s5, $0x0;
	s5 =	sld [smem:$0x3FA1]  }
0x2b: {  	s6 =	sld [smem:$0x3FA2]  }
0x2c: {  	s7 =	sld [smem:$0x3FA3]  }
0x2d: {  	s3 =	simm.s32 $0x108;
	s8 =	sld [smem:$0x3FA4]  }
0x2e: {  	s3 =	simm.s32 @!p0 $0x1082;
	s9 =	sld [smem:$0x3FA5]  }
0x2f: {  	lr =	sadd.s32 s0, s3;
	s0 =	sld [smem:$0x3F9C]  }
0x30: {  	s3 =	sld [smem:$0x3F9F]  }
0x31: {  	[smem:$0x3FA8] =	sst s10  }
0x32: {  	s10 =	sld [smem:$0x3FA6];
	_ =	sdelay $0x3  }
0x33: {  	p0 =	seq.s32 s10, $0x1;
	s10 =	sld [smem:$0x3FA8];
	_ =	sdelay $0x3  }
0x34: {  	[smem:$0x3FA8] =	sst s10  }
0x35: {  	s10 =	sld [smem:$0x3FA7];
	_ =	sdelay $0x3  }
0x36: {  	p1 =	seq.s32 s10, $0x1;
	s10 =	sld [smem:$0x3FA8];
	_ =	sdelay $0x3  }
0x37: {  	[smem:$0x3FA8] =	sst s10  }
0x38: {  	s10 =	sld [smem:$0x3FA9]  }
0x39: {  	_ = 	snop;
	(pc) =	sbr.ind lr, $3  }
0x3a: {  	_ = 	snop  }
0x3b: {  	_ = 	snop  }
0x3c: {  	p2 =	seq.s32 s10, $0x1;
	s10 =	sld [smem:$0x3FA8]  }
0x3d: {  	_ =	shalt  }
0x3e: {  	_ =	shalt  }
0x3f: {  	_ =	shalt  }
0x40: {  	_ =	shalt  }
0x41: {  	_ =	shalt  }
0x42: {  	_ =	shalt  }
0x43: {  	_ =	shalt  }
0x44: {  	_ =	shalt  }
0x45: {  	_ =	shalt  }
0x46: {  	_ =	shalt  }
0x47: {  	_ =	shalt  }
0x48: {  	_ =	shalt  }
0x49: {  	_ =	shalt  }
0x4a: {  	_ =	shalt  }
0x4b: {  	_ =	shalt  }
0x4c: {  	_ =	shalt  }
0x4d: {  	_ =	shalt  }
0x4e: {  	_ =	shalt  }
0x4f: {  	_ =	shalt  }
0x50: {  	_ =	shalt  }
0x51: {  	_ =	shalt  }
0x52: {  	_ =	shalt  }
0x53: {  	_ =	shalt  }
0x54: {  	_ =	shalt  }
0x55: {  	_ =	shalt  }
0x56: {  	_ =	shalt  }
0x57: {  	_ =	shalt  }
0x58: {  	_ =	shalt  }
0x59: {  	_ =	shalt  }
0x5a: {  	_ =	shalt  }
0x5b: {  	_ =	shalt  }
0x5c: {  	_ =	shalt  }
0x5d: {  	_ =	shalt  }
0x5e: {  	_ =	shalt  }
0x5f: {  	_ =	shalt  }
0x60: {  	_ =	shalt  }
0x61: {  	_ =	shalt  }
0x62: {  	_ =	shalt  }
0x63: {  	_ =	shalt  }
0x64: {  	_ =	shalt  }
0x65: {  	_ =	shalt  }
0x66: {  	_ =	shalt  }
0x67: {  	_ =	shalt  }
0x68: {  	_ =	shalt  }
0x69: {  	_ =	shalt  }
0x6a: {  	_ =	shalt  }
0x6b: {  	_ =	shalt  }
0x6c: {  	_ =	shalt  }
0x6d: {  	_ =	shalt  }
0x6e: {  	_ =	shalt  }
0x6f: {  	_ =	shalt  }
0x70: {  	_ =	shalt  }
0x71: {  	_ =	shalt  }
0x72: {  	_ =	shalt  }
0x73: {  	_ =	shalt  }
0x74: {  	_ =	shalt  }
0x75: {  	_ =	shalt  }
0x76: {  	_ =	shalt  }
0x77: {  	_ =	shalt  }
0x78: {  	_ =	shalt  }
0x79: {  	_ =	shalt  }
0x7a: {  	_ =	shalt  }
0x7b: {  	_ =	shalt  }
0x7c: {  	_ =	shalt  }
0x7d: {  	_ =	shalt  }
0x7e: {  	_ =	shalt  }
0x7f: {  	_ =	shalt  }
0x80: {  	_ =	shalt  }
0x81: {  	_ =	shalt  }
0x82: {  	_ =	shalt  }
0x83: {  	_ =	shalt  }
0x84: {  	_ =	shalt  }
0x85: {  	_ =	shalt  }
0x86: {  	_ =	shalt  }
0x87: {  	_ =	shalt  }
.Lfunc_end0:
.L_simem_size_0:
called_computation.6_lowered:
.L_overlay_start_0:
0x88: {  	s2 =	sld [smem:$0x3FD9]  }
0x89: {  	s3 =	sld [smem:$0x3FFE];
	_ =	sdelay $0x1  }
0x8a: {  	s1 =	srdreg.scid  }
0x8b: {  	s0 =	sand.u32 $0x1, s1  }
0x8c: {  	s17 =	sshll.u32 s0, $0xA;
	s2 =	sadd.s32 s3, s2  }
0x8d: {  	s2 =	sadd.s32 s2, s17  }
0x8e: {  	[smem:$0x3FB4] =	sst s2  }
0x8f: {  	_ = 	snop  }
0x90: {  	s2 =	sld [smem:$0x3FD0];
	(tm) =	ssettm $0x1  }
0x91: {  	s18 =	sld [smem:$0x3FFB];
	_ =	sdelay $0x3  }
0x92: {  	_ =	strace s18  }
0x93: {  	s3 =	sld [smem:$0x3FFC];
	_ =	sdelay $0x3  }
0x94: {  	_ =	strace s3  }
0x95: {  	s3 =	sld [smem:$0x3FFD];
	_ =	sdelay $0x3  }
0x96: {  	_ =	strace s3  }
0x97: {  	_ =	strace $0x8FFFFFFF  }
0x98: {  	s19 =	sld [smem:$0x3FDB];
	_ =	sdelay $0x1  }
0x99: {  	s4 =	simm.s32 $_scs_section_size  }
0x9a: {  	s5 =	simm.s32 $_size__tile_overlayer_lowered;
	s6 =	simm.s32 $_tile_overlayer_lowered  }
0x9b: {  	s22 =	simm.s32 $0x1BFF;
	s21 =	sshll.u32 s6, $0x1;
	s3 =	sadd.s32 s4, s19  }
0x9c: {  	s7 =	simm.s32 $0x0;
	s20 =	sshll.u32 s5, $0x1;
	s5 =	sadd.s32 s21, s3  }
0x9d: {  	[timem:s7], [sflag:s22] =	dma.local [hbm:s5], s20  }
0x9e: {  	_ =	swait.ge [sflag:s22], s20  }
0x9f: {  	s4 =	ssub.s32 $0x0, s20;
	[sflag:s22] =	ssyncset.done $0x0  }
0xa0: {  	[sflag:s22] =	ssyncadd.s32 s4;
	_ =	sdelay $0x1  }
0xa1: {  	s23 =	simm.s32 $0x1B8B  }
0xa2: {  	_ =	swait.ge [sflag:s23], $0x1  }
0xa3: {  	[sflag:s23] =	ssyncset.done $0x0  }
0xa4: {  	s25 =	simm.s32 $0x1B8E;
	s24 =	sld [smem:$0x3FFE];
	[sflag:s23] =	ssyncadd.s32 $0xFFFFFFFF  }
0xa5: {  	s26 =	simm.s32 $execute0_lowered;
	[smem:$0x3FD2] =	sst s25  }
0xa6: {  	s5 =	sshll.u32 s26, $0x1;
	_ =	strace $0x80000058;
	[dreg:$0x1] =	wrdreg $0xFFFFFFFF  }
0xa7: {  	s28 =	simm.s32 $_size_execute0_lowered;
	s3 =	sadd.s32 s3, s5;
	[dreg:$0x0] =	wrdreg $0x0  }
0xa8: {  	s5 =	sshll.u32 s28, $0x1;
	[dreg:$0x2] =	wrdreg s3  }
0xa9: {  	[dreg:$0x3] =	wrdreg s5  }
0xaa: {  	[dreg:$0x4] =	wrdreg $0xC0  }
0xab: {  	_ =	task [dreg:s7], $0x5FFFF  }
0xac: {  	[dreg:$0x1] =	wrdreg $0xFFFFFFFF  }
0xad: {  	[dreg:$0x0] =	wrdreg $0x60  }
0xae: {  	[dreg:$0x2] =	wrdreg s24  }
0xaf: {  	[dreg:$0x3] =	wrdreg s2  }
0xb0: {  	[dreg:$0x4] =	wrdreg $0x9  }
0xb1: {  	_ =	task.clear_ibuf [dreg:s7], $0x5FFFF;
	_ =	strace $0x90000058  }
0xb2: {  	s29 =	simm.s32 $0x9;
	_ =	strace $0x8000005A  }
0xb3: {  	_ =	swait.ge [sflag:s29], $0x1  }
0xb4: {  	[sflag:s29] =	ssyncadd.s32 $0xFFFFFFFF  }
0xb5: {  	_ =	strace $0x9000005A  }
0xb6: {  	_ =	sfence  }
0xb7: {  	s30 =	sld [smem:$0x0];
	_ =	sdelay $0x2  }
0xb8: {  	s31 =	sshll.u32 s1, $0xD;
	s1 =	sshrl.u32 s1, $0x2  }
0xb9: {  	s3 =	sand.u32 $0x4000, s31;
	s1 =	sadd.s32 s1, s30  }
0xba: {  	s0 =	sor.u32 s3, s0;
	s1 =	sshll.u32 s1, $0x11  }
0xbb: {  	s0 =	sor.u32 s1, s0  }
0xbc: {  	s0 =	sadd.s32 $0x8F2B, s0  }
0xbd: {  	[sflag:s0] =	ssyncadd.remote.s32 $0x1  }
0xbe: {  	_ =	sfence.sel $0xFFFF  }
0xbf: {  	[dreg:$0x0] =	wrdreg $0xFFFFFFFF;
	(pc) =	sbr.abs _section_cstart, $3  }
0xc0: {  	[dreg:$0x1] =	wrdreg $0xFFFFFFFF  }
0xc1: {  	_ =	task.clear_ibuf [dreg:s7], $0x2FFFF;
	_ =	strace $0x9FFFFFFF  }
0xc2: {  	(tm) =	ssettm $0x7FFFFFFF  }
0xc3: {  	_ =	shalt  }
tec
execute0_lowered:
.L_overlay_start_1:
0x0: {  	(tag) =	ssettag $0x1  }
0x1: {  	s7 =	rddreg [dreg:$0x0]  }
0x2: {  	s0 =	srdreg.scid;
	s2 =	rddreg [dreg:$0x1]  }
0x3: {  	s1 =	stileid.u32;
	s5 =	simm.s32 $0x2;
	s9 =	simm.s32 $0x3  }
0x4: {  	s3 =	sshll.u32 s0, $0x4;
	s0 =	rddreg [dreg:$0x2];
	_ =	strace $0x80000059  }
.Ltmp0:
0x5: {  	s4 =	sand.u32 $0x10, s3;
	s3 =	simm.s32 $0x1;
	(pc) =	sbr.rel .LBB2_1-.Ltmp0, $4  }
0x6: {  	s12 =	simm.s32 $0x0;
	s4 =	sor.u32 s1, s4;
	[sflag:s3] =	ssyncpa.u1 $0x0  }
0x7: {  	s11 =	simm.s32 $0x0;
	s4 =	smul.u32 $0x30, s4;
	[sflag:s5] =	ssyncpa.u1 $0x0  }
0x8: {  	s6 =	sadd.s32 $0x394A00, s7;
	s7 =	sadd.s32 $0x3DCA00, s7;
	[sflag:s9] =	ssyncpa.u1 $0x0  }
0x9: {  	vm0 =	vmmov $0xff;
	vm1 =	vcmask $0x3F20;
	s9 =	simm.s32 $0x30;
	s8 =	sadd.s32 $0x30, s4;
	s10 =	smov.u32 s4  }
.LBB2_11:
0xa: {  	s12 =	sshrl.u32 s10, $0x3  }
0xb: {  	s13 =	sand.u32 $0x7, s10;
	s12 =	sadd.s32 s2, s12  }
0xc: {  	[tilespmem:s9], [sflag:$0x2] =	stream.linear.gather [hbm4b:s12+s13], $0x30, $0x38;
	[tilespmem:$0x6060] =	vst v63  }
.LBB2_12:
0xd: {  	s12 =	sadd.s32 $0x30, s10  }
0xe: {  	s13 =	smov.u32 s4;
	s11 =	sadd.s32 $0x1, s11;
	p0 =	slt.s32 s12, s8  }
0xf: {  	s13 =	smov.u32 @p0 s12;
	p0 =	sne.s32 s11, $0x3  }
.Ltmp1:
0x10: {  	_ = 	snop;
	(pc) =	sbr.rel @!p0 .LBB2_13-.Ltmp1, $2  }
0x11: {  	_ =	sdelay $0x2  }
0x12: {  	s12 =	smov.u32 s10;
	s10 =	smov.u32 s13  }
.LBB2_1:
0x13: {  	p0 =	seq.s32 s11, $0x0  }
.Ltmp2:
0x14: {  	_ = 	snop;
	(pc) =	sbr.rel @p0 .LBB2_11-.Ltmp2, $1  }
0x15: {  	_ =	sdelay $0x3  }
0x16: {  	p0 =	seq.s32 s11, $0x1  }
.Ltmp3:
0x17: {  	_ = 	snop;
	(pc) =	sbr.rel @!p0 .LBB2_10-.Ltmp3, $1  }
0x18: {  	_ =	sdelay $0x3  }
0x19: {  	_ =	swait.ge [sflag:s5], $0x30  }
0x1a: {  	[sflag:s5] =	ssyncset.done $0x0  }
0x1b: {  	s13 =	simm.s32 $0x0;
	[sflag:s5] =	ssyncadd.s32 $0xFFFFFFD0  }
.LBB2_4:
0x1c: {  	s14 =	sshll.u32 s13, $0x4  }
0x1d: {  	s14 =	sand.u32 $0x3FFFFFF0, s14  }
0x1e: {  	v0 =	vld.msk [tilespmem:s14+$0x30 ss:$0x1], $0xffff;
	_ =	sdelay $0x4  }
0x1f: {  	vm2 =	veq.s32 v0, $0x80000000;
	v1 =	vshrl.u32 v0, $0xA  }
0x20: {  	v2 =	vand.u32 $0x3, v0;
	v0 =	vshrl.u32 v0, $0x2;
	v1 =	vand.u32 $0xF, v1  }
0x21: {  	v0 =	vand.u32 $0xFF, v0;
	v2 =	vmul.u32 $0x90000, v2;
	v1 =	vmul.u32 $0xC000, v1  }
0x22: {  	v0 =	vsel vm2, $0xFFFFFFFF, v0  }
0x23: {  	v1 =	vadd.s32 v2, v1;
	v2 =	vshll.u32 v0, $0x8  }
0x24: {  	v0 =	vshll.u32 v0, $0x7;
	v1 =	vsel vm2, $0xFFF64000, v1;
	v2 =	vand.u32 $0xFFFFF800, v2  }
0x25: {  	s31 =	sshll.u32 s13, $0xC;
	v0 =	vand.u32 $0x380, v0;
	v1 =	vadd.s32 v2, v1  }
0x26: {  	s14 =	sand.u32 $0x3FFFF000, s31;
	v0 =	vor.u32 v0, v1  }
0x27: {  	p0 =	por $0x1, $0x1;
	s15 =	simm.s32 $0x0;
	s14 =	sadd.s32 $0x3060, s14;
	v0 =	vshrl.u32 v0, $0x3  }
.LBB2_5:
0x28: {  	_ =	sdelay $0x1  }
0x29: {  	s15 =	sshra.s32 s15, $0x2;
	p1 =	por p0, p0  }
.Ltmp4:
0x2a: {  	s15 =	sadd.s32 s15, s14;
	(pc) =	sbr.rel @p1 .LBB2_5-.Ltmp4, $4  }
0x2b: {  	[tilespmem:s15], [sflag:$0x1] =	stream.indirect_vreg.gather [hbm:s6], $0x80, v0, vm0, $0x38;
	[tilespmem:$0x6060] =	vst v63  }
0x2c: {  	s15 =	sadd.s32 $0x800, s15  }
0x2d: {  	[tilespmem:s15], [sflag:$0x1] =	stream.indirect_vreg.gather [hbm:s6], $0x80, v0, vm1, $0x38;
	[tilespmem:$0x6060] =	vst v63  }
0x2e: {  	p0 =	por $0x0, $0x0;
	v0 =	vadd.s32 $0x80, v0;
	s15 =	simm.s32 $0x1000  }
0x2f: {  	s13 =	sadd.s32 $0x1, s13  }
0x30: {  	p0 =	sne.s32 s13, $0x3  }
.Ltmp5:
0x31: {  	_ = 	snop;
	(pc) =	sbr.rel @p0 .LBB2_4-.Ltmp5, $1  }
0x32: {  	_ =	sdelay $0x3  }
0x33: {  	s13 =	sshll.u32 s12, $0x5  }
0x34: {  	_ =	swait.ge [sflag:s3], $0x3000;
	s31 =	sshll.u32 s12, $0x4;
	s13 =	sand.u32 $0xFFFFFF00, s13  }
0x35: {  	s14 =	simm.s32 $0x100;
	s12 =	sand.u32 $0x70, s31;
	s13 =	sadd.s32 s13, s7  }
0x36: {  	s15 =	simm.s32 $0x3860;
	[sflag:s3] =	ssyncset.done $0x0;
	s12 =	sadd.s32 s12, s13  }
0x37: {  	[sflag:s3] =	ssyncadd.s32 $0xFFFFD000;
	s13 =	simm.s32 $0x3060;
	s16 =	sadd.s32 $0x0, s12  }
.LBB2_8:
0x38: {  	[hbm:s16] =	stream.linear.scatter [tilespmem:s13], [sflag:$0x3], $0x800, $0x38;
	[tilespmem:$0x6060] =	vst v63  }
0x39: {  	s16 =	smov.u32 s14;
	s13 =	smov.u32 s15;
	p0 =	seq.s32 s14, $0x500  }
.Ltmp6:
0x3a: {  	s14 =	sadd.s32 $0x100, s14;
	(pc) =	sbr.rel @!p0 .LBB2_8-.Ltmp6, $2  }
0x3b: {  	_ =	sdelay $0x2  }
0x3c: {  	s15 =	sadd.s32 $0x800, s15;
	s16 =	sadd.s32 s16, s12  }
.Ltmp7:
0x3d: {  	(pc) =	sbr.rel .LBB2_12-.Ltmp7, $2  }
0x3e: {  	_ =	sdelay $0x2  }
0x3f: {  	[hbm:s16] =	stream.linear.scatter [tilespmem:s13], [sflag:$0x3], $0x800, $0x38;
	[tilespmem:$0x6060] =	vst v63  }
.LBB2_10:
0x40: {  	s2 =	simm.s32 $0x3  }
0x41: {  	_ =	swait.ge [sflag:s2], $0x3000  }
0x42: {  	[sflag:s2] =	ssyncset.done $0x0  }
0x43: {  	[sflag:s2] =	ssyncadd.s32 $0xFFFFD000  }
.LBB2_13:
0x44: {  	_ =	sfence.sel $0x180000  }
0x45: {  	s2 =	simm.s32 $0x2;
	[bflag:$0x0] =	sbarrier.arrive $0xFFFF  }
0x46: {  	s30 =	simm.s32 $0x3;
	[sflag:s2] =	ssyncpa.u1 $0x1  }
0x47: {  	s31 =	simm.s32 $0x1;
	[sflag:s30] =	ssyncpa.u1 $0x1  }
0x48: {  	[sflag:s31] =	ssyncpa.u1 $0x1  }
0x49: {  	p0 =	sne.s32 s1, $0x0;
	_ =	strace $0x90000059  }
0x4a: {  	s0 =	sadd.s32 @!p0 $0x100000, s0;
	[bflag:$0x2] =	sbarrier.arrive $0xFFFF  }
0x4b: {  	[sflag:s0] =	ssyncadd.tile.s32 @!p0 $0x1;
	_ =	shalt  }
.Lfunc_end2:
_tile_overlayer_lowered:
.L_overlay_start_2:
0x4c: {  	(tag) =	ssettag $0x2  }
0x4d: {  	s0 =	rddreg [dreg:$0x0];
	s2 =	stileid.u32  }
0x4e: {  	s1 =	rddreg [dreg:$0x1];
	p0 =	sne.s32 s2, $0x0  }
0x4f: {  	s3 =	rddreg [dreg:$0x2];
	[bflag:$0x3] =	sbarrier.arrive $0xFFFF;
	s2 =	simm.s32 @!p0 $0x1C01  }
0x50: {  	[timem:s3], [sflag:s2] =	dma.local @!p0 [hbm:s0], s1  }
0x51: {  	s0 =	simm.s32 @!p0 $0x1  }
0x52: {  	_ =	swait.ge @!p0 [sflag:s0], s1  }
0x53: {  	s1 =	ssub.s32 @!p0 $0x0, s1;
	[sflag:s0] =	ssyncset.done @!p0 $0x0  }
0x54: {  	[sflag:s0] =	ssyncadd.s32 @!p0 s1  }
0x55: {  	[bflag:$0x3] =	sbarrier.arrive $0xFFFF  }
0x56: {  	_ =	shalt  }

// kernel: gather_offload_async_start.7
scs
__scs_entry_jumppad:
0x0: {  	(pc) =	sbr.rel $0x88, $3  }
0x1: {  	(tag) =	ssettag $0x0;
	lr =	simm.s32 $0x1  }
0x2: {  	[smem:$0x3F8D] =	sst lr;
	_ =	strace $0xD0000000  }
0x3: {  	_ = 	snop  }
0x4: {  	_ = 	snop  }
0x5: {  	_ = 	snop  }
0x6: {  	_ = 	snop  }
0x7: {  	_ = 	snop  }
__scs_overlays_trampoline_lowered:
0x8: {  	[smem:$0x3F9C] =	sst s0  }
0x9: {  	[smem:$0x3F9D] =	sst s1  }
0xa: {  	[smem:$0x3F9E] =	sst s2  }
0xb: {  	[smem:$0x3F9F] =	sst s3  }
0xc: {  	[smem:$0x3FA0] =	sst s4  }
0xd: {  	[smem:$0x3FA1] =	sst s5  }
0xe: {  	[smem:$0x3FA2] =	sst s6  }
0xf: {  	[smem:$0x3FA3] =	sst s7  }
0x10: {  	[smem:$0x3FA4] =	sst s8  }
0x11: {  	[smem:$0x3FA5] =	sst s9;
	s0 =	simm.s32 @!p0 $0x0  }
0x12: {  	s1 =	sld [smem:$0x3F8B];
	s0 =	simm.s32 @p0 $0x1  }
0x13: {  	[smem:$0x3FA6] =	sst s0;
	s0 =	simm.s32 @!p1 $0x0  }
0x14: {  	s2 =	sld [smem:$0x3F8A];
	s0 =	simm.s32 @p1 $0x1  }
0x15: {  	[smem:$0x3FA7] =	sst s0;
	s0 =	simm.s32 @!p2 $0x0  }
0x16: {  	s3 =	sld [smem:$0x3FDB];
	s0 =	simm.s32 @p2 $0x1  }
0x17: {  	s4 =	simm.s32 $0x1BF5;
	[smem:$0x3FA9] =	sst s0  }
0x18: {  	s0 =	sld [smem:$0x3F8C];
	_ =	swait.ge [sflag:s4], $0x0  }
0x19: {  	s7 =	sld [smem:$0x3F8D]  }
0x1a: {  	s8 =	sadd.s32 $0xFFFFE003, lr  }
0x1b: {  	s9 =	sadd.s32 $0xFFFFFEF7, lr;
	s5 =	simm.s32 $0xFFFFFFFF;
	p2 =	slt.u32 s8, $0xFFFFF086  }
0x1c: {  	p1 =	slt.u32 s9, $0xF7A;
	s5 =	simm.s32 @!p2 $0x0  }
0x1d: {  	s5 =	simm.s32 @p1 $0x1;
	p0 =	seq.s32 s7, s2  }
0x1e: {  	s7 =	smul.u32 @!p0 $0xF7A, s2;
	p2 =	seq.s32 @!p0 s5, $0x0  }
0x1f: {  	s9 =	smul.u32 $0xF7A, s1;
	s8 =	simm.s32 @!p0 $0x1BF5;
	p2 =	por !p2, p0  }
0x20: {  	[sflag:s8] =	ssyncset.s32 @!p0 $0xFFFFF086;
	s6 =	sadd.s32 @!p0 s3, s7;
	s7 =	simm.s32 @!p0 $0x108  }
0x21: {  	s3 =	sadd.s32 s3, s9;
	s6 =	sadd.s32 @!p0 $0x88, s6;
	s7 =	simm.s32 @p2 $0x1082  }
0x22: {  	[simem:s7], [sflag:s8] =	dma.local @!p0 [hbm:s6], $0xF7A  }
0x23: {  	s9 =	sor.u32 $0xD0000000, s2;
	s6 =	simm.s32 $0x108;
	_ =	swait.ge @!p0 [sflag:s8], $0x0  }
0x24: {  	s3 =	sadd.s32 $0x88, s3;
	s6 =	simm.s32 @!p1 $0x1082;
	[sflag:s4] =	ssyncset.s32 $0xFFFFF086  }
0x25: {  	[simem:s6], [sflag:s4] =	dma.local [hbm:s3], $0xF7A  }
0x26: {  	[smem:$0x3F8D] =	sst s1;
	(tag) =	ssettag s2;
	_ =	strace s9  }
0x27: {  	s1 =	sld [smem:$0x3F9D]  }
0x28: {  	s2 =	sld [smem:$0x3F9E]  }
0x29: {  	s4 =	sld [smem:$0x3FA0]  }
0x2a: {  	p0 =	seq.s32 s5, $0x0;
	s5 =	sld [smem:$0x3FA1]  }
0x2b: {  	s6 =	sld [smem:$0x3FA2]  }
0x2c: {  	s7 =	sld [smem:$0x3FA3]  }
0x2d: {  	s3 =	simm.s32 $0x108;
	s8 =	sld [smem:$0x3FA4]  }
0x2e: {  	s3 =	simm.s32 @!p0 $0x1082;
	s9 =	sld [smem:$0x3FA5]  }
0x2f: {  	lr =	sadd.s32 s0, s3;
	s0 =	sld [smem:$0x3F9C]  }
0x30: {  	s3 =	sld [smem:$0x3F9F]  }
0x31: {  	[smem:$0x3FA8] =	sst s10  }
0x32: {  	s10 =	sld [smem:$0x3FA6];
	_ =	sdelay $0x3  }
0x33: {  	p0 =	seq.s32 s10, $0x1;
	s10 =	sld [smem:$0x3FA8];
	_ =	sdelay $0x3  }
0x34: {  	[smem:$0x3FA8] =	sst s10  }
0x35: {  	s10 =	sld [smem:$0x3FA7];
	_ =	sdelay $0x3  }
0x36: {  	p1 =	seq.s32 s10, $0x1;
	s10 =	sld [smem:$0x3FA8];
	_ =	sdelay $0x3  }
0x37: {  	[smem:$0x3FA8] =	sst s10  }
0x38: {  	s10 =	sld [smem:$0x3FA9]  }
0x39: {  	_ = 	snop;
	(pc) =	sbr.ind lr, $3  }
0x3a: {  	_ = 	snop  }
0x3b: {  	_ = 	snop  }
0x3c: {  	p2 =	seq.s32 s10, $0x1;
	s10 =	sld [smem:$0x3FA8]  }
0x3d: {  	_ =	shalt  }
0x3e: {  	_ =	shalt  }
0x3f: {  	_ =	shalt  }
0x40: {  	_ =	shalt  }
0x41: {  	_ =	shalt  }
0x42: {  	_ =	shalt  }
0x43: {  	_ =	shalt  }
0x44: {  	_ =	shalt  }
0x45: {  	_ =	shalt  }
0x46: {  	_ =	shalt  }
0x47: {  	_ =	shalt  }
0x48: {  	_ =	shalt  }
0x49: {  	_ =	shalt  }
0x4a: {  	_ =	shalt  }
0x4b: {  	_ =	shalt  }
0x4c: {  	_ =	shalt  }
0x4d: {  	_ =	shalt  }
0x4e: {  	_ =	shalt  }
0x4f: {  	_ =	shalt  }
0x50: {  	_ =	shalt  }
0x51: {  	_ =	shalt  }
0x52: {  	_ =	shalt  }
0x53: {  	_ =	shalt  }
0x54: {  	_ =	shalt  }
0x55: {  	_ =	shalt  }
0x56: {  	_ =	shalt  }
0x57: {  	_ =	shalt  }
0x58: {  	_ =	shalt  }
0x59: {  	_ =	shalt  }
0x5a: {  	_ =	shalt  }
0x5b: {  	_ =	shalt  }
0x5c: {  	_ =	shalt  }
0x5d: {  	_ =	shalt  }
0x5e: {  	_ =	shalt  }
0x5f: {  	_ =	shalt  }
0x60: {  	_ =	shalt  }
0x61: {  	_ =	shalt  }
0x62: {  	_ =	shalt  }
0x63: {  	_ =	shalt  }
0x64: {  	_ =	shalt  }
0x65: {  	_ =	shalt  }
0x66: {  	_ =	shalt  }
0x67: {  	_ =	shalt  }
0x68: {  	_ =	shalt  }
0x69: {  	_ =	shalt  }
0x6a: {  	_ =	shalt  }
0x6b: {  	_ =	shalt  }
0x6c: {  	_ =	shalt  }
0x6d: {  	_ =	shalt  }
0x6e: {  	_ =	shalt  }
0x6f: {  	_ =	shalt  }
0x70: {  	_ =	shalt  }
0x71: {  	_ =	shalt  }
0x72: {  	_ =	shalt  }
0x73: {  	_ =	shalt  }
0x74: {  	_ =	shalt  }
0x75: {  	_ =	shalt  }
0x76: {  	_ =	shalt  }
0x77: {  	_ =	shalt  }
0x78: {  	_ =	shalt  }
0x79: {  	_ =	shalt  }
0x7a: {  	_ =	shalt  }
0x7b: {  	_ =	shalt  }
0x7c: {  	_ =	shalt  }
0x7d: {  	_ =	shalt  }
0x7e: {  	_ =	shalt  }
0x7f: {  	_ =	shalt  }
0x80: {  	_ =	shalt  }
0x81: {  	_ =	shalt  }
0x82: {  	_ =	shalt  }
0x83: {  	_ =	shalt  }
0x84: {  	_ =	shalt  }
0x85: {  	_ =	shalt  }
0x86: {  	_ =	shalt  }
0x87: {  	_ =	shalt  }
.Lfunc_end0:
.L_simem_size_0:
called_computation.7_lowered:
.L_overlay_start_0:
0x88: {  	s2 =	sld [smem:$0x3FD9]  }
0x89: {  	s3 =	sld [smem:$0x3FFE];
	_ =	sdelay $0x1  }
0x8a: {  	s1 =	srdreg.scid  }
0x8b: {  	s0 =	sand.u32 $0x1, s1  }
0x8c: {  	s17 =	sshll.u32 s0, $0xA;
	s2 =	sadd.s32 s3, s2  }
0x8d: {  	s2 =	sadd.s32 s2, s17  }
0x8e: {  	[smem:$0x3FB4] =	sst s2  }
0x8f: {  	_ = 	snop  }
0x90: {  	s2 =	sld [smem:$0x3FD0];
	(tm) =	ssettm $0x1  }
0x91: {  	s18 =	sld [smem:$0x3FFB];
	_ =	sdelay $0x3  }
0x92: {  	_ =	strace s18  }
0x93: {  	s3 =	sld [smem:$0x3FFC];
	_ =	sdelay $0x3  }
0x94: {  	_ =	strace s3  }
0x95: {  	s3 =	sld [smem:$0x3FFD];
	_ =	sdelay $0x3  }
0x96: {  	_ =	strace s3  }
0x97: {  	_ =	strace $0x8FFFFFFF  }
0x98: {  	s19 =	sld [smem:$0x3FDB];
	_ =	sdelay $0x1  }
0x99: {  	s4 =	simm.s32 $_scs_section_size  }
0x9a: {  	s5 =	simm.s32 $_size__tile_overlayer_lowered;
	s6 =	simm.s32 $_tile_overlayer_lowered  }
0x9b: {  	s22 =	simm.s32 $0x1BFF;
	s21 =	sshll.u32 s6, $0x1;
	s3 =	sadd.s32 s4, s19  }
0x9c: {  	s7 =	simm.s32 $0x0;
	s20 =	sshll.u32 s5, $0x1;
	s5 =	sadd.s32 s21, s3  }
0x9d: {  	[timem:s7], [sflag:s22] =	dma.local [hbm:s5], s20  }
0x9e: {  	_ =	swait.ge [sflag:s22], s20  }
0x9f: {  	s4 =	ssub.s32 $0x0, s20;
	[sflag:s22] =	ssyncset.done $0x0  }
0xa0: {  	[sflag:s22] =	ssyncadd.s32 s4;
	_ =	sdelay $0x1  }
0xa1: {  	s23 =	simm.s32 $0x1B8B  }
0xa2: {  	_ =	swait.ge [sflag:s23], $0x1  }
0xa3: {  	[sflag:s23] =	ssyncset.done $0x0  }
0xa4: {  	s25 =	simm.s32 $0x1B8E;
	s24 =	sld [smem:$0x3FFE];
	[sflag:s23] =	ssyncadd.s32 $0xFFFFFFFF  }
0xa5: {  	s26 =	simm.s32 $execute0_lowered;
	[smem:$0x3FD2] =	sst s25  }
0xa6: {  	s5 =	sshll.u32 s26, $0x1;
	_ =	strace $0x8000005B;
	[dreg:$0x1] =	wrdreg $0xFFFFFFFF  }
0xa7: {  	s28 =	simm.s32 $_size_execute0_lowered;
	s3 =	sadd.s32 s3, s5;
	[dreg:$0x0] =	wrdreg $0x0  }
0xa8: {  	s5 =	sshll.u32 s28, $0x1;
	[dreg:$0x2] =	wrdreg s3  }
0xa9: {  	[dreg:$0x3] =	wrdreg s5  }
0xaa: {  	[dreg:$0x4] =	wrdreg $0xC0  }
0xab: {  	_ =	task [dreg:s7], $0x5FFFF  }
0xac: {  	[dreg:$0x1] =	wrdreg $0xFFFFFFFF  }
0xad: {  	[dreg:$0x0] =	wrdreg $0x60  }
0xae: {  	[dreg:$0x2] =	wrdreg s24  }
0xaf: {  	[dreg:$0x3] =	wrdreg s2  }
0xb0: {  	[dreg:$0x4] =	wrdreg $0x9  }
0xb1: {  	_ =	task.clear_ibuf [dreg:s7], $0x5FFFF;
	_ =	strace $0x9000005B  }
0xb2: {  	s29 =	simm.s32 $0x9;
	_ =	strace $0x8000005D  }
0xb3: {  	_ =	swait.ge [sflag:s29], $0x1  }
0xb4: {  	[sflag:s29] =	ssyncadd.s32 $0xFFFFFFFF  }
0xb5: {  	_ =	strace $0x9000005D  }
0xb6: {  	_ =	sfence  }
0xb7: {  	s30 =	sld [smem:$0x0];
	_ =	sdelay $0x2  }
0xb8: {  	s31 =	sshll.u32 s1, $0xD;
	s1 =	sshrl.u32 s1, $0x2  }
0xb9: {  	s3 =	sand.u32 $0x4000, s31;
	s1 =	sadd.s32 s1, s30  }
0xba: {  	s0 =	sor.u32 s3, s0;
	s1 =	sshll.u32 s1, $0x11  }
0xbb: {  	s0 =	sor.u32 s1, s0  }
0xbc: {  	s0 =	sadd.s32 $0x8F2B, s0  }
0xbd: {  	[sflag:s0] =	ssyncadd.remote.s32 $0x1  }
0xbe: {  	_ =	sfence.sel $0xFFFF  }
0xbf: {  	[dreg:$0x0] =	wrdreg $0xFFFFFFFF;
	(pc) =	sbr.abs _section_cstart, $3  }
0xc0: {  	[dreg:$0x1] =	wrdreg $0xFFFFFFFF  }
0xc1: {  	_ =	task.clear_ibuf [dreg:s7], $0x2FFFF;
	_ =	strace $0x9FFFFFFF  }
0xc2: {  	(tm) =	ssettm $0x7FFFFFFF  }
0xc3: {  	_ =	shalt  }
tec
execute0_lowered:
.L_overlay_start_1:
0x0: {  	(tag) =	ssettag $0x1  }
0x1: {  	s7 =	rddreg [dreg:$0x0]  }
0x2: {  	s0 =	srdreg.scid;
	s2 =	rddreg [dreg:$0x1]  }
0x3: {  	s1 =	stileid.u32;
	s5 =	simm.s32 $0x2;
	s9 =	simm.s32 $0x3  }
0x4: {  	s3 =	sshll.u32 s0, $0x4;
	s0 =	rddreg [dreg:$0x2];
	_ =	strace $0x8000005C  }
.Ltmp0:
0x5: {  	s4 =	sand.u32 $0x10, s3;
	s3 =	simm.s32 $0x1;
	(pc) =	sbr.rel .LBB2_1-.Ltmp0, $4  }
0x6: {  	s12 =	simm.s32 $0x0;
	s4 =	sor.u32 s1, s4;
	[sflag:s3] =	ssyncpa.u1 $0x0  }
0x7: {  	s11 =	simm.s32 $0x0;
	s4 =	smul.u32 $0x30, s4;
	[sflag:s5] =	ssyncpa.u1 $0x0  }
0x8: {  	s6 =	sadd.s32 $0x3A2A00, s7;
	s7 =	sadd.s32 $0x3EAA00, s7;
	[sflag:s9] =	ssyncpa.u1 $0x0  }
0x9: {  	vm0 =	vmmov $0xff;
	vm1 =	vcmask $0x3F20;
	s9 =	simm.s32 $0x30;
	s8 =	sadd.s32 $0x30, s4;
	s10 =	smov.u32 s4  }
.LBB2_11:
0xa: {  	s12 =	sshrl.u32 s10, $0x3  }
0xb: {  	s13 =	sand.u32 $0x7, s10;
	s12 =	sadd.s32 s2, s12  }
0xc: {  	[tilespmem:s9], [sflag:$0x2] =	stream.linear.gather [hbm4b:s12+s13], $0x30, $0x38;
	[tilespmem:$0x6060] =	vst v63  }
.LBB2_12:
0xd: {  	s12 =	sadd.s32 $0x30, s10  }
0xe: {  	s13 =	smov.u32 s4;
	s11 =	sadd.s32 $0x1, s11;
	p0 =	slt.s32 s12, s8  }
0xf: {  	s13 =	smov.u32 @p0 s12;
	p0 =	sne.s32 s11, $0x3  }
.Ltmp1:
0x10: {  	_ = 	snop;
	(pc) =	sbr.rel @!p0 .LBB2_13-.Ltmp1, $2  }
0x11: {  	_ =	sdelay $0x2  }
0x12: {  	s12 =	smov.u32 s10;
	s10 =	smov.u32 s13  }
.LBB2_1:
0x13: {  	p0 =	seq.s32 s11, $0x0  }
.Ltmp2:
0x14: {  	_ = 	snop;
	(pc) =	sbr.rel @p0 .LBB2_11-.Ltmp2, $1  }
0x15: {  	_ =	sdelay $0x3  }
0x16: {  	p0 =	seq.s32 s11, $0x1  }
.Ltmp3:
0x17: {  	_ = 	snop;
	(pc) =	sbr.rel @!p0 .LBB2_10-.Ltmp3, $1  }
0x18: {  	_ =	sdelay $0x3  }
0x19: {  	_ =	swait.ge [sflag:s5], $0x30  }
0x1a: {  	[sflag:s5] =	ssyncset.done $0x0  }
0x1b: {  	s13 =	simm.s32 $0x0;
	[sflag:s5] =	ssyncadd.s32 $0xFFFFFFD0  }
.LBB2_4:
0x1c: {  	s14 =	sshll.u32 s13, $0x4  }
0x1d: {  	s14 =	sand.u32 $0x3FFFFFF0, s14  }
0x1e: {  	v0 =	vld.msk [tilespmem:s14+$0x30 ss:$0x1], $0xffff;
	_ =	sdelay $0x4  }
0x1f: {  	vm2 =	veq.s32 v0, $0x80000000;
	v1 =	vshrl.u32 v0, $0xA  }
0x20: {  	v2 =	vand.u32 $0x3, v0;
	v0 =	vshrl.u32 v0, $0x2;
	v1 =	vand.u32 $0xF, v1  }
0x21: {  	v0 =	vand.u32 $0xFF, v0;
	v2 =	vmul.u32 $0x90000, v2;
	v1 =	vmul.u32 $0xC000, v1  }
0x22: {  	v0 =	vsel vm2, $0xFFFFFFFF, v0  }
0x23: {  	v1 =	vadd.s32 v2, v1;
	v2 =	vshll.u32 v0, $0x8  }
0x24: {  	v0 =	vshll.u32 v0, $0x7;
	v1 =	vsel vm2, $0xFFF64000, v1;
	v2 =	vand.u32 $0xFFFFF800, v2  }
0x25: {  	s31 =	sshll.u32 s13, $0xC;
	v0 =	vand.u32 $0x380, v0;
	v1 =	vadd.s32 v2, v1  }
0x26: {  	s14 =	sand.u32 $0x3FFFF000, s31;
	v0 =	vor.u32 v0, v1  }
0x27: {  	p0 =	por $0x1, $0x1;
	s15 =	simm.s32 $0x0;
	s14 =	sadd.s32 $0x3060, s14;
	v0 =	vshrl.u32 v0, $0x3  }
.LBB2_5:
0x28: {  	_ =	sdelay $0x1  }
0x29: {  	s15 =	sshra.s32 s15, $0x2;
	p1 =	por p0, p0  }
.Ltmp4:
0x2a: {  	s15 =	sadd.s32 s15, s14;
	(pc) =	sbr.rel @p1 .LBB2_5-.Ltmp4, $4  }
0x2b: {  	[tilespmem:s15], [sflag:$0x1] =	stream.indirect_vreg.gather [hbm:s6], $0x80, v0, vm0, $0x38;
	[tilespmem:$0x6060] =	vst v63  }
0x2c: {  	s15 =	sadd.s32 $0x800, s15  }
0x2d: {  	[tilespmem:s15], [sflag:$0x1] =	stream.indirect_vreg.gather [hbm:s6], $0x80, v0, vm1, $0x38;
	[tilespmem:$0x6060] =	vst v63  }
0x2e: {  	p0 =	por $0x0, $0x0;
	v0 =	vadd.s32 $0x80, v0;
	s15 =	simm.s32 $0x1000  }
0x2f: {  	s13 =	sadd.s32 $0x1, s13  }
0x30: {  	p0 =	sne.s32 s13, $0x3  }
.Ltmp5:
0x31: {  	_ = 	snop;
	(pc) =	sbr.rel @p0 .LBB2_4-.Ltmp5, $1  }
0x32: {  	_ =	sdelay $0x3  }
0x33: {  	s13 =	sshll.u32 s12, $0x5  }
0x34: {  	_ =	swait.ge [sflag:s3], $0x3000;
	s31 =	sshll.u32 s12, $0x4;
	s13 =	sand.u32 $0xFFFFFF00, s13  }
0x35: {  	s14 =	simm.s32 $0x100;
	s12 =	sand.u32 $0x70, s31;
	s13 =	sadd.s32 s13, s7  }
0x36: {  	s15 =	simm.s32 $0x3860;
	[sflag:s3] =	ssyncset.done $0x0;
	s12 =	sadd.s32 s12, s13  }
0x37: {  	[sflag:s3] =	ssyncadd.s32 $0xFFFFD000;
	s13 =	simm.s32 $0x3060;
	s16 =	sadd.s32 $0x0, s12  }
.LBB2_8:
0x38: {  	[hbm:s16] =	stream.linear.scatter [tilespmem:s13], [sflag:$0x3], $0x800, $0x38;
	[tilespmem:$0x6060] =	vst v63  }
0x39: {  	s16 =	smov.u32 s14;
	s13 =	smov.u32 s15;
	p0 =	seq.s32 s14, $0x500  }
.Ltmp6:
0x3a: {  	s14 =	sadd.s32 $0x100, s14;
	(pc) =	sbr.rel @!p0 .LBB2_8-.Ltmp6, $2  }
0x3b: {  	_ =	sdelay $0x2  }
0x3c: {  	s15 =	sadd.s32 $0x800, s15;
	s16 =	sadd.s32 s16, s12  }
.Ltmp7:
0x3d: {  	(pc) =	sbr.rel .LBB2_12-.Ltmp7, $2  }
0x3e: {  	_ =	sdelay $0x2  }
0x3f: {  	[hbm:s16] =	stream.linear.scatter [tilespmem:s13], [sflag:$0x3], $0x800, $0x38;
	[tilespmem:$0x6060] =	vst v63  }
.LBB2_10:
0x40: {  	s2 =	simm.s32 $0x3  }
0x41: {  	_ =	swait.ge [sflag:s2], $0x3000  }
0x42: {  	[sflag:s2] =	ssyncset.done $0x0  }
0x43: {  	[sflag:s2] =	ssyncadd.s32 $0xFFFFD000  }
.LBB2_13:
0x44: {  	_ =	sfence.sel $0x180000  }
0x45: {  	s2 =	simm.s32 $0x2;
	[bflag:$0x0] =	sbarrier.arrive $0xFFFF  }
0x46: {  	s30 =	simm.s32 $0x3;
	[sflag:s2] =	ssyncpa.u1 $0x1  }
0x47: {  	s31 =	simm.s32 $0x1;
	[sflag:s30] =	ssyncpa.u1 $0x1  }
0x48: {  	[sflag:s31] =	ssyncpa.u1 $0x1  }
0x49: {  	p0 =	sne.s32 s1, $0x0;
	_ =	strace $0x9000005C  }
0x4a: {  	s0 =	sadd.s32 @!p0 $0x100000, s0;
	[bflag:$0x2] =	sbarrier.arrive $0xFFFF  }
0x4b: {  	[sflag:s0] =	ssyncadd.tile.s32 @!p0 $0x1;
	_ =	shalt  }
.Lfunc_end2:
_tile_overlayer_lowered:
.L_overlay_start_2:
0x4c: {  	(tag) =	ssettag $0x2  }
0x4d: {  	s0 =	rddreg [dreg:$0x0];
	s2 =	stileid.u32  }
0x4e: {  	s1 =	rddreg [dreg:$0x1];
	p0 =	sne.s32 s2, $0x0  }
0x4f: {  	s3 =	rddreg [dreg:$0x2];
	[bflag:$0x3] =	sbarrier.arrive $0xFFFF;
	s2 =	simm.s32 @!p0 $0x1C01  }
0x50: {  	[timem:s3], [sflag:s2] =	dma.local @!p0 [hbm:s0], s1  }
0x51: {  	s0 =	simm.s32 @!p0 $0x1  }
0x52: {  	_ =	swait.ge @!p0 [sflag:s0], s1  }
0x53: {  	s1 =	ssub.s32 @!p0 $0x0, s1;
	[sflag:s0] =	ssyncset.done @!p0 $0x0  }
0x54: {  	[sflag:s0] =	ssyncadd.s32 @!p0 s1  }
0x55: {  	[bflag:$0x3] =	sbarrier.arrive $0xFFFF  }
0x56: {  	_ =	shalt  }

// kernel: gather_offload_async_start.8
scs
__scs_entry_jumppad:
0x0: {  	(pc) =	sbr.rel $0x88, $3  }
0x1: {  	(tag) =	ssettag $0x0;
	lr =	simm.s32 $0x1  }
0x2: {  	[smem:$0x3F8D] =	sst lr;
	_ =	strace $0xD0000000  }
0x3: {  	_ = 	snop  }
0x4: {  	_ = 	snop  }
0x5: {  	_ = 	snop  }
0x6: {  	_ = 	snop  }
0x7: {  	_ = 	snop  }
__scs_overlays_trampoline_lowered:
0x8: {  	[smem:$0x3F9C] =	sst s0  }
0x9: {  	[smem:$0x3F9D] =	sst s1  }
0xa: {  	[smem:$0x3F9E] =	sst s2  }
0xb: {  	[smem:$0x3F9F] =	sst s3  }
0xc: {  	[smem:$0x3FA0] =	sst s4  }
0xd: {  	[smem:$0x3FA1] =	sst s5  }
0xe: {  	[smem:$0x3FA2] =	sst s6  }
0xf: {  	[smem:$0x3FA3] =	sst s7  }
0x10: {  	[smem:$0x3FA4] =	sst s8  }
0x11: {  	[smem:$0x3FA5] =	sst s9;
	s0 =	simm.s32 @!p0 $0x0  }
0x12: {  	s1 =	sld [smem:$0x3F8B];
	s0 =	simm.s32 @p0 $0x1  }
0x13: {  	[smem:$0x3FA6] =	sst s0;
	s0 =	simm.s32 @!p1 $0x0  }
0x14: {  	s2 =	sld [smem:$0x3F8A];
	s0 =	simm.s32 @p1 $0x1  }
0x15: {  	[smem:$0x3FA7] =	sst s0;
	s0 =	simm.s32 @!p2 $0x0  }
0x16: {  	s3 =	sld [smem:$0x3FDB];
	s0 =	simm.s32 @p2 $0x1  }
0x17: {  	s4 =	simm.s32 $0x1BF5;
	[smem:$0x3FA9] =	sst s0  }
0x18: {  	s0 =	sld [smem:$0x3F8C];
	_ =	swait.ge [sflag:s4], $0x0  }
0x19: {  	s7 =	sld [smem:$0x3F8D]  }
0x1a: {  	s8 =	sadd.s32 $0xFFFFE003, lr  }
0x1b: {  	s9 =	sadd.s32 $0xFFFFFEF7, lr;
	s5 =	simm.s32 $0xFFFFFFFF;
	p2 =	slt.u32 s8, $0xFFFFF086  }
0x1c: {  	p1 =	slt.u32 s9, $0xF7A;
	s5 =	simm.s32 @!p2 $0x0  }
0x1d: {  	s5 =	simm.s32 @p1 $0x1;
	p0 =	seq.s32 s7, s2  }
0x1e: {  	s7 =	smul.u32 @!p0 $0xF7A, s2;
	p2 =	seq.s32 @!p0 s5, $0x0  }
0x1f: {  	s9 =	smul.u32 $0xF7A, s1;
	s8 =	simm.s32 @!p0 $0x1BF5;
	p2 =	por !p2, p0  }
0x20: {  	[sflag:s8] =	ssyncset.s32 @!p0 $0xFFFFF086;
	s6 =	sadd.s32 @!p0 s3, s7;
	s7 =	simm.s32 @!p0 $0x108  }
0x21: {  	s3 =	sadd.s32 s3, s9;
	s6 =	sadd.s32 @!p0 $0x88, s6;
	s7 =	simm.s32 @p2 $0x1082  }
0x22: {  	[simem:s7], [sflag:s8] =	dma.local @!p0 [hbm:s6], $0xF7A  }
0x23: {  	s9 =	sor.u32 $0xD0000000, s2;
	s6 =	simm.s32 $0x108;
	_ =	swait.ge @!p0 [sflag:s8], $0x0  }
0x24: {  	s3 =	sadd.s32 $0x88, s3;
	s6 =	simm.s32 @!p1 $0x1082;
	[sflag:s4] =	ssyncset.s32 $0xFFFFF086  }
0x25: {  	[simem:s6], [sflag:s4] =	dma.local [hbm:s3], $0xF7A  }
0x26: {  	[smem:$0x3F8D] =	sst s1;
	(tag) =	ssettag s2;
	_ =	strace s9  }
0x27: {  	s1 =	sld [smem:$0x3F9D]  }
0x28: {  	s2 =	sld [smem:$0x3F9E]  }
0x29: {  	s4 =	sld [smem:$0x3FA0]  }
0x2a: {  	p0 =	seq.s32 s5, $0x0;
	s5 =	sld [smem:$0x3FA1]  }
0x2b: {  	s6 =	sld [smem:$0x3FA2]  }
0x2c: {  	s7 =	sld [smem:$0x3FA3]  }
0x2d: {  	s3 =	simm.s32 $0x108;
	s8 =	sld [smem:$0x3FA4]  }
0x2e: {  	s3 =	simm.s32 @!p0 $0x1082;
	s9 =	sld [smem:$0x3FA5]  }
0x2f: {  	lr =	sadd.s32 s0, s3;
	s0 =	sld [smem:$0x3F9C]  }
0x30: {  	s3 =	sld [smem:$0x3F9F]  }
0x31: {  	[smem:$0x3FA8] =	sst s10  }
0x32: {  	s10 =	sld [smem:$0x3FA6];
	_ =	sdelay $0x3  }
0x33: {  	p0 =	seq.s32 s10, $0x1;
	s10 =	sld [smem:$0x3FA8];
	_ =	sdelay $0x3  }
0x34: {  	[smem:$0x3FA8] =	sst s10  }
0x35: {  	s10 =	sld [smem:$0x3FA7];
	_ =	sdelay $0x3  }
0x36: {  	p1 =	seq.s32 s10, $0x1;
	s10 =	sld [smem:$0x3FA8];
	_ =	sdelay $0x3  }
0x37: {  	[smem:$0x3FA8] =	sst s10  }
0x38: {  	s10 =	sld [smem:$0x3FA9]  }
0x39: {  	_ = 	snop;
	(pc) =	sbr.ind lr, $3  }
0x3a: {  	_ = 	snop  }
0x3b: {  	_ = 	snop  }
0x3c: {  	p2 =	seq.s32 s10, $0x1;
	s10 =	sld [smem:$0x3FA8]  }
0x3d: {  	_ =	shalt  }
0x3e: {  	_ =	shalt  }
0x3f: {  	_ =	shalt  }
0x40: {  	_ =	shalt  }
0x41: {  	_ =	shalt  }
0x42: {  	_ =	shalt  }
0x43: {  	_ =	shalt  }
0x44: {  	_ =	shalt  }
0x45: {  	_ =	shalt  }
0x46: {  	_ =	shalt  }
0x47: {  	_ =	shalt  }
0x48: {  	_ =	shalt  }
0x49: {  	_ =	shalt  }
0x4a: {  	_ =	shalt  }
0x4b: {  	_ =	shalt  }
0x4c: {  	_ =	shalt  }
0x4d: {  	_ =	shalt  }
0x4e: {  	_ =	shalt  }
0x4f: {  	_ =	shalt  }
0x50: {  	_ =	shalt  }
0x51: {  	_ =	shalt  }
0x52: {  	_ =	shalt  }
0x53: {  	_ =	shalt  }
0x54: {  	_ =	shalt  }
0x55: {  	_ =	shalt  }
0x56: {  	_ =	shalt  }
0x57: {  	_ =	shalt  }
0x58: {  	_ =	shalt  }
0x59: {  	_ =	shalt  }
0x5a: {  	_ =	shalt  }
0x5b: {  	_ =	shalt  }
0x5c: {  	_ =	shalt  }
0x5d: {  	_ =	shalt  }
0x5e: {  	_ =	shalt  }
0x5f: {  	_ =	shalt  }
0x60: {  	_ =	shalt  }
0x61: {  	_ =	shalt  }
0x62: {  	_ =	shalt  }
0x63: {  	_ =	shalt  }
0x64: {  	_ =	shalt  }
0x65: {  	_ =	shalt  }
0x66: {  	_ =	shalt  }
0x67: {  	_ =	shalt  }
0x68: {  	_ =	shalt  }
0x69: {  	_ =	shalt  }
0x6a: {  	_ =	shalt  }
0x6b: {  	_ =	shalt  }
0x6c: {  	_ =	shalt  }
0x6d: {  	_ =	shalt  }
0x6e: {  	_ =	shalt  }
0x6f: {  	_ =	shalt  }
0x70: {  	_ =	shalt  }
0x71: {  	_ =	shalt  }
0x72: {  	_ =	shalt  }
0x73: {  	_ =	shalt  }
0x74: {  	_ =	shalt  }
0x75: {  	_ =	shalt  }
0x76: {  	_ =	shalt  }
0x77: {  	_ =	shalt  }
0x78: {  	_ =	shalt  }
0x79: {  	_ =	shalt  }
0x7a: {  	_ =	shalt  }
0x7b: {  	_ =	shalt  }
0x7c: {  	_ =	shalt  }
0x7d: {  	_ =	shalt  }
0x7e: {  	_ =	shalt  }
0x7f: {  	_ =	shalt  }
0x80: {  	_ =	shalt  }
0x81: {  	_ =	shalt  }
0x82: {  	_ =	shalt  }
0x83: {  	_ =	shalt  }
0x84: {  	_ =	shalt  }
0x85: {  	_ =	shalt  }
0x86: {  	_ =	shalt  }
0x87: {  	_ =	shalt  }
.Lfunc_end0:
.L_simem_size_0:
called_computation.8_lowered:
.L_overlay_start_0:
0x88: {  	s2 =	sld [smem:$0x3FD9]  }
0x89: {  	s3 =	sld [smem:$0x3FFE];
	_ =	sdelay $0x1  }
0x8a: {  	s1 =	srdreg.scid  }
0x8b: {  	s0 =	sand.u32 $0x1, s1  }
0x8c: {  	s17 =	sshll.u32 s0, $0xA;
	s2 =	sadd.s32 s3, s2  }
0x8d: {  	s2 =	sadd.s32 s2, s17  }
0x8e: {  	[smem:$0x3FB4] =	sst s2  }
0x8f: {  	_ = 	snop  }
0x90: {  	s2 =	sld [smem:$0x3FD0];
	(tm) =	ssettm $0x1  }
0x91: {  	s18 =	sld [smem:$0x3FFB];
	_ =	sdelay $0x3  }
0x92: {  	_ =	strace s18  }
0x93: {  	s3 =	sld [smem:$0x3FFC];
	_ =	sdelay $0x3  }
0x94: {  	_ =	strace s3  }
0x95: {  	s3 =	sld [smem:$0x3FFD];
	_ =	sdelay $0x3  }
0x96: {  	_ =	strace s3  }
0x97: {  	_ =	strace $0x8FFFFFFF  }
0x98: {  	s19 =	sld [smem:$0x3FDB];
	_ =	sdelay $0x1  }
0x99: {  	s4 =	simm.s32 $_scs_section_size  }
0x9a: {  	s5 =	simm.s32 $_size__tile_overlayer_lowered;
	s6 =	simm.s32 $_tile_overlayer_lowered  }
0x9b: {  	s22 =	simm.s32 $0x1BFF;
	s21 =	sshll.u32 s6, $0x1;
	s3 =	sadd.s32 s4, s19  }
0x9c: {  	s7 =	simm.s32 $0x0;
	s20 =	sshll.u32 s5, $0x1;
	s5 =	sadd.s32 s21, s3  }
0x9d: {  	[timem:s7], [sflag:s22] =	dma.local [hbm:s5], s20  }
0x9e: {  	_ =	swait.ge [sflag:s22], s20  }
0x9f: {  	s4 =	ssub.s32 $0x0, s20;
	[sflag:s22] =	ssyncset.done $0x0  }
0xa0: {  	[sflag:s22] =	ssyncadd.s32 s4;
	_ =	sdelay $0x1  }
0xa1: {  	s23 =	simm.s32 $0x1B8B  }
0xa2: {  	_ =	swait.ge [sflag:s23], $0x1  }
0xa3: {  	[sflag:s23] =	ssyncset.done $0x0  }
0xa4: {  	s25 =	simm.s32 $0x1B8E;
	s24 =	sld [smem:$0x3FFE];
	[sflag:s23] =	ssyncadd.s32 $0xFFFFFFFF  }
0xa5: {  	s26 =	simm.s32 $execute0_lowered;
	[smem:$0x3FD2] =	sst s25  }
0xa6: {  	s5 =	sshll.u32 s26, $0x1;
	_ =	strace $0x8000005E;
	[dreg:$0x1] =	wrdreg $0xFFFFFFFF  }
0xa7: {  	s28 =	simm.s32 $_size_execute0_lowered;
	s3 =	sadd.s32 s3, s5;
	[dreg:$0x0] =	wrdreg $0x0  }
0xa8: {  	s5 =	sshll.u32 s28, $0x1;
	[dreg:$0x2] =	wrdreg s3  }
0xa9: {  	[dreg:$0x3] =	wrdreg s5  }
0xaa: {  	[dreg:$0x4] =	wrdreg $0xC0  }
0xab: {  	_ =	task [dreg:s7], $0x5FFFF  }
0xac: {  	[dreg:$0x1] =	wrdreg $0xFFFFFFFF  }
0xad: {  	[dreg:$0x0] =	wrdreg $0x60  }
0xae: {  	[dreg:$0x2] =	wrdreg s24  }
0xaf: {  	[dreg:$0x3] =	wrdreg s2  }
0xb0: {  	[dreg:$0x4] =	wrdreg $0x9  }
0xb1: {  	_ =	task.clear_ibuf [dreg:s7], $0x5FFFF;
	_ =	strace $0x9000005E  }
0xb2: {  	s29 =	simm.s32 $0x9;
	_ =	strace $0x80000060  }
0xb3: {  	_ =	swait.ge [sflag:s29], $0x1  }
0xb4: {  	[sflag:s29] =	ssyncadd.s32 $0xFFFFFFFF  }
0xb5: {  	_ =	strace $0x90000060  }
0xb6: {  	_ =	sfence  }
0xb7: {  	s30 =	sld [smem:$0x0];
	_ =	sdelay $0x2  }
0xb8: {  	s31 =	sshll.u32 s1, $0xD;
	s1 =	sshrl.u32 s1, $0x2  }
0xb9: {  	s3 =	sand.u32 $0x4000, s31;
	s1 =	sadd.s32 s1, s30  }
0xba: {  	s0 =	sor.u32 s3, s0;
	s1 =	sshll.u32 s1, $0x11  }
0xbb: {  	s0 =	sor.u32 s1, s0  }
0xbc: {  	s0 =	sadd.s32 $0x8F2B, s0  }
0xbd: {  	[sflag:s0] =	ssyncadd.remote.s32 $0x1  }
0xbe: {  	_ =	sfence.sel $0xFFFF  }
0xbf: {  	[dreg:$0x0] =	wrdreg $0xFFFFFFFF;
	(pc) =	sbr.abs _section_cstart, $3  }
0xc0: {  	[dreg:$0x1] =	wrdreg $0xFFFFFFFF  }
0xc1: {  	_ =	task.clear_ibuf [dreg:s7], $0x2FFFF;
	_ =	strace $0x9FFFFFFF  }
0xc2: {  	(tm) =	ssettm $0x7FFFFFFF  }
0xc3: {  	_ =	shalt  }
tec
execute0_lowered:
.L_overlay_start_1:
0x0: {  	(tag) =	ssettag $0x1  }
0x1: {  	s7 =	rddreg [dreg:$0x0]  }
0x2: {  	s0 =	srdreg.scid;
	s2 =	rddreg [dreg:$0x1]  }
0x3: {  	s1 =	stileid.u32;
	s5 =	simm.s32 $0x2;
	s9 =	simm.s32 $0x3  }
0x4: {  	s3 =	sshll.u32 s0, $0x4;
	s0 =	rddreg [dreg:$0x2];
	_ =	strace $0x8000005F  }
.Ltmp0:
0x5: {  	s4 =	sand.u32 $0x10, s3;
	s3 =	simm.s32 $0x1;
	(pc) =	sbr.rel .LBB2_1-.Ltmp0, $4  }
0x6: {  	s12 =	simm.s32 $0x0;
	s4 =	sor.u32 s1, s4;
	[sflag:s3] =	ssyncpa.u1 $0x0  }
0x7: {  	s11 =	simm.s32 $0x0;
	s4 =	smul.u32 $0x30, s4;
	[sflag:s5] =	ssyncpa.u1 $0x0  }
0x8: {  	s6 =	sadd.s32 $0x3B0A00, s7;
	s7 =	sadd.s32 $0x3F8A00, s7;
	[sflag:s9] =	ssyncpa.u1 $0x0  }
0x9: {  	vm0 =	vmmov $0xff;
	vm1 =	vcmask $0x3F20;
	s9 =	simm.s32 $0x30;
	s8 =	sadd.s32 $0x30, s4;
	s10 =	smov.u32 s4  }
.LBB2_11:
0xa: {  	s12 =	sshrl.u32 s10, $0x3  }
0xb: {  	s13 =	sand.u32 $0x7, s10;
	s12 =	sadd.s32 s2, s12  }
0xc: {  	[tilespmem:s9], [sflag:$0x2] =	stream.linear.gather [hbm4b:s12+s13], $0x30, $0x38;
	[tilespmem:$0x6060] =	vst v63  }
.LBB2_12:
0xd: {  	s12 =	sadd.s32 $0x30, s10  }
0xe: {  	s13 =	smov.u32 s4;
	s11 =	sadd.s32 $0x1, s11;
	p0 =	slt.s32 s12, s8  }
0xf: {  	s13 =	smov.u32 @p0 s12;
	p0 =	sne.s32 s11, $0x3  }
.Ltmp1:
0x10: {  	_ = 	snop;
	(pc) =	sbr.rel @!p0 .LBB2_13-.Ltmp1, $2  }
0x11: {  	_ =	sdelay $0x2  }
0x12: {  	s12 =	smov.u32 s10;
	s10 =	smov.u32 s13  }
.LBB2_1:
0x13: {  	p0 =	seq.s32 s11, $0x0  }
.Ltmp2:
0x14: {  	_ = 	snop;
	(pc) =	sbr.rel @p0 .LBB2_11-.Ltmp2, $1  }
0x15: {  	_ =	sdelay $0x3  }
0x16: {  	p0 =	seq.s32 s11, $0x1  }
.Ltmp3:
0x17: {  	_ = 	snop;
	(pc) =	sbr.rel @!p0 .LBB2_10-.Ltmp3, $1  }
0x18: {  	_ =	sdelay $0x3  }
0x19: {  	_ =	swait.ge [sflag:s5], $0x30  }
0x1a: {  	[sflag:s5] =	ssyncset.done $0x0  }
0x1b: {  	s13 =	simm.s32 $0x0;
	[sflag:s5] =	ssyncadd.s32 $0xFFFFFFD0  }
.LBB2_4:
0x1c: {  	s14 =	sshll.u32 s13, $0x4  }
0x1d: {  	s14 =	sand.u32 $0x3FFFFFF0, s14  }
0x1e: {  	v0 =	vld.msk [tilespmem:s14+$0x30 ss:$0x1], $0xffff;
	_ =	sdelay $0x4  }
0x1f: {  	vm2 =	veq.s32 v0, $0x80000000;
	v1 =	vshrl.u32 v0, $0xA  }
0x20: {  	v2 =	vand.u32 $0x3, v0;
	v0 =	vshrl.u32 v0, $0x2;
	v1 =	vand.u32 $0xF, v1  }
0x21: {  	v0 =	vand.u32 $0xFF, v0;
	v2 =	vmul.u32 $0x90000, v2;
	v1 =	vmul.u32 $0xC000, v1  }
0x22: {  	v0 =	vsel vm2, $0xFFFFFFFF, v0  }
0x23: {  	v1 =	vadd.s32 v2, v1;
	v2 =	vshll.u32 v0, $0x8  }
0x24: {  	v0 =	vshll.u32 v0, $0x7;
	v1 =	vsel vm2, $0xFFF64000, v1;
	v2 =	vand.u32 $0xFFFFF800, v2  }
0x25: {  	s31 =	sshll.u32 s13, $0xC;
	v0 =	vand.u32 $0x380, v0;
	v1 =	vadd.s32 v2, v1  }
0x26: {  	s14 =	sand.u32 $0x3FFFF000, s31;
	v0 =	vor.u32 v0, v1  }
0x27: {  	p0 =	por $0x1, $0x1;
	s15 =	simm.s32 $0x0;
	s14 =	sadd.s32 $0x3060, s14;
	v0 =	vshrl.u32 v0, $0x3  }
.LBB2_5:
0x28: {  	_ =	sdelay $0x1  }
0x29: {  	s15 =	sshra.s32 s15, $0x2;
	p1 =	por p0, p0  }
.Ltmp4:
0x2a: {  	s15 =	sadd.s32 s15, s14;
	(pc) =	sbr.rel @p1 .LBB2_5-.Ltmp4, $4  }
0x2b: {  	[tilespmem:s15], [sflag:$0x1] =	stream.indirect_vreg.gather [hbm:s6], $0x80, v0, vm0, $0x38;
	[tilespmem:$0x6060] =	vst v63  }
0x2c: {  	s15 =	sadd.s32 $0x800, s15  }
0x2d: {  	[tilespmem:s15], [sflag:$0x1] =	stream.indirect_vreg.gather [hbm:s6], $0x80, v0, vm1, $0x38;
	[tilespmem:$0x6060] =	vst v63  }
0x2e: {  	p0 =	por $0x0, $0x0;
	v0 =	vadd.s32 $0x80, v0;
	s15 =	simm.s32 $0x1000  }
0x2f: {  	s13 =	sadd.s32 $0x1, s13  }
0x30: {  	p0 =	sne.s32 s13, $0x3  }
.Ltmp5:
0x31: {  	_ = 	snop;
	(pc) =	sbr.rel @p0 .LBB2_4-.Ltmp5, $1  }
0x32: {  	_ =	sdelay $0x3  }
0x33: {  	s13 =	sshll.u32 s12, $0x5  }
0x34: {  	_ =	swait.ge [sflag:s3], $0x3000;
	s31 =	sshll.u32 s12, $0x4;
	s13 =	sand.u32 $0xFFFFFF00, s13  }
0x35: {  	s14 =	simm.s32 $0x100;
	s12 =	sand.u32 $0x70, s31;
	s13 =	sadd.s32 s13, s7  }
0x36: {  	s15 =	simm.s32 $0x3860;
	[sflag:s3] =	ssyncset.done $0x0;
	s12 =	sadd.s32 s12, s13  }
0x37: {  	[sflag:s3] =	ssyncadd.s32 $0xFFFFD000;
	s13 =	simm.s32 $0x3060;
	s16 =	sadd.s32 $0x0, s12  }
.LBB2_8:
0x38: {  	[hbm:s16] =	stream.linear.scatter [tilespmem:s13], [sflag:$0x3], $0x800, $0x38;
	[tilespmem:$0x6060] =	vst v63  }
0x39: {  	s16 =	smov.u32 s14;
	s13 =	smov.u32 s15;
	p0 =	seq.s32 s14, $0x500  }
.Ltmp6:
0x3a: {  	s14 =	sadd.s32 $0x100, s14;
	(pc) =	sbr.rel @!p0 .LBB2_8-.Ltmp6, $2  }
0x3b: {  	_ =	sdelay $0x2  }
0x3c: {  	s15 =	sadd.s32 $0x800, s15;
	s16 =	sadd.s32 s16, s12  }
.Ltmp7:
0x3d: {  	(pc) =	sbr.rel .LBB2_12-.Ltmp7, $2  }
0x3e: {  	_ =	sdelay $0x2  }
0x3f: {  	[hbm:s16] =	stream.linear.scatter [tilespmem:s13], [sflag:$0x3], $0x800, $0x38;
	[tilespmem:$0x6060] =	vst v63  }
.LBB2_10:
0x40: {  	s2 =	simm.s32 $0x3  }
0x41: {  	_ =	swait.ge [sflag:s2], $0x3000  }
0x42: {  	[sflag:s2] =	ssyncset.done $0x0  }
0x43: {  	[sflag:s2] =	ssyncadd.s32 $0xFFFFD000  }
.LBB2_13:
0x44: {  	_ =	sfence.sel $0x180000  }
0x45: {  	s2 =	simm.s32 $0x2;
	[bflag:$0x0] =	sbarrier.arrive $0xFFFF  }
0x46: {  	s30 =	simm.s32 $0x3;
	[sflag:s2] =	ssyncpa.u1 $0x1  }
0x47: {  	s31 =	simm.s32 $0x1;
	[sflag:s30] =	ssyncpa.u1 $0x1  }
0x48: {  	[sflag:s31] =	ssyncpa.u1 $0x1  }
0x49: {  	p0 =	sne.s32 s1, $0x0;
	_ =	strace $0x9000005F  }
0x4a: {  	s0 =	sadd.s32 @!p0 $0x100000, s0;
	[bflag:$0x2] =	sbarrier.arrive $0xFFFF  }
0x4b: {  	[sflag:s0] =	ssyncadd.tile.s32 @!p0 $0x1;
	_ =	shalt  }
.Lfunc_end2:
_tile_overlayer_lowered:
.L_overlay_start_2:
0x4c: {  	(tag) =	ssettag $0x2  }
0x4d: {  	s0 =	rddreg [dreg:$0x0];
	s2 =	stileid.u32  }
0x4e: {  	s1 =	rddreg [dreg:$0x1];
	p0 =	sne.s32 s2, $0x0  }
0x4f: {  	s3 =	rddreg [dreg:$0x2];
	[bflag:$0x3] =	sbarrier.arrive $0xFFFF;
	s2 =	simm.s32 @!p0 $0x1C01  }
0x50: {  	[timem:s3], [sflag:s2] =	dma.local @!p0 [hbm:s0], s1  }
0x51: {  	s0 =	simm.s32 @!p0 $0x1  }
0x52: {  	_ =	swait.ge @!p0 [sflag:s0], s1  }
0x53: {  	s1 =	ssub.s32 @!p0 $0x0, s1;
	[sflag:s0] =	ssyncset.done @!p0 $0x0  }
0x54: {  	[sflag:s0] =	ssyncadd.s32 @!p0 s1  }
0x55: {  	[bflag:$0x3] =	sbarrier.arrive $0xFFFF  }
0x56: {  	_ =	shalt  }

// kernel: gather_offload_async_start.9
scs
__scs_entry_jumppad:
0x0: {  	(pc) =	sbr.rel $0x88, $3  }
0x1: {  	(tag) =	ssettag $0x0;
	lr =	simm.s32 $0x1  }
0x2: {  	[smem:$0x3F8D] =	sst lr;
	_ =	strace $0xD0000000  }
0x3: {  	_ = 	snop  }
0x4: {  	_ = 	snop  }
0x5: {  	_ = 	snop  }
0x6: {  	_ = 	snop  }
0x7: {  	_ = 	snop  }
__scs_overlays_trampoline_lowered:
0x8: {  	[smem:$0x3F9C] =	sst s0  }
0x9: {  	[smem:$0x3F9D] =	sst s1  }
0xa: {  	[smem:$0x3F9E] =	sst s2  }
0xb: {  	[smem:$0x3F9F] =	sst s3  }
0xc: {  	[smem:$0x3FA0] =	sst s4  }
0xd: {  	[smem:$0x3FA1] =	sst s5  }
0xe: {  	[smem:$0x3FA2] =	sst s6  }
0xf: {  	[smem:$0x3FA3] =	sst s7  }
0x10: {  	[smem:$0x3FA4] =	sst s8  }
0x11: {  	[smem:$0x3FA5] =	sst s9;
	s0 =	simm.s32 @!p0 $0x0  }
0x12: {  	s1 =	sld [smem:$0x3F8B];
	s0 =	simm.s32 @p0 $0x1  }
0x13: {  	[smem:$0x3FA6] =	sst s0;
	s0 =	simm.s32 @!p1 $0x0  }
0x14: {  	s2 =	sld [smem:$0x3F8A];
	s0 =	simm.s32 @p1 $0x1  }
0x15: {  	[smem:$0x3FA7] =	sst s0;
	s0 =	simm.s32 @!p2 $0x0  }
0x16: {  	s3 =	sld [smem:$0x3FDB];
	s0 =	simm.s32 @p2 $0x1  }
0x17: {  	s4 =	simm.s32 $0x1BF5;
	[smem:$0x3FA9] =	sst s0  }
0x18: {  	s0 =	sld [smem:$0x3F8C];
	_ =	swait.ge [sflag:s4], $0x0  }
0x19: {  	s7 =	sld [smem:$0x3F8D]  }
0x1a: {  	s8 =	sadd.s32 $0xFFFFE003, lr  }
0x1b: {  	s9 =	sadd.s32 $0xFFFFFEF7, lr;
	s5 =	simm.s32 $0xFFFFFFFF;
	p2 =	slt.u32 s8, $0xFFFFF086  }
0x1c: {  	p1 =	slt.u32 s9, $0xF7A;
	s5 =	simm.s32 @!p2 $0x0  }
0x1d: {  	s5 =	simm.s32 @p1 $0x1;
	p0 =	seq.s32 s7, s2  }
0x1e: {  	s7 =	smul.u32 @!p0 $0xF7A, s2;
	p2 =	seq.s32 @!p0 s5, $0x0  }
0x1f: {  	s9 =	smul.u32 $0xF7A, s1;
	s8 =	simm.s32 @!p0 $0x1BF5;
	p2 =	por !p2, p0  }
0x20: {  	[sflag:s8] =	ssyncset.s32 @!p0 $0xFFFFF086;
	s6 =	sadd.s32 @!p0 s3, s7;
	s7 =	simm.s32 @!p0 $0x108  }
0x21: {  	s3 =	sadd.s32 s3, s9;
	s6 =	sadd.s32 @!p0 $0x88, s6;
	s7 =	simm.s32 @p2 $0x1082  }
0x22: {  	[simem:s7], [sflag:s8] =	dma.local @!p0 [hbm:s6], $0xF7A  }
0x23: {  	s9 =	sor.u32 $0xD0000000, s2;
	s6 =	simm.s32 $0x108;
	_ =	swait.ge @!p0 [sflag:s8], $0x0  }
0x24: {  	s3 =	sadd.s32 $0x88, s3;
	s6 =	simm.s32 @!p1 $0x1082;
	[sflag:s4] =	ssyncset.s32 $0xFFFFF086  }
0x25: {  	[simem:s6], [sflag:s4] =	dma.local [hbm:s3], $0xF7A  }
0x26: {  	[smem:$0x3F8D] =	sst s1;
	(tag) =	ssettag s2;
	_ =	strace s9  }
0x27: {  	s1 =	sld [smem:$0x3F9D]  }
0x28: {  	s2 =	sld [smem:$0x3F9E]  }
0x29: {  	s4 =	sld [smem:$0x3FA0]  }
0x2a: {  	p0 =	seq.s32 s5, $0x0;
	s5 =	sld [smem:$0x3FA1]  }
0x2b: {  	s6 =	sld [smem:$0x3FA2]  }
0x2c: {  	s7 =	sld [smem:$0x3FA3]  }
0x2d: {  	s3 =	simm.s32 $0x108;
	s8 =	sld [smem:$0x3FA4]  }
0x2e: {  	s3 =	simm.s32 @!p0 $0x1082;
	s9 =	sld [smem:$0x3FA5]  }
0x2f: {  	lr =	sadd.s32 s0, s3;
	s0 =	sld [smem:$0x3F9C]  }
0x30: {  	s3 =	sld [smem:$0x3F9F]  }
0x31: {  	[smem:$0x3FA8] =	sst s10  }
0x32: {  	s10 =	sld [smem:$0x3FA6];
	_ =	sdelay $0x3  }
0x33: {  	p0 =	seq.s32 s10, $0x1;
	s10 =	sld [smem:$0x3FA8];
	_ =	sdelay $0x3  }
0x34: {  	[smem:$0x3FA8] =	sst s10  }
0x35: {  	s10 =	sld [smem:$0x3FA7];
	_ =	sdelay $0x3  }
0x36: {  	p1 =	seq.s32 s10, $0x1;
	s10 =	sld [smem:$0x3FA8];
	_ =	sdelay $0x3  }
0x37: {  	[smem:$0x3FA8] =	sst s10  }
0x38: {  	s10 =	sld [smem:$0x3FA9]  }
0x39: {  	_ = 	snop;
	(pc) =	sbr.ind lr, $3  }
0x3a: {  	_ = 	snop  }
0x3b: {  	_ = 	snop  }
0x3c: {  	p2 =	seq.s32 s10, $0x1;
	s10 =	sld [smem:$0x3FA8]  }
0x3d: {  	_ =	shalt  }
0x3e: {  	_ =	shalt  }
0x3f: {  	_ =	shalt  }
0x40: {  	_ =	shalt  }
0x41: {  	_ =	shalt  }
0x42: {  	_ =	shalt  }
0x43: {  	_ =	shalt  }
0x44: {  	_ =	shalt  }
0x45: {  	_ =	shalt  }
0x46: {  	_ =	shalt  }
0x47: {  	_ =	shalt  }
0x48: {  	_ =	shalt  }
0x49: {  	_ =	shalt  }
0x4a: {  	_ =	shalt  }
0x4b: {  	_ =	shalt  }
0x4c: {  	_ =	shalt  }
0x4d: {  	_ =	shalt  }
0x4e: {  	_ =	shalt  }
0x4f: {  	_ =	shalt  }
0x50: {  	_ =	shalt  }
0x51: {  	_ =	shalt  }
0x52: {  	_ =	shalt  }
0x53: {  	_ =	shalt  }
0x54: {  	_ =	shalt  }
0x55: {  	_ =	shalt  }
0x56: {  	_ =	shalt  }
0x57: {  	_ =	shalt  }
0x58: {  	_ =	shalt  }
0x59: {  	_ =	shalt  }
0x5a: {  	_ =	shalt  }
0x5b: {  	_ =	shalt  }
0x5c: {  	_ =	shalt  }
0x5d: {  	_ =	shalt  }
0x5e: {  	_ =	shalt  }
0x5f: {  	_ =	shalt  }
0x60: {  	_ =	shalt  }
0x61: {  	_ =	shalt  }
0x62: {  	_ =	shalt  }
0x63: {  	_ =	shalt  }
0x64: {  	_ =	shalt  }
0x65: {  	_ =	shalt  }
0x66: {  	_ =	shalt  }
0x67: {  	_ =	shalt  }
0x68: {  	_ =	shalt  }
0x69: {  	_ =	shalt  }
0x6a: {  	_ =	shalt  }
0x6b: {  	_ =	shalt  }
0x6c: {  	_ =	shalt  }
0x6d: {  	_ =	shalt  }
0x6e: {  	_ =	shalt  }
0x6f: {  	_ =	shalt  }
0x70: {  	_ =	shalt  }
0x71: {  	_ =	shalt  }
0x72: {  	_ =	shalt  }
0x73: {  	_ =	shalt  }
0x74: {  	_ =	shalt  }
0x75: {  	_ =	shalt  }
0x76: {  	_ =	shalt  }
0x77: {  	_ =	shalt  }
0x78: {  	_ =	shalt  }
0x79: {  	_ =	shalt  }
0x7a: {  	_ =	shalt  }
0x7b: {  	_ =	shalt  }
0x7c: {  	_ =	shalt  }
0x7d: {  	_ =	shalt  }
0x7e: {  	_ =	shalt  }
0x7f: {  	_ =	shalt  }
0x80: {  	_ =	shalt  }
0x81: {  	_ =	shalt  }
0x82: {  	_ =	shalt  }
0x83: {  	_ =	shalt  }
0x84: {  	_ =	shalt  }
0x85: {  	_ =	shalt  }
0x86: {  	_ =	shalt  }
0x87: {  	_ =	shalt  }
.Lfunc_end0:
.L_simem_size_0:
called_computation.9_lowered:
.L_overlay_start_0:
0x88: {  	s2 =	sld [smem:$0x3FD9]  }
0x89: {  	s3 =	sld [smem:$0x3FFE];
	_ =	sdelay $0x1  }
0x8a: {  	s1 =	srdreg.scid  }
0x8b: {  	s0 =	sand.u32 $0x1, s1  }
0x8c: {  	s16 =	sshll.u32 s0, $0xA;
	s2 =	sadd.s32 s3, s2  }
0x8d: {  	s2 =	sadd.s32 s2, s16  }
0x8e: {  	[smem:$0x3FB4] =	sst s2  }
0x8f: {  	_ = 	snop  }
0x90: {  	(tm) =	ssettm $0x1  }
0x91: {  	s17 =	sld [smem:$0x3FFB];
	_ =	sdelay $0x3  }
0x92: {  	_ =	strace s17  }
0x93: {  	s2 =	sld [smem:$0x3FFC];
	_ =	sdelay $0x3  }
0x94: {  	_ =	strace s2  }
0x95: {  	s2 =	sld [smem:$0x3FFD];
	_ =	sdelay $0x3  }
0x96: {  	_ =	strace s2  }
0x97: {  	_ =	strace $0x8FFFFFFF  }
0x98: {  	s18 =	sld [smem:$0x3FDB];
	_ =	sdelay $0x1  }
0x99: {  	s19 =	simm.s32 $_scs_section_size  }
0x9a: {  	s4 =	simm.s32 $_size__tile_overlayer_lowered;
	s5 =	simm.s32 $_tile_overlayer_lowered  }
0x9b: {  	s22 =	simm.s32 $0x1BFF;
	s21 =	sshll.u32 s5, $0x1;
	s2 =	sadd.s32 s19, s18  }
0x9c: {  	s6 =	simm.s32 $0x0;
	s20 =	sshll.u32 s4, $0x1;
	s4 =	sadd.s32 s21, s2  }
0x9d: {  	[timem:s6], [sflag:s22] =	dma.local [hbm:s4], s20  }
0x9e: {  	_ =	swait.ge [sflag:s22], s20  }
0x9f: {  	s3 =	ssub.s32 $0x0, s20;
	[sflag:s22] =	ssyncset.done $0x0  }
0xa0: {  	[sflag:s22] =	ssyncadd.s32 s3;
	_ =	sdelay $0x1  }
0xa1: {  	s23 =	simm.s32 $0x1B8B  }
0xa2: {  	_ =	swait.ge [sflag:s23], $0x1  }
0xa3: {  	[sflag:s23] =	ssyncset.done $0x0  }
0xa4: {  	s25 =	simm.s32 $0x1B8E;
	s24 =	sld [smem:$0x3FFE];
	[sflag:s23] =	ssyncadd.s32 $0xFFFFFFFF  }
0xa5: {  	s26 =	simm.s32 $execute0_lowered;
	[smem:$0x3FD2] =	sst s25  }
0xa6: {  	s4 =	sshll.u32 s26, $0x1;
	_ =	strace $0x80000061;
	[dreg:$0x1] =	wrdreg $0xFFFFFFFF  }
0xa7: {  	s28 =	simm.s32 $_size_execute0_lowered;
	s2 =	sadd.s32 s2, s4;
	[dreg:$0x0] =	wrdreg $0x0  }
0xa8: {  	s4 =	sshll.u32 s28, $0x1;
	[dreg:$0x2] =	wrdreg s2  }
0xa9: {  	[dreg:$0x3] =	wrdreg s4  }
0xaa: {  	[dreg:$0x4] =	wrdreg $0xC0  }
0xab: {  	_ =	task [dreg:s6], $0x5FFFF  }
0xac: {  	[dreg:$0x1] =	wrdreg $0xFFFFFFFF  }
0xad: {  	[dreg:$0x0] =	wrdreg $0x60  }
0xae: {  	[dreg:$0x2] =	wrdreg s24  }
0xaf: {  	[dreg:$0x3] =	wrdreg $0x9  }
0xb0: {  	_ =	task.clear_ibuf [dreg:s6], $0x4FFFF;
	_ =	strace $0x90000061  }
0xb1: {  	s29 =	simm.s32 $0x9;
	_ =	strace $0x80000063  }
0xb2: {  	_ =	swait.ge [sflag:s29], $0x1  }
0xb3: {  	[sflag:s29] =	ssyncadd.s32 $0xFFFFFFFF  }
0xb4: {  	_ =	strace $0x90000063  }
0xb5: {  	_ =	sfence  }
0xb6: {  	s30 =	sld [smem:$0x0];
	_ =	sdelay $0x2  }
0xb7: {  	s31 =	sshll.u32 s1, $0xD;
	s1 =	sshrl.u32 s1, $0x2  }
0xb8: {  	s3 =	sand.u32 $0x4000, s31;
	s1 =	sadd.s32 s1, s30  }
0xb9: {  	s0 =	sor.u32 s3, s0;
	s1 =	sshll.u32 s1, $0x11  }
0xba: {  	s0 =	sor.u32 s1, s0  }
0xbb: {  	s0 =	sadd.s32 $0x8F2B, s0  }
0xbc: {  	[sflag:s0] =	ssyncadd.remote.s32 $0x1  }
0xbd: {  	_ =	sfence.sel $0xFFFF  }
0xbe: {  	[dreg:$0x0] =	wrdreg $0xFFFFFFFF;
	(pc) =	sbr.abs _section_cstart, $3  }
0xbf: {  	[dreg:$0x1] =	wrdreg $0xFFFFFFFF  }
0xc0: {  	_ =	task.clear_ibuf [dreg:s6], $0x2FFFF;
	_ =	strace $0x9FFFFFFF  }
0xc1: {  	(tm) =	ssettm $0x7FFFFFFF  }
tec
execute0_lowered:
.L_overlay_start_1:
0x0: {  	(tag) =	ssettag $0x1  }
0x1: {  	s7 =	rddreg [dreg:$0x0]  }
0x2: {  	s1 =	srdreg.scid;
	s0 =	rddreg [dreg:$0x1]  }
0x3: {  	_ =	strace $0x80000062;
	s3 =	simm.s32 $0x1;
	s5 =	simm.s32 $0x2  }
0x4: {  	s9 =	simm.s32 $0x3;
	s12 =	simm.s32 $0x0;
	s2 =	sshll.u32 s1, $0x4  }
.Ltmp0:
0x5: {  	s1 =	stileid.u32;
	s4 =	sand.u32 $0x10, s2;
	(pc) =	sbr.rel .LBB2_1-.Ltmp0, $4  }
0x6: {  	s11 =	simm.s32 $0x0;
	[sflag:s3] =	ssyncpa.u1 $0x0;
	s4 =	sor.u32 s1, s4  }
0x7: {  	s6 =	sadd.s32 $0x26000, s7;
	[sflag:s5] =	ssyncpa.u1 $0x0;
	s4 =	smul.u32 $0x30, s4  }
0x8: {  	s2 =	sadd.s32 $0x3B8A00, s7;
	s7 =	sadd.s32 $0x358A00, s7;
	[sflag:s9] =	ssyncpa.u1 $0x0  }
0x9: {  	vm0 =	vmmov $0xff;
	vm1 =	vcmask $0x3F20;
	s9 =	simm.s32 $0x30;
	s8 =	sadd.s32 $0x30, s4;
	s10 =	smov.u32 s4  }
.LBB2_11:
0xa: {  	s12 =	sshrl.u32 s10, $0x3  }
0xb: {  	s13 =	sand.u32 $0x7, s10;
	s12 =	sadd.s32 s6, s12  }
0xc: {  	[tilespmem:s9], [sflag:$0x2] =	stream.linear.gather [hbm4b:s12+s13], $0x30, $0x38;
	[tilespmem:$0x6060] =	vst v63  }
.LBB2_12:
0xd: {  	s12 =	sadd.s32 $0x30, s10  }
0xe: {  	s13 =	smov.u32 s4;
	s11 =	sadd.s32 $0x1, s11;
	p0 =	slt.s32 s12, s8  }
0xf: {  	s13 =	smov.u32 @p0 s12;
	p0 =	sne.s32 s11, $0x3  }
.Ltmp1:
0x10: {  	_ = 	snop;
	(pc) =	sbr.rel @!p0 .LBB2_13-.Ltmp1, $2  }
0x11: {  	_ =	sdelay $0x2  }
0x12: {  	s12 =	smov.u32 s10;
	s10 =	smov.u32 s13  }
.LBB2_1:
0x13: {  	p0 =	seq.s32 s11, $0x0  }
.Ltmp2:
0x14: {  	_ = 	snop;
	(pc) =	sbr.rel @p0 .LBB2_11-.Ltmp2, $1  }
0x15: {  	_ =	sdelay $0x3  }
0x16: {  	p0 =	seq.s32 s11, $0x1  }
.Ltmp3:
0x17: {  	_ = 	snop;
	(pc) =	sbr.rel @!p0 .LBB2_10-.Ltmp3, $1  }
0x18: {  	_ =	sdelay $0x3  }
0x19: {  	_ =	swait.ge [sflag:s5], $0x30  }
0x1a: {  	[sflag:s5] =	ssyncset.done $0x0  }
0x1b: {  	s13 =	simm.s32 $0x0;
	[sflag:s5] =	ssyncadd.s32 $0xFFFFFFD0  }
.LBB2_4:
0x1c: {  	s14 =	sshll.u32 s13, $0x4  }
0x1d: {  	s14 =	sand.u32 $0x3FFFFFF0, s14  }
0x1e: {  	v0 =	vld.msk [tilespmem:s14+$0x30 ss:$0x1], $0xffff;
	_ =	sdelay $0x4  }
0x1f: {  	vm2 =	veq.s32 v0, $0x80000000;
	v1 =	vshrl.u32 v0, $0xA  }
0x20: {  	v2 =	vand.u32 $0x3, v0;
	v0 =	vshrl.u32 v0, $0x2;
	v1 =	vand.u32 $0xF, v1  }
0x21: {  	v0 =	vand.u32 $0xFF, v0;
	v2 =	vmul.u32 $0x90000, v2;
	v1 =	vmul.u32 $0xC000, v1  }
0x22: {  	v0 =	vsel vm2, $0xFFFFFFFF, v0  }
0x23: {  	v1 =	vadd.s32 v2, v1;
	v2 =	vshll.u32 v0, $0x8  }
0x24: {  	v0 =	vshll.u32 v0, $0x7;
	v1 =	vsel vm2, $0xFFF64000, v1;
	v2 =	vand.u32 $0xFFFFF800, v2  }
0x25: {  	s31 =	sshll.u32 s13, $0xC;
	v0 =	vand.u32 $0x380, v0;
	v1 =	vadd.s32 v2, v1  }
0x26: {  	s14 =	sand.u32 $0x3FFFF000, s31;
	v0 =	vor.u32 v0, v1  }
0x27: {  	p0 =	por $0x1, $0x1;
	s15 =	simm.s32 $0x0;
	s14 =	sadd.s32 $0x3060, s14;
	v0 =	vshrl.u32 v0, $0x3  }
.LBB2_5:
0x28: {  	_ =	sdelay $0x1  }
0x29: {  	s15 =	sshra.s32 s15, $0x2;
	p1 =	por p0, p0  }
.Ltmp4:
0x2a: {  	s15 =	sadd.s32 s15, s14;
	(pc) =	sbr.rel @p1 .LBB2_5-.Ltmp4, $4  }
0x2b: {  	[tilespmem:s15], [sflag:$0x1] =	stream.indirect_vreg.gather [hbm:s2], $0x80, v0, vm0, $0x38;
	[tilespmem:$0x6060] =	vst v63  }
0x2c: {  	s15 =	sadd.s32 $0x800, s15  }
0x2d: {  	[tilespmem:s15], [sflag:$0x1] =	stream.indirect_vreg.gather [hbm:s2], $0x80, v0, vm1, $0x38;
	[tilespmem:$0x6060] =	vst v63  }
0x2e: {  	p0 =	por $0x0, $0x0;
	v0 =	vadd.s32 $0x80, v0;
	s15 =	simm.s32 $0x1000  }
0x2f: {  	s13 =	sadd.s32 $0x1, s13  }
0x30: {  	p0 =	sne.s32 s13, $0x3  }
.Ltmp5:
0x31: {  	_ = 	snop;
	(pc) =	sbr.rel @p0 .LBB2_4-.Ltmp5, $1  }
0x32: {  	_ =	sdelay $0x3  }
0x33: {  	s13 =	sshll.u32 s12, $0x5  }
0x34: {  	_ =	swait.ge [sflag:s3], $0x3000;
	s31 =	sshll.u32 s12, $0x4;
	s13 =	sand.u32 $0xFFFFFF00, s13  }
0x35: {  	s14 =	simm.s32 $0x100;
	s12 =	sand.u32 $0x70, s31;
	s13 =	sadd.s32 s13, s7  }
0x36: {  	s15 =	simm.s32 $0x3860;
	[sflag:s3] =	ssyncset.done $0x0;
	s12 =	sadd.s32 s12, s13  }
0x37: {  	[sflag:s3] =	ssyncadd.s32 $0xFFFFD000;
	s13 =	simm.s32 $0x3060;
	s16 =	sadd.s32 $0x0, s12  }
.LBB2_8:
0x38: {  	[hbm:s16] =	stream.linear.scatter [tilespmem:s13], [sflag:$0x3], $0x800, $0x38;
	[tilespmem:$0x6060] =	vst v63  }
0x39: {  	s16 =	smov.u32 s14;
	s13 =	smov.u32 s15;
	p0 =	seq.s32 s14, $0x500  }
.Ltmp6:
0x3a: {  	s14 =	sadd.s32 $0x100, s14;
	(pc) =	sbr.rel @!p0 .LBB2_8-.Ltmp6, $2  }
0x3b: {  	_ =	sdelay $0x2  }
0x3c: {  	s15 =	sadd.s32 $0x800, s15;
	s16 =	sadd.s32 s16, s12  }
.Ltmp7:
0x3d: {  	(pc) =	sbr.rel .LBB2_12-.Ltmp7, $2  }
0x3e: {  	_ =	sdelay $0x2  }
0x3f: {  	[hbm:s16] =	stream.linear.scatter [tilespmem:s13], [sflag:$0x3], $0x800, $0x38;
	[tilespmem:$0x6060] =	vst v63  }
.LBB2_10:
0x40: {  	s2 =	simm.s32 $0x3  }
0x41: {  	_ =	swait.ge [sflag:s2], $0x3000  }
0x42: {  	[sflag:s2] =	ssyncset.done $0x0  }
0x43: {  	[sflag:s2] =	ssyncadd.s32 $0xFFFFD000  }
.LBB2_13:
0x44: {  	_ =	sfence.sel $0x180000  }
0x45: {  	s2 =	simm.s32 $0x2;
	[bflag:$0x0] =	sbarrier.arrive $0xFFFF  }
0x46: {  	s30 =	simm.s32 $0x3;
	[sflag:s2] =	ssyncpa.u1 $0x1  }
0x47: {  	s31 =	simm.s32 $0x1;
	[sflag:s30] =	ssyncpa.u1 $0x1  }
0x48: {  	[sflag:s31] =	ssyncpa.u1 $0x1  }
0x49: {  	p0 =	sne.s32 s1, $0x0;
	_ =	strace $0x90000062  }
0x4a: {  	s0 =	sadd.s32 @!p0 $0x100000, s0;
	[bflag:$0x2] =	sbarrier.arrive $0xFFFF  }
0x4b: {  	[sflag:s0] =	ssyncadd.tile.s32 @!p0 $0x1;
	_ =	shalt  }
.Lfunc_end2:
_tile_overlayer_lowered:
.L_overlay_start_2:
0x4c: {  	(tag) =	ssettag $0x2  }
0x4d: {  	s0 =	rddreg [dreg:$0x0];
	s2 =	stileid.u32  }
0x4e: {  	s1 =	rddreg [dreg:$0x1];
	p0 =	sne.s32 s2, $0x0  }
0x4f: {  	s3 =	rddreg [dreg:$0x2];
	[bflag:$0x3] =	sbarrier.arrive $0xFFFF;
	s2 =	simm.s32 @!p0 $0x1C01  }
0x50: {  	[timem:s3], [sflag:s2] =	dma.local @!p0 [hbm:s0], s1  }
0x51: {  	s0 =	simm.s32 @!p0 $0x1  }
0x52: {  	_ =	swait.ge @!p0 [sflag:s0], s1  }
0x53: {  	s1 =	ssub.s32 @!p0 $0x0, s1;
	[sflag:s0] =	ssyncset.done @!p0 $0x0  }
0x54: {  	[sflag:s0] =	ssyncadd.s32 @!p0 s1  }
0x55: {  	[bflag:$0x3] =	sbarrier.arrive $0xFFFF  }
0x56: {  	_ =	shalt  }

// kernel: gather_offload_async_start
scs
__scs_entry_jumppad:
0x0: {  	(pc) =	sbr.rel $0x88, $3  }
0x1: {  	(tag) =	ssettag $0x0;
	lr =	simm.s32 $0x1  }
0x2: {  	[smem:$0x3F8D] =	sst lr;
	_ =	strace $0xD0000000  }
0x3: {  	_ = 	snop  }
0x4: {  	_ = 	snop  }
0x5: {  	_ = 	snop  }
0x6: {  	_ = 	snop  }
0x7: {  	_ = 	snop  }
__scs_overlays_trampoline_lowered:
0x8: {  	[smem:$0x3F9C] =	sst s0  }
0x9: {  	[smem:$0x3F9D] =	sst s1  }
0xa: {  	[smem:$0x3F9E] =	sst s2  }
0xb: {  	[smem:$0x3F9F] =	sst s3  }
0xc: {  	[smem:$0x3FA0] =	sst s4  }
0xd: {  	[smem:$0x3FA1] =	sst s5  }
0xe: {  	[smem:$0x3FA2] =	sst s6  }
0xf: {  	[smem:$0x3FA3] =	sst s7  }
0x10: {  	[smem:$0x3FA4] =	sst s8  }
0x11: {  	[smem:$0x3FA5] =	sst s9;
	s0 =	simm.s32 @!p0 $0x0  }
0x12: {  	s1 =	sld [smem:$0x3F8B];
	s0 =	simm.s32 @p0 $0x1  }
0x13: {  	[smem:$0x3FA6] =	sst s0;
	s0 =	simm.s32 @!p1 $0x0  }
0x14: {  	s2 =	sld [smem:$0x3F8A];
	s0 =	simm.s32 @p1 $0x1  }
0x15: {  	[smem:$0x3FA7] =	sst s0;
	s0 =	simm.s32 @!p2 $0x0  }
0x16: {  	s3 =	sld [smem:$0x3FDB];
	s0 =	simm.s32 @p2 $0x1  }
0x17: {  	s4 =	simm.s32 $0x1BF5;
	[smem:$0x3FA9] =	sst s0  }
0x18: {  	s0 =	sld [smem:$0x3F8C];
	_ =	swait.ge [sflag:s4], $0x0  }
0x19: {  	s7 =	sld [smem:$0x3F8D]  }
0x1a: {  	s8 =	sadd.s32 $0xFFFFE003, lr  }
0x1b: {  	s9 =	sadd.s32 $0xFFFFFEF7, lr;
	s5 =	simm.s32 $0xFFFFFFFF;
	p2 =	slt.u32 s8, $0xFFFFF086  }
0x1c: {  	p1 =	slt.u32 s9, $0xF7A;
	s5 =	simm.s32 @!p2 $0x0  }
0x1d: {  	s5 =	simm.s32 @p1 $0x1;
	p0 =	seq.s32 s7, s2  }
0x1e: {  	s7 =	smul.u32 @!p0 $0xF7A, s2;
	p2 =	seq.s32 @!p0 s5, $0x0  }
0x1f: {  	s9 =	smul.u32 $0xF7A, s1;
	s8 =	simm.s32 @!p0 $0x1BF5;
	p2 =	por !p2, p0  }
0x20: {  	[sflag:s8] =	ssyncset.s32 @!p0 $0xFFFFF086;
	s6 =	sadd.s32 @!p0 s3, s7;
	s7 =	simm.s32 @!p0 $0x108  }
0x21: {  	s3 =	sadd.s32 s3, s9;
	s6 =	sadd.s32 @!p0 $0x88, s6;
	s7 =	simm.s32 @p2 $0x1082  }
0x22: {  	[simem:s7], [sflag:s8] =	dma.local @!p0 [hbm:s6], $0xF7A  }
0x23: {  	s9 =	sor.u32 $0xD0000000, s2;
	s6 =	simm.s32 $0x108;
	_ =	swait.ge @!p0 [sflag:s8], $0x0  }
0x24: {  	s3 =	sadd.s32 $0x88, s3;
	s6 =	simm.s32 @!p1 $0x1082;
	[sflag:s4] =	ssyncset.s32 $0xFFFFF086  }
0x25: {  	[simem:s6], [sflag:s4] =	dma.local [hbm:s3], $0xF7A  }
0x26: {  	[smem:$0x3F8D] =	sst s1;
	(tag) =	ssettag s2;
	_ =	strace s9  }
0x27: {  	s1 =	sld [smem:$0x3F9D]  }
0x28: {  	s2 =	sld [smem:$0x3F9E]  }
0x29: {  	s4 =	sld [smem:$0x3FA0]  }
0x2a: {  	p0 =	seq.s32 s5, $0x0;
	s5 =	sld [smem:$0x3FA1]  }
0x2b: {  	s6 =	sld [smem:$0x3FA2]  }
0x2c: {  	s7 =	sld [smem:$0x3FA3]  }
0x2d: {  	s3 =	simm.s32 $0x108;
	s8 =	sld [smem:$0x3FA4]  }
0x2e: {  	s3 =	simm.s32 @!p0 $0x1082;
	s9 =	sld [smem:$0x3FA5]  }
0x2f: {  	lr =	sadd.s32 s0, s3;
	s0 =	sld [smem:$0x3F9C]  }
0x30: {  	s3 =	sld [smem:$0x3F9F]  }
0x31: {  	[smem:$0x3FA8] =	sst s10  }
0x32: {  	s10 =	sld [smem:$0x3FA6];
	_ =	sdelay $0x3  }
0x33: {  	p0 =	seq.s32 s10, $0x1;
	s10 =	sld [smem:$0x3FA8];
	_ =	sdelay $0x3  }
0x34: {  	[smem:$0x3FA8] =	sst s10  }
0x35: {  	s10 =	sld [smem:$0x3FA7];
	_ =	sdelay $0x3  }
0x36: {  	p1 =	seq.s32 s10, $0x1;
	s10 =	sld [smem:$0x3FA8];
	_ =	sdelay $0x3  }
0x37: {  	[smem:$0x3FA8] =	sst s10  }
0x38: {  	s10 =	sld [smem:$0x3FA9]  }
0x39: {  	_ = 	snop;
	(pc) =	sbr.ind lr, $3  }
0x3a: {  	_ = 	snop  }
0x3b: {  	_ = 	snop  }
0x3c: {  	p2 =	seq.s32 s10, $0x1;
	s10 =	sld [smem:$0x3FA8]  }
0x3d: {  	_ =	shalt  }
0x3e: {  	_ =	shalt  }
0x3f: {  	_ =	shalt  }
0x40: {  	_ =	shalt  }
0x41: {  	_ =	shalt  }
0x42: {  	_ =	shalt  }
0x43: {  	_ =	shalt  }
0x44: {  	_ =	shalt  }
0x45: {  	_ =	shalt  }
0x46: {  	_ =	shalt  }
0x47: {  	_ =	shalt  }
0x48: {  	_ =	shalt  }
0x49: {  	_ =	shalt  }
0x4a: {  	_ =	shalt  }
0x4b: {  	_ =	shalt  }
0x4c: {  	_ =	shalt  }
0x4d: {  	_ =	shalt  }
0x4e: {  	_ =	shalt  }
0x4f: {  	_ =	shalt  }
0x50: {  	_ =	shalt  }
0x51: {  	_ =	shalt  }
0x52: {  	_ =	shalt  }
0x53: {  	_ =	shalt  }
0x54: {  	_ =	shalt  }
0x55: {  	_ =	shalt  }
0x56: {  	_ =	shalt  }
0x57: {  	_ =	shalt  }
0x58: {  	_ =	shalt  }
0x59: {  	_ =	shalt  }
0x5a: {  	_ =	shalt  }
0x5b: {  	_ =	shalt  }
0x5c: {  	_ =	shalt  }
0x5d: {  	_ =	shalt  }
0x5e: {  	_ =	shalt  }
0x5f: {  	_ =	shalt  }
0x60: {  	_ =	shalt  }
0x61: {  	_ =	shalt  }
0x62: {  	_ =	shalt  }
0x63: {  	_ =	shalt  }
0x64: {  	_ =	shalt  }
0x65: {  	_ =	shalt  }
0x66: {  	_ =	shalt  }
0x67: {  	_ =	shalt  }
0x68: {  	_ =	shalt  }
0x69: {  	_ =	shalt  }
0x6a: {  	_ =	shalt  }
0x6b: {  	_ =	shalt  }
0x6c: {  	_ =	shalt  }
0x6d: {  	_ =	shalt  }
0x6e: {  	_ =	shalt  }
0x6f: {  	_ =	shalt  }
0x70: {  	_ =	shalt  }
0x71: {  	_ =	shalt  }
0x72: {  	_ =	shalt  }
0x73: {  	_ =	shalt  }
0x74: {  	_ =	shalt  }
0x75: {  	_ =	shalt  }
0x76: {  	_ =	shalt  }
0x77: {  	_ =	shalt  }
0x78: {  	_ =	shalt  }
0x79: {  	_ =	shalt  }
0x7a: {  	_ =	shalt  }
0x7b: {  	_ =	shalt  }
0x7c: {  	_ =	shalt  }
0x7d: {  	_ =	shalt  }
0x7e: {  	_ =	shalt  }
0x7f: {  	_ =	shalt  }
0x80: {  	_ =	shalt  }
0x81: {  	_ =	shalt  }
0x82: {  	_ =	shalt  }
0x83: {  	_ =	shalt  }
0x84: {  	_ =	shalt  }
0x85: {  	_ =	shalt  }
0x86: {  	_ =	shalt  }
0x87: {  	_ =	shalt  }
.Lfunc_end0:
.L_simem_size_0:
called_computation_lowered:
.L_overlay_start_0:
0x88: {  	s2 =	sld [smem:$0x3FD9]  }
0x89: {  	s3 =	sld [smem:$0x3FFE];
	_ =	sdelay $0x1  }
0x8a: {  	s1 =	srdreg.scid  }
0x8b: {  	s0 =	sand.u32 $0x1, s1  }
0x8c: {  	s17 =	sshll.u32 s0, $0xA;
	s2 =	sadd.s32 s3, s2  }
0x8d: {  	s2 =	sadd.s32 s2, s17  }
0x8e: {  	[smem:$0x3FB4] =	sst s2  }
0x8f: {  	_ = 	snop  }
0x90: {  	s2 =	sld [smem:$0x3FD0];
	(tm) =	ssettm $0x1  }
0x91: {  	s18 =	sld [smem:$0x3FFB];
	_ =	sdelay $0x3  }
0x92: {  	_ =	strace s18  }
0x93: {  	s3 =	sld [smem:$0x3FFC];
	_ =	sdelay $0x3  }
0x94: {  	_ =	strace s3  }
0x95: {  	s3 =	sld [smem:$0x3FFD];
	_ =	sdelay $0x3  }
0x96: {  	_ =	strace s3  }
0x97: {  	_ =	strace $0x8FFFFFFF  }
0x98: {  	s19 =	sld [smem:$0x3FDB];
	_ =	sdelay $0x1  }
0x99: {  	s4 =	simm.s32 $_scs_section_size  }
0x9a: {  	s5 =	simm.s32 $_size__tile_overlayer_lowered;
	s6 =	simm.s32 $_tile_overlayer_lowered  }
0x9b: {  	s22 =	simm.s32 $0x1BFF;
	s21 =	sshll.u32 s6, $0x1;
	s3 =	sadd.s32 s4, s19  }
0x9c: {  	s7 =	simm.s32 $0x0;
	s20 =	sshll.u32 s5, $0x1;
	s5 =	sadd.s32 s21, s3  }
0x9d: {  	[timem:s7], [sflag:s22] =	dma.local [hbm:s5], s20  }
0x9e: {  	_ =	swait.ge [sflag:s22], s20  }
0x9f: {  	s4 =	ssub.s32 $0x0, s20;
	[sflag:s22] =	ssyncset.done $0x0  }
0xa0: {  	[sflag:s22] =	ssyncadd.s32 s4;
	_ =	sdelay $0x1  }
0xa1: {  	s23 =	simm.s32 $0x1B8B  }
0xa2: {  	_ =	swait.ge [sflag:s23], $0x1  }
0xa3: {  	[sflag:s23] =	ssyncset.done $0x0  }
0xa4: {  	s25 =	simm.s32 $0x1B8E;
	s24 =	sld [smem:$0x3FFE];
	[sflag:s23] =	ssyncadd.s32 $0xFFFFFFFF  }
0xa5: {  	s26 =	simm.s32 $execute0_lowered;
	[smem:$0x3FD2] =	sst s25  }
0xa6: {  	s5 =	sshll.u32 s26, $0x1;
	_ =	strace $0x80000046;
	[dreg:$0x1] =	wrdreg $0xFFFFFFFF  }
0xa7: {  	s28 =	simm.s32 $_size_execute0_lowered;
	s3 =	sadd.s32 s3, s5;
	[dreg:$0x0] =	wrdreg $0x0  }
0xa8: {  	s5 =	sshll.u32 s28, $0x1;
	[dreg:$0x2] =	wrdreg s3  }
0xa9: {  	[dreg:$0x3] =	wrdreg s5  }
0xaa: {  	[dreg:$0x4] =	wrdreg $0xC0  }
0xab: {  	_ =	task [dreg:s7], $0x5FFFF  }
0xac: {  	[dreg:$0x1] =	wrdreg $0xFFFFFFFF  }
0xad: {  	[dreg:$0x0] =	wrdreg $0x60  }
0xae: {  	[dreg:$0x2] =	wrdreg s24  }
0xaf: {  	[dreg:$0x3] =	wrdreg s2  }
0xb0: {  	[dreg:$0x4] =	wrdreg $0x9  }
0xb1: {  	_ =	task.clear_ibuf [dreg:s7], $0x5FFFF;
	_ =	strace $0x90000046  }
0xb2: {  	s29 =	simm.s32 $0x9;
	_ =	strace $0x80000048  }
0xb3: {  	_ =	swait.ge [sflag:s29], $0x1  }
0xb4: {  	[sflag:s29] =	ssyncadd.s32 $0xFFFFFFFF  }
0xb5: {  	_ =	strace $0x90000048  }
0xb6: {  	_ =	sfence  }
0xb7: {  	s30 =	sld [smem:$0x0];
	_ =	sdelay $0x2  }
0xb8: {  	s31 =	sshll.u32 s1, $0xD;
	s1 =	sshrl.u32 s1, $0x2  }
0xb9: {  	s3 =	sand.u32 $0x4000, s31;
	s1 =	sadd.s32 s1, s30  }
0xba: {  	s0 =	sor.u32 s3, s0;
	s1 =	sshll.u32 s1, $0x11  }
0xbb: {  	s0 =	sor.u32 s1, s0  }
0xbc: {  	s0 =	sadd.s32 $0x8F2B, s0  }
0xbd: {  	[sflag:s0] =	ssyncadd.remote.s32 $0x1  }
0xbe: {  	_ =	sfence.sel $0xFFFF  }
0xbf: {  	[dreg:$0x0] =	wrdreg $0xFFFFFFFF;
	(pc) =	sbr.abs _section_cstart, $3  }
0xc0: {  	[dreg:$0x1] =	wrdreg $0xFFFFFFFF  }
0xc1: {  	_ =	task.clear_ibuf [dreg:s7], $0x2FFFF;
	_ =	strace $0x9FFFFFFF  }
0xc2: {  	(tm) =	ssettm $0x7FFFFFFF  }
0xc3: {  	_ =	shalt  }
tec
execute0_lowered:
.L_overlay_start_1:
0x0: {  	(tag) =	ssettag $0x1  }
0x1: {  	s7 =	rddreg [dreg:$0x0]  }
0x2: {  	s0 =	srdreg.scid;
	s2 =	rddreg [dreg:$0x1]  }
0x3: {  	s1 =	stileid.u32;
	s5 =	simm.s32 $0x2;
	s9 =	simm.s32 $0x3  }
0x4: {  	s3 =	sshll.u32 s0, $0x4;
	s0 =	rddreg [dreg:$0x2];
	_ =	strace $0x80000047  }
.Ltmp0:
0x5: {  	s4 =	sand.u32 $0x10, s3;
	s3 =	simm.s32 $0x1;
	(pc) =	sbr.rel .LBB2_1-.Ltmp0, $4  }
0x6: {  	s12 =	simm.s32 $0x0;
	s4 =	sor.u32 s1, s4;
	[sflag:s3] =	ssyncpa.u1 $0x0  }
0x7: {  	s11 =	simm.s32 $0x0;
	s4 =	smul.u32 $0x30, s4;
	[sflag:s5] =	ssyncpa.u1 $0x0  }
0x8: {  	s6 =	sadd.s32 $0x89CA00, s7;
	s7 =	sadd.s32 $0x844200, s7;
	[sflag:s9] =	ssyncpa.u1 $0x0  }
0x9: {  	vm0 =	vmmov $0xff;
	vm1 =	vcmask $0x3F20;
	s9 =	simm.s32 $0x30;
	s8 =	sadd.s32 $0x30, s4;
	s10 =	smov.u32 s4  }
.LBB2_11:
0xa: {  	s12 =	sshrl.u32 s10, $0x3  }
0xb: {  	s13 =	sand.u32 $0x7, s10;
	s12 =	sadd.s32 s2, s12  }
0xc: {  	[tilespmem:s9], [sflag:$0x2] =	stream.linear.gather [hbm4b:s12+s13], $0x30, $0x38;
	[tilespmem:$0x6060] =	vst v63  }
.LBB2_12:
0xd: {  	s12 =	sadd.s32 $0x30, s10  }
0xe: {  	s13 =	smov.u32 s4;
	s11 =	sadd.s32 $0x1, s11;
	p0 =	slt.s32 s12, s8  }
0xf: {  	s13 =	smov.u32 @p0 s12;
	p0 =	sne.s32 s11, $0x3  }
.Ltmp1:
0x10: {  	_ = 	snop;
	(pc) =	sbr.rel @!p0 .LBB2_13-.Ltmp1, $2  }
0x11: {  	_ =	sdelay $0x2  }
0x12: {  	s12 =	smov.u32 s10;
	s10 =	smov.u32 s13  }
.LBB2_1:
0x13: {  	p0 =	seq.s32 s11, $0x0  }
.Ltmp2:
0x14: {  	_ = 	snop;
	(pc) =	sbr.rel @p0 .LBB2_11-.Ltmp2, $1  }
0x15: {  	_ =	sdelay $0x3  }
0x16: {  	p0 =	seq.s32 s11, $0x1  }
.Ltmp3:
0x17: {  	_ = 	snop;
	(pc) =	sbr.rel @!p0 .LBB2_10-.Ltmp3, $1  }
0x18: {  	_ =	sdelay $0x3  }
0x19: {  	_ =	swait.ge [sflag:s5], $0x30  }
0x1a: {  	[sflag:s5] =	ssyncset.done $0x0  }
0x1b: {  	s13 =	simm.s32 $0x0;
	[sflag:s5] =	ssyncadd.s32 $0xFFFFFFD0  }
.LBB2_4:
0x1c: {  	s14 =	sshll.u32 s13, $0x4  }
0x1d: {  	s14 =	sand.u32 $0x3FFFFFF0, s14  }
0x1e: {  	v0 =	vld.msk [tilespmem:s14+$0x30 ss:$0x1], $0xffff;
	_ =	sdelay $0x4  }
0x1f: {  	vm2 =	veq.s32 v0, $0x80000000;
	v1 =	vshrl.u32 v0, $0xA  }
0x20: {  	v2 =	vand.u32 $0x3, v0;
	v0 =	vshrl.u32 v0, $0x2;
	v1 =	vand.u32 $0xF, v1  }
0x21: {  	v0 =	vand.u32 $0xFF, v0;
	v2 =	vmul.u32 $0x90000, v2;
	v1 =	vmul.u32 $0xC000, v1  }
0x22: {  	v0 =	vsel vm2, $0xFFFFFFFF, v0  }
0x23: {  	v1 =	vadd.s32 v2, v1;
	v2 =	vshll.u32 v0, $0x8  }
0x24: {  	v0 =	vshll.u32 v0, $0x7;
	v1 =	vsel vm2, $0xFFF64000, v1;
	v2 =	vand.u32 $0xFFFFF800, v2  }
0x25: {  	s31 =	sshll.u32 s13, $0xC;
	v0 =	vand.u32 $0x380, v0;
	v1 =	vadd.s32 v2, v1  }
0x26: {  	s14 =	sand.u32 $0x3FFFF000, s31;
	v0 =	vor.u32 v0, v1  }
0x27: {  	p0 =	por $0x1, $0x1;
	s15 =	simm.s32 $0x0;
	s14 =	sadd.s32 $0x3060, s14;
	v0 =	vshrl.u32 v0, $0x3  }
.LBB2_5:
0x28: {  	_ =	sdelay $0x1  }
0x29: {  	s15 =	sshra.s32 s15, $0x2;
	p1 =	por p0, p0  }
.Ltmp4:
0x2a: {  	s15 =	sadd.s32 s15, s14;
	(pc) =	sbr.rel @p1 .LBB2_5-.Ltmp4, $4  }
0x2b: {  	[tilespmem:s15], [sflag:$0x1] =	stream.indirect_vreg.gather [hbm:s6], $0x80, v0, vm0, $0x38;
	[tilespmem:$0x6060] =	vst v63  }
0x2c: {  	s15 =	sadd.s32 $0x800, s15  }
0x2d: {  	[tilespmem:s15], [sflag:$0x1] =	stream.indirect_vreg.gather [hbm:s6], $0x80, v0, vm1, $0x38;
	[tilespmem:$0x6060] =	vst v63  }
0x2e: {  	p0 =	por $0x0, $0x0;
	v0 =	vadd.s32 $0x80, v0;
	s15 =	simm.s32 $0x1000  }
0x2f: {  	s13 =	sadd.s32 $0x1, s13  }
0x30: {  	p0 =	sne.s32 s13, $0x3  }
.Ltmp5:
0x31: {  	_ = 	snop;
	(pc) =	sbr.rel @p0 .LBB2_4-.Ltmp5, $1  }
0x32: {  	_ =	sdelay $0x3  }
0x33: {  	s13 =	sshll.u32 s12, $0x5  }
0x34: {  	_ =	swait.ge [sflag:s3], $0x3000;
	s31 =	sshll.u32 s12, $0x4;
	s13 =	sand.u32 $0xFFFFFF00, s13  }
0x35: {  	s14 =	simm.s32 $0x100;
	s12 =	sand.u32 $0x70, s31;
	s13 =	sadd.s32 s13, s7  }
0x36: {  	s15 =	simm.s32 $0x3860;
	[sflag:s3] =	ssyncset.done $0x0;
	s12 =	sadd.s32 s12, s13  }
0x37: {  	[sflag:s3] =	ssyncadd.s32 $0xFFFFD000;
	s13 =	simm.s32 $0x3060;
	s16 =	sadd.s32 $0x0, s12  }
.LBB2_8:
0x38: {  	[hbm:s16] =	stream.linear.scatter [tilespmem:s13], [sflag:$0x3], $0x800, $0x38;
	[tilespmem:$0x6060] =	vst v63  }
0x39: {  	s16 =	smov.u32 s14;
	s13 =	smov.u32 s15;
	p0 =	seq.s32 s14, $0x500  }
.Ltmp6:
0x3a: {  	s14 =	sadd.s32 $0x100, s14;
	(pc) =	sbr.rel @!p0 .LBB2_8-.Ltmp6, $2  }
0x3b: {  	_ =	sdelay $0x2  }
0x3c: {  	s15 =	sadd.s32 $0x800, s15;
	s16 =	sadd.s32 s16, s12  }
.Ltmp7:
0x3d: {  	(pc) =	sbr.rel .LBB2_12-.Ltmp7, $2  }
0x3e: {  	_ =	sdelay $0x2  }
0x3f: {  	[hbm:s16] =	stream.linear.scatter [tilespmem:s13], [sflag:$0x3], $0x800, $0x38;
	[tilespmem:$0x6060] =	vst v63  }
.LBB2_10:
0x40: {  	s2 =	simm.s32 $0x3  }
0x41: {  	_ =	swait.ge [sflag:s2], $0x3000  }
0x42: {  	[sflag:s2] =	ssyncset.done $0x0  }
0x43: {  	[sflag:s2] =	ssyncadd.s32 $0xFFFFD000  }
.LBB2_13:
0x44: {  	_ =	sfence.sel $0x180000  }
0x45: {  	s2 =	simm.s32 $0x2;
	[bflag:$0x0] =	sbarrier.arrive $0xFFFF  }
0x46: {  	s30 =	simm.s32 $0x3;
	[sflag:s2] =	ssyncpa.u1 $0x1  }
0x47: {  	s31 =	simm.s32 $0x1;
	[sflag:s30] =	ssyncpa.u1 $0x1  }
0x48: {  	[sflag:s31] =	ssyncpa.u1 $0x1  }
0x49: {  	p0 =	sne.s32 s1, $0x0;
	_ =	strace $0x90000047  }
0x4a: {  	s0 =	sadd.s32 @!p0 $0x100000, s0;
	[bflag:$0x2] =	sbarrier.arrive $0xFFFF  }
0x4b: {  	[sflag:s0] =	ssyncadd.tile.s32 @!p0 $0x1;
	_ =	shalt  }
.Lfunc_end2:
_tile_overlayer_lowered:
.L_overlay_start_2:
0x4c: {  	(tag) =	ssettag $0x2  }
0x4d: {  	s0 =	rddreg [dreg:$0x0];
	s2 =	stileid.u32  }
0x4e: {  	s1 =	rddreg [dreg:$0x1];
	p0 =	sne.s32 s2, $0x0  }
0x4f: {  	s3 =	rddreg [dreg:$0x2];
	[bflag:$0x3] =	sbarrier.arrive $0xFFFF;
	s2 =	simm.s32 @!p0 $0x1C01  }
0x50: {  	[timem:s3], [sflag:s2] =	dma.local @!p0 [hbm:s0], s1  }
0x51: {  	s0 =	simm.s32 @!p0 $0x1  }
0x52: {  	_ =	swait.ge @!p0 [sflag:s0], s1  }
0x53: {  	s1 =	ssub.s32 @!p0 $0x0, s1;
	[sflag:s0] =	ssyncset.done @!p0 $0x0  }
0x54: {  	[sflag:s0] =	ssyncadd.s32 @!p0 s1  }
0x55: {  	[bflag:$0x3] =	sbarrier.arrive $0xFFFF  }
0x56: {  	_ =	shalt  }

</sc_bundles>
